<compile_context>
chip_gen: v7x
topology: tpu7x:2x2x1
jax: 0.10.2.dev20260603
libtpu: 0.0.44.dev20260713+nightly
codegen_flags: <defaults>
</compile_context>

<pallas_src>
import functools

import jax
import jax.numpy as jnp
from jax import lax
from jax.experimental import pallas as pl
from jax.experimental.pallas import tpu as pltpu
from jax.experimental.pallas import tpu_sc as plsc

D = 100
DP = 128
NBUF = 4

_info = plsc.get_sparse_core_info()
_NC, _NS = _info.num_cores, _info.num_subcores
NW = _NC * _NS


def _emb_call(b, s):
    bpw = b // NW
    bph = bpw // 2
    n_groups = bph // NBUF
    assert bpw % 2 == 0 and bph % NBUF == 0 and n_groups >= 2 and s > 128
    n_total = b * s
    mesh = plsc.VectorSubcoreMesh(core_axis_name="c", subcore_axis_name="s")

    @functools.partial(
        pl.kernel,
        out_type=jax.ShapeDtypeStruct((n_total, DP), jnp.float32),
        mesh=mesh,
        scratch_types=[
            pltpu.VMEM((bph, 128), jnp.int32),
            pltpu.VMEM((bph, 128), jnp.int32),
            pltpu.VMEM((NBUF, s, DP), jnp.float32),
        ] + [pltpu.SemaphoreType.DMA] * (3 * NBUF),
        compiler_params=pltpu.CompilerParams(
            use_tc_tiling_on_sc=True, needs_layout_passes=False),
    )
    def emb(xa_hbm, xb_hbm, table_hbm, out_hbm, xa_v, xb_v, rows_v, *sems):
        wid = lax.axis_index("s") * _NC + lax.axis_index("c")
        b0 = wid * bpw
        ga = sems[:NBUF]
        gb = sems[NBUF:2 * NBUF]
        os_ = sems[2 * NBUF:]

        def gather_a(r, slot):
            return pltpu.make_async_copy(
                table_hbm.at[xa_v.at[r]],
                rows_v.at[slot].at[pl.ds(0, 128)], ga[slot])

        def gather_b(r, slot):
            return pltpu.make_async_copy(
                table_hbm.at[xb_v.at[r, pl.ds(0, s - 128)]],
                rows_v.at[slot].at[pl.ds(128, s - 128)], gb[slot])

        for half in range(2):
            hb = half * bph

            def put(r, slot, hb=hb):
                return pltpu.make_async_copy(
                    rows_v.at[slot],
                    out_hbm.at[pl.ds((b0 + hb + r) * s, s)], os_[slot])

            pltpu.sync_copy(xa_hbm.at[pl.ds(b0 + hb, bph)], xa_v)
            pltpu.sync_copy(xb_hbm.at[pl.ds(b0 + hb, bph)], xb_v)

            for slot in range(NBUF):
                gather_a(slot, slot).start()
                gather_b(slot, slot).start()

            def body(i, carry, put=put):
                r0 = i * NBUF
                for slot in range(NBUF):
                    gather_a(r0 + slot, slot).wait()
                    gather_b(r0 + slot, slot).wait()
                    put(r0 + slot, slot).start()
                for slot in range(NBUF):
                    put(r0 + slot, slot).wait()
                    gather_a(r0 + NBUF + slot, slot).start()
                    gather_b(r0 + NBUF + slot, slot).start()
                return carry

            lax.fori_loop(0, n_groups - 1, body, 0)

            rlast = bph - NBUF
            for slot in range(NBUF):
                gather_a(rlast + slot, slot).wait()
                gather_b(rlast + slot, slot).wait()
                put(rlast + slot, slot).start()
            for slot in range(NBUF):
                put(rlast + slot, slot).wait()

    return emb


def kernel(x, table):
    b, s = x.shape
    xa = lax.slice(x, (0, 0), (b, 128))
    xb = jnp.pad(lax.slice(x, (0, 128), (b, s)), ((0, 0), (0, 256 - s)))
    table_p = jnp.pad(table, ((0, 0), (0, DP - D)))
    out = _emb_call(b, s)(xa, xb, table_p)
    return out[:, :D].reshape(b, s, D)

# --- scband reference (transcript-rebuilt; emitter-appended) ---
"""Pipeline reference for scband-word-embedding-3762391352109 (READ-ONLY COPY).

The authoritative reference and input builder live on the scoring server;
editing this copy changes nothing except your own understanding.
"""

import jax, jax.numpy as jnp
import numpy as np

VOCAB = 400000
EMBED_DIM = 100
BATCH = 4096
SEQ = 200

def setup_inputs(seed: int = 0) -> dict:
    key = jax.random.key(seed)
    k1, k2 = jax.random.split(key)
    x = jax.random.randint(k1, (BATCH, SEQ), 0, VOCAB, dtype=jnp.int64 if jax.config.jax_enable_x64 else jnp.int32)
    # Pretrained (frozen) GloVe-style embedding table, materialized as a random param
    table = jax.random.normal(k2, (VOCAB, EMBED_DIM), dtype=jnp.float32)
    return {"x": x, "table": table}

def reference(x, table):
    # nn.Embedding lookup: out[b, s, :] = table[x[b, s], :]
    return jnp.take(table, x, axis=0)

if __name__ == "__main__":
    import jax
    _d = setup_inputs()
    print(jax.jit(kernel)(*tuple(_d.values())))

</pallas_src>

<mosaic_0001>
#map = affine_map<(d0, d1) -> (0, 0)>
module attributes {stable_mosaic.version = 14 : i64} {
  func.func @emb(%arg0: i32, %arg1: i32, %arg2: memref<4096x128xi32, #tpu.memory_space<hbm>>, %arg3: memref<4096x128xi32, #tpu.memory_space<hbm>>, %arg4: memref<400000x128xf32, #tpu.memory_space<hbm>>, %arg5: memref<819200x128xf32, #tpu.memory_space<hbm>>, %arg6: memref<64x128xi32, #tpu.memory_space<vmem>>, %arg7: memref<64x128xi32, #tpu.memory_space<vmem>>, %arg8: memref<4x200x128xf32, #tpu.memory_space<vmem>>, %arg9: memref<!tpu.dma_semaphore, #tpu.memory_space<semaphore_mem>>, %arg10: memref<!tpu.dma_semaphore, #tpu.memory_space<semaphore_mem>>, %arg11: memref<!tpu.dma_semaphore, #tpu.memory_space<semaphore_mem>>, %arg12: memref<!tpu.dma_semaphore, #tpu.memory_space<semaphore_mem>>, %arg13: memref<!tpu.dma_semaphore, #tpu.memory_space<semaphore_mem>>, %arg14: memref<!tpu.dma_semaphore, #tpu.memory_space<semaphore_mem>>, %arg15: memref<!tpu.dma_semaphore, #tpu.memory_space<semaphore_mem>>, %arg16: memref<!tpu.dma_semaphore, #tpu.memory_space<semaphore_mem>>, %arg17: memref<!tpu.dma_semaphore, #tpu.memory_space<semaphore_mem>>, %arg18: memref<!tpu.dma_semaphore, #tpu.memory_space<semaphore_mem>>, %arg19: memref<!tpu.dma_semaphore, #tpu.memory_space<semaphore_mem>>, %arg20: memref<!tpu.dma_semaphore, #tpu.memory_space<semaphore_mem>>) attributes {dimension_semantics = [#tpu.dimension_semantics<core_parallel>, #tpu.dimension_semantics<subcore_parallel>], iteration_bounds = array<i64: 2, 16>, scalar_prefetch = 0 : i64, scratch_operands = 15 : i64, tpu.core_type = #tpu.core_type<sc_vector_subcore>, window_params = [{transform_indices = #map}, {transform_indices = #map}, {transform_indices = #map}, {transform_indices = #map}]} {
    %mul3A = arith.constant 2 : i32
    %mul3A_0 = arith.muli %arg1, %mul3A : i32
    %add3A = arith.addi %mul3A_0, %arg0 : i32
    %mul3A_1 = arith.constant 128 : i32
    %mul3A_2 = arith.muli %add3A, %mul3A_1 : i32
    %add3A_3 = arith.constant 0 : i32
    %add3A_4 = arith.addi %mul3A_2, %add3A_3 : i32
    "tpu.region"() ({
      %run_scoped3A = tpu.sem_alloc : memref<!tpu.dma_semaphore, #tpu.memory_space<semaphore_mem>>
      %dma_start3A_804 = arith.constant 0 : i32
      %dma_start3A_805 = tpu.memref_slice %arg2[%add3A_4, %dma_start3A_804] : memref<4096x128xi32, #tpu.memory_space<hbm>> -> memref<64x128xi32, #tpu.memory_space<hbm>>
      %dma_start3A_806 = arith.constant 0 : i32
      %dma_start3A_807 = tpu.memref_slice %arg2[%add3A_4, %dma_start3A_806] : memref<4096x128xi32, #tpu.memory_space<hbm>> -> memref<64x128xi32, #tpu.memory_space<hbm>>
      tpu.enqueue_dma source(%dma_start3A_807 : memref<64x128xi32, #tpu.memory_space<hbm>>) target(%arg6 : memref<64x128xi32, #tpu.memory_space<vmem>>) target_semaphore(%run_scoped3A : memref<!tpu.dma_semaphore, #tpu.memory_space<semaphore_mem>>)
      %dma_wait3A_808 = arith.constant 0 : i32
      %dma_wait3A_809 = tpu.memref_slice %arg2[%add3A_4, %dma_wait3A_808] : memref<4096x128xi32, #tpu.memory_space<hbm>> -> memref<64x128xi32, #tpu.memory_space<hbm>>
      %dma_wait3A_810 = arith.constant 0 : i32
      %dma_wait3A_811 = tpu.memref_slice %arg2[%add3A_4, %dma_wait3A_810] : memref<4096x128xi32, #tpu.memory_space<hbm>> -> memref<64x128xi32, #tpu.memory_space<hbm>>
      tpu.wait_dma2 semaphore(%run_scoped3A : memref<!tpu.dma_semaphore, #tpu.memory_space<semaphore_mem>>) src(%dma_wait3A_811 : memref<64x128xi32, #tpu.memory_space<hbm>>) dst(%arg6 : memref<64x128xi32, #tpu.memory_space<vmem>>)
      tpu.yield
    }) : () -> ()
    %add3A_5 = arith.constant 0 : i32
    %add3A_6 = arith.addi %mul3A_2, %add3A_5 : i32
    "tpu.region"() ({
      %run_scoped3A = tpu.sem_alloc : memref<!tpu.dma_semaphore, #tpu.memory_space<semaphore_mem>>
      %dma_start3A_804 = arith.constant 0 : i32
      %dma_start3A_805 = tpu.memref_slice %arg3[%add3A_6, %dma_start3A_804] : memref<4096x128xi32, #tpu.memory_space<hbm>> -> memref<64x128xi32, #tpu.memory_space<hbm>>
      %dma_start3A_806 = arith.constant 0 : i32
      %dma_start3A_807 = tpu.memref_slice %arg3[%add3A_6, %dma_start3A_806] : memref<4096x128xi32, #tpu.memory_space<hbm>> -> memref<64x128xi32, #tpu.memory_space<hbm>>
      tpu.enqueue_dma source(%dma_start3A_807 : memref<64x128xi32, #tpu.memory_space<hbm>>) target(%arg7 : memref<64x128xi32, #tpu.memory_space<vmem>>) target_semaphore(%run_scoped3A : memref<!tpu.dma_semaphore, #tpu.memory_space<semaphore_mem>>)
      %dma_wait3A_808 = arith.constant 0 : i32
      %dma_wait3A_809 = tpu.memref_slice %arg3[%add3A_6, %dma_wait3A_808] : memref<4096x128xi32, #tpu.memory_space<hbm>> -> memref<64x128xi32, #tpu.memory_space<hbm>>
      %dma_wait3A_810 = arith.constant 0 : i32
      %dma_wait3A_811 = tpu.memref_slice %arg3[%add3A_6, %dma_wait3A_810] : memref<4096x128xi32, #tpu.memory_space<hbm>> -> memref<64x128xi32, #tpu.memory_space<hbm>>
      tpu.wait_dma2 semaphore(%run_scoped3A : memref<!tpu.dma_semaphore, #tpu.memory_space<semaphore_mem>>) src(%dma_wait3A_811 : memref<64x128xi32, #tpu.memory_space<hbm>>) dst(%arg7 : memref<64x128xi32, #tpu.memory_space<vmem>>)
      tpu.yield
    }) : () -> ()
    %dma_start3A = arith.constant 0 : i32
    %dma_start3A_7 = arith.constant 0 : i32
    %dma_start3A_8 = arith.constant 0 : i32
    %dma_start3A_9 = arith.constant 0 : i32
    %dma_start3A_10 = tpu.memref_slice %arg8[%dma_start3A_7, %dma_start3A_8, %dma_start3A_9] : memref<4x200x128xf32, #tpu.memory_space<vmem>> -> memref<1x200x128xf32, #tpu.memory_space<vmem>>
    %dma_start3A_11 = tpu.memref_squeeze %dma_start3A_10 : memref<1x200x128xf32, #tpu.memory_space<vmem>> -> memref<200x128xf32, #tpu.memory_space<vmem>>
    %dma_start3A_12 = arith.constant 0 : i32
    %dma_start3A_13 = arith.constant 0 : i32
    %dma_start3A_14 = tpu.memref_slice %dma_start3A_11[%dma_start3A_12, %dma_start3A_13] : memref<200x128xf32, #tpu.memory_space<vmem>> -> memref<128x128xf32, #tpu.memory_space<vmem>>
    %dma_start3A_15 = arith.constant 0 : i32
    %dma_start3A_16 = tpu.memref_slice %arg6[%dma_start3A, %dma_start3A_15] : memref<64x128xi32, #tpu.memory_space<vmem>> -> memref<1x128xi32, #tpu.memory_space<vmem>>
    %dma_start3A_17 = tpu.memref_squeeze %dma_start3A_16 : memref<1x128xi32, #tpu.memory_space<vmem>> -> memref<128xi32, #tpu.memory_space<vmem>>
    %dma_start3A_18 = arith.constant 0 : i32
    %dma_start3A_19 = arith.constant 0 : i32
    %dma_start3A_20 = tpu.memref_slice %arg4[%dma_start3A_18, %dma_start3A_19] : memref<400000x128xf32, #tpu.memory_space<hbm>> -> memref<400000x128xf32, #tpu.memory_space<hbm>>
    tpu.enqueue_indirect_dma source(%dma_start3A_20 : memref<400000x128xf32, #tpu.memory_space<hbm>>) target(%dma_start3A_14 : memref<128x128xf32, #tpu.memory_space<vmem>>) offsets(%dma_start3A_17 : memref<128xi32, #tpu.memory_space<vmem>>) semaphore(%arg9 : memref<!tpu.dma_semaphore, #tpu.memory_space<semaphore_mem>>)
    %dma_start3A_21 = arith.constant 0 : i32
    %dma_start3A_22 = arith.constant 0 : i32
    %dma_start3A_23 = arith.constant 0 : i32
    %dma_start3A_24 = arith.constant 0 : i32
    %dma_start3A_25 = tpu.memref_slice %arg8[%dma_start3A_22, %dma_start3A_23, %dma_start3A_24] : memref<4x200x128xf32, #tpu.memory_space<vmem>> -> memref<1x200x128xf32, #tpu.memory_space<vmem>>
    %dma_start3A_26 = tpu.memref_squeeze %dma_start3A_25 : memref<1x200x128xf32, #tpu.memory_space<vmem>> -> memref<200x128xf32, #tpu.memory_space<vmem>>
    %dma_start3A_27 = arith.constant 128 : i32
    %dma_start3A_28 = arith.constant 0 : i32
    %dma_start3A_29 = tpu.memref_slice %dma_start3A_26[%dma_start3A_27, %dma_start3A_28] : memref<200x128xf32, #tpu.memory_space<vmem>> -> memref<72x128xf32, #tpu.memory_space<vmem>>
    %dma_start3A_30 = arith.constant 0 : i32
    %dma_start3A_31 = tpu.memref_slice %arg7[%dma_start3A_21, %dma_start3A_30] : memref<64x128xi32, #tpu.memory_space<vmem>> -> memref<1x72xi32, #tpu.memory_space<vmem>>
    %dma_start3A_32 = tpu.memref_squeeze %dma_start3A_31 : memref<1x72xi32, #tpu.memory_space<vmem>> -> memref<72xi32, #tpu.memory_space<vmem>>
    %dma_start3A_33 = arith.constant 0 : i32
    %dma_start3A_34 = arith.constant 0 : i32
    %dma_start3A_35 = tpu.memref_slice %arg4[%dma_start3A_33, %dma_start3A_34] : memref<400000x128xf32, #tpu.memory_space<hbm>> -> memref<400000x128xf32, #tpu.memory_space<hbm>>
    tpu.enqueue_indirect_dma source(%dma_start3A_35 : memref<400000x128xf32, #tpu.memory_space<hbm>>) target(%dma_start3A_29 : memref<72x128xf32, #tpu.memory_space<vmem>>) offsets(%dma_start3A_32 : memref<72xi32, #tpu.memory_space<vmem>>) semaphore(%arg13 : memref<!tpu.dma_semaphore, #tpu.memory_space<semaphore_mem>>)
    %dma_start3A_36 = arith.constant 1 : i32
    %dma_start3A_37 = arith.constant 1 : i32
    %dma_start3A_38 = arith.constant 0 : i32
    %dma_start3A_39 = arith.constant 0 : i32
    %dma_start3A_40 = tpu.memref_slice %arg8[%dma_start3A_37, %dma_start3A_38, %dma_start3A_39] : memref<4x200x128xf32, #tpu.memory_space<vmem>> -> memref<1x200x128xf32, #tpu.memory_space<vmem>>
    %dma_start3A_41 = tpu.memref_squeeze %dma_start3A_40 : memref<1x200x128xf32, #tpu.memory_space<vmem>> -> memref<200x128xf32, #tpu.memory_space<vmem>>
    %dma_start3A_42 = arith.constant 0 : i32
    %dma_start3A_43 = arith.constant 0 : i32
    %dma_start3A_44 = tpu.memref_slice %dma_start3A_41[%dma_start3A_42, %dma_start3A_43] : memref<200x128xf32, #tpu.memory_space<vmem>> -> memref<128x128xf32, #tpu.memory_space<vmem>>
    %dma_start3A_45 = arith.constant 0 : i32
    %dma_start3A_46 = tpu.memref_slice %arg6[%dma_start3A_36, %dma_start3A_45] : memref<64x128xi32, #tpu.memory_space<vmem>> -> memref<1x128xi32, #tpu.memory_space<vmem>>
    %dma_start3A_47 = tpu.memref_squeeze %dma_start3A_46 : memref<1x128xi32, #tpu.memory_space<vmem>> -> memref<128xi32, #tpu.memory_space<vmem>>
    %dma_start3A_48 = arith.constant 0 : i32
    %dma_start3A_49 = arith.constant 0 : i32
    %dma_start3A_50 = tpu.memref_slice %arg4[%dma_start3A_48, %dma_start3A_49] : memref<400000x128xf32, #tpu.memory_space<hbm>> -> memref<400000x128xf32, #tpu.memory_space<hbm>>
    tpu.enqueue_indirect_dma source(%dma_start3A_50 : memref<400000x128xf32, #tpu.memory_space<hbm>>) target(%dma_start3A_44 : memref<128x128xf32, #tpu.memory_space<vmem>>) offsets(%dma_start3A_47 : memref<128xi32, #tpu.memory_space<vmem>>) semaphore(%arg10 : memref<!tpu.dma_semaphore, #tpu.memory_space<semaphore_mem>>)
    %dma_start3A_51 = arith.constant 1 : i32
    %dma_start3A_52 = arith.constant 1 : i32
    %dma_start3A_53 = arith.constant 0 : i32
    %dma_start3A_54 = arith.constant 0 : i32
    %dma_start3A_55 = tpu.memref_slice %arg8[%dma_start3A_52, %dma_start3A_53, %dma_start3A_54] : memref<4x200x128xf32, #tpu.memory_space<vmem>> -> memref<1x200x128xf32, #tpu.memory_space<vmem>>
    %dma_start3A_56 = tpu.memref_squeeze %dma_start3A_55 : memref<1x200x128xf32, #tpu.memory_space<vmem>> -> memref<200x128xf32, #tpu.memory_space<vmem>>
    %dma_start3A_57 = arith.constant 128 : i32
    %dma_start3A_58 = arith.constant 0 : i32
    %dma_start3A_59 = tpu.memref_slice %dma_start3A_56[%dma_start3A_57, %dma_start3A_58] : memref<200x128xf32, #tpu.memory_space<vmem>> -> memref<72x128xf32, #tpu.memory_space<vmem>>
    %dma_start3A_60 = arith.constant 0 : i32
    %dma_start3A_61 = tpu.memref_slice %arg7[%dma_start3A_51, %dma_start3A_60] : memref<64x128xi32, #tpu.memory_space<vmem>> -> memref<1x72xi32, #tpu.memory_space<vmem>>
    %dma_start3A_62 = tpu.memref_squeeze %dma_start3A_61 : memref<1x72xi32, #tpu.memory_space<vmem>> -> memref<72xi32, #tpu.memory_space<vmem>>
    %dma_start3A_63 = arith.constant 0 : i32
    %dma_start3A_64 = arith.constant 0 : i32
    %dma_start3A_65 = tpu.memref_slice %arg4[%dma_start3A_63, %dma_start3A_64] : memref<400000x128xf32, #tpu.memory_space<hbm>> -> memref<400000x128xf32, #tpu.memory_space<hbm>>
    tpu.enqueue_indirect_dma source(%dma_start3A_65 : memref<400000x128xf32, #tpu.memory_space<hbm>>) target(%dma_start3A_59 : memref<72x128xf32, #tpu.memory_space<vmem>>) offsets(%dma_start3A_62 : memref<72xi32, #tpu.memory_space<vmem>>) semaphore(%arg14 : memref<!tpu.dma_semaphore, #tpu.memory_space<semaphore_mem>>)
    %dma_start3A_66 = arith.constant 2 : i32
    %dma_start3A_67 = arith.constant 2 : i32
    %dma_start3A_68 = arith.constant 0 : i32
    %dma_start3A_69 = arith.constant 0 : i32
    %dma_start3A_70 = tpu.memref_slice %arg8[%dma_start3A_67, %dma_start3A_68, %dma_start3A_69] : memref<4x200x128xf32, #tpu.memory_space<vmem>> -> memref<1x200x128xf32, #tpu.memory_space<vmem>>
    %dma_start3A_71 = tpu.memref_squeeze %dma_start3A_70 : memref<1x200x128xf32, #tpu.memory_space<vmem>> -> memref<200x128xf32, #tpu.memory_space<vmem>>
    %dma_start3A_72 = arith.constant 0 : i32
    %dma_start3A_73 = arith.constant 0 : i32
    %dma_start3A_74 = tpu.memref_slice %dma_start3A_71[%dma_start3A_72, %dma_start3A_73] : memref<200x128xf32, #tpu.memory_space<vmem>> -> memref<128x128xf32, #tpu.memory_space<vmem>>
    %dma_start3A_75 = arith.constant 0 : i32
    %dma_start3A_76 = tpu.memref_slice %arg6[%dma_start3A_66, %dma_start3A_75] : memref<64x128xi32, #tpu.memory_space<vmem>> -> memref<1x128xi32, #tpu.memory_space<vmem>>
    %dma_start3A_77 = tpu.memref_squeeze %dma_start3A_76 : memref<1x128xi32, #tpu.memory_space<vmem>> -> memref<128xi32, #tpu.memory_space<vmem>>
    %dma_start3A_78 = arith.constant 0 : i32
    %dma_start3A_79 = arith.constant 0 : i32
    %dma_start3A_80 = tpu.memref_slice %arg4[%dma_start3A_78, %dma_start3A_79] : memref<400000x128xf32, #tpu.memory_space<hbm>> -> memref<400000x128xf32, #tpu.memory_space<hbm>>
    tpu.enqueue_indirect_dma source(%dma_start3A_80 : memref<400000x128xf32, #tpu.memory_space<hbm>>) target(%dma_start3A_74 : memref<128x128xf32, #tpu.memory_space<vmem>>) offsets(%dma_start3A_77 : memref<128xi32, #tpu.memory_space<vmem>>) semaphore(%arg11 : memref<!tpu.dma_semaphore, #tpu.memory_space<semaphore_mem>>)
    %dma_start3A_81 = arith.constant 2 : i32
    %dma_start3A_82 = arith.constant 2 : i32
    %dma_start3A_83 = arith.constant 0 : i32
    %dma_start3A_84 = arith.constant 0 : i32
    %dma_start3A_85 = tpu.memref_slice %arg8[%dma_start3A_82, %dma_start3A_83, %dma_start3A_84] : memref<4x200x128xf32, #tpu.memory_space<vmem>> -> memref<1x200x128xf32, #tpu.memory_space<vmem>>
    %dma_start3A_86 = tpu.memref_squeeze %dma_start3A_85 : memref<1x200x128xf32, #tpu.memory_space<vmem>> -> memref<200x128xf32, #tpu.memory_space<vmem>>
    %dma_start3A_87 = arith.constant 128 : i32
    %dma_start3A_88 = arith.constant 0 : i32
    %dma_start3A_89 = tpu.memref_slice %dma_start3A_86[%dma_start3A_87, %dma_start3A_88] : memref<200x128xf32, #tpu.memory_space<vmem>> -> memref<72x128xf32, #tpu.memory_space<vmem>>
    %dma_start3A_90 = arith.constant 0 : i32
    %dma_start3A_91 = tpu.memref_slice %arg7[%dma_start3A_81, %dma_start3A_90] : memref<64x128xi32, #tpu.memory_space<vmem>> -> memref<1x72xi32, #tpu.memory_space<vmem>>
    %dma_start3A_92 = tpu.memref_squeeze %dma_start3A_91 : memref<1x72xi32, #tpu.memory_space<vmem>> -> memref<72xi32, #tpu.memory_space<vmem>>
    %dma_start3A_93 = arith.constant 0 : i32
    %dma_start3A_94 = arith.constant 0 : i32
    %dma_start3A_95 = tpu.memref_slice %arg4[%dma_start3A_93, %dma_start3A_94] : memref<400000x128xf32, #tpu.memory_space<hbm>> -> memref<400000x128xf32, #tpu.memory_space<hbm>>
    tpu.enqueue_indirect_dma source(%dma_start3A_95 : memref<400000x128xf32, #tpu.memory_space<hbm>>) target(%dma_start3A_89 : memref<72x128xf32, #tpu.memory_space<vmem>>) offsets(%dma_start3A_92 : memref<72xi32, #tpu.memory_space<vmem>>) semaphore(%arg15 : memref<!tpu.dma_semaphore, #tpu.memory_space<semaphore_mem>>)
    %dma_start3A_96 = arith.constant 3 : i32
    %dma_start3A_97 = arith.constant 3 : i32
    %dma_start3A_98 = arith.constant 0 : i32
    %dma_start3A_99 = arith.constant 0 : i32
    %dma_start3A_100 = tpu.memref_slice %arg8[%dma_start3A_97, %dma_start3A_98, %dma_start3A_99] : memref<4x200x128xf32, #tpu.memory_space<vmem>> -> memref<1x200x128xf32, #tpu.memory_space<vmem>>
    %dma_start3A_101 = tpu.memref_squeeze %dma_start3A_100 : memref<1x200x128xf32, #tpu.memory_space<vmem>> -> memref<200x128xf32, #tpu.memory_space<vmem>>
    %dma_start3A_102 = arith.constant 0 : i32
    %dma_start3A_103 = arith.constant 0 : i32
    %dma_start3A_104 = tpu.memref_slice %dma_start3A_101[%dma_start3A_102, %dma_start3A_103] : memref<200x128xf32, #tpu.memory_space<vmem>> -> memref<128x128xf32, #tpu.memory_space<vmem>>
    %dma_start3A_105 = arith.constant 0 : i32
    %dma_start3A_106 = tpu.memref_slice %arg6[%dma_start3A_96, %dma_start3A_105] : memref<64x128xi32, #tpu.memory_space<vmem>> -> memref<1x128xi32, #tpu.memory_space<vmem>>
    %dma_start3A_107 = tpu.memref_squeeze %dma_start3A_106 : memref<1x128xi32, #tpu.memory_space<vmem>> -> memref<128xi32, #tpu.memory_space<vmem>>
    %dma_start3A_108 = arith.constant 0 : i32
    %dma_start3A_109 = arith.constant 0 : i32
    %dma_start3A_110 = tpu.memref_slice %arg4[%dma_start3A_108, %dma_start3A_109] : memref<400000x128xf32, #tpu.memory_space<hbm>> -> memref<400000x128xf32, #tpu.memory_space<hbm>>
    tpu.enqueue_indirect_dma source(%dma_start3A_110 : memref<400000x128xf32, #tpu.memory_space<hbm>>) target(%dma_start3A_104 : memref<128x128xf32, #tpu.memory_space<vmem>>) offsets(%dma_start3A_107 : memref<128xi32, #tpu.memory_space<vmem>>) semaphore(%arg12 : memref<!tpu.dma_semaphore, #tpu.memory_space<semaphore_mem>>)
    %dma_start3A_111 = arith.constant 3 : i32
    %dma_start3A_112 = arith.constant 3 : i32
    %dma_start3A_113 = arith.constant 0 : i32
    %dma_start3A_114 = arith.constant 0 : i32
    %dma_start3A_115 = tpu.memref_slice %arg8[%dma_start3A_112, %dma_start3A_113, %dma_start3A_114] : memref<4x200x128xf32, #tpu.memory_space<vmem>> -> memref<1x200x128xf32, #tpu.memory_space<vmem>>
    %dma_start3A_116 = tpu.memref_squeeze %dma_start3A_115 : memref<1x200x128xf32, #tpu.memory_space<vmem>> -> memref<200x128xf32, #tpu.memory_space<vmem>>
    %dma_start3A_117 = arith.constant 128 : i32
    %dma_start3A_118 = arith.constant 0 : i32
    %dma_start3A_119 = tpu.memref_slice %dma_start3A_116[%dma_start3A_117, %dma_start3A_118] : memref<200x128xf32, #tpu.memory_space<vmem>> -> memref<72x128xf32, #tpu.memory_space<vmem>>
    %dma_start3A_120 = arith.constant 0 : i32
    %dma_start3A_121 = tpu.memref_slice %arg7[%dma_start3A_111, %dma_start3A_120] : memref<64x128xi32, #tpu.memory_space<vmem>> -> memref<1x72xi32, #tpu.memory_space<vmem>>
    %dma_start3A_122 = tpu.memref_squeeze %dma_start3A_121 : memref<1x72xi32, #tpu.memory_space<vmem>> -> memref<72xi32, #tpu.memory_space<vmem>>
    %dma_start3A_123 = arith.constant 0 : i32
    %dma_start3A_124 = arith.constant 0 : i32
    %dma_start3A_125 = tpu.memref_slice %arg4[%dma_start3A_123, %dma_start3A_124] : memref<400000x128xf32, #tpu.memory_space<hbm>> -> memref<400000x128xf32, #tpu.memory_space<hbm>>
    tpu.enqueue_indirect_dma source(%dma_start3A_125 : memref<400000x128xf32, #tpu.memory_space<hbm>>) target(%dma_start3A_119 : memref<72x128xf32, #tpu.memory_space<vmem>>) offsets(%dma_start3A_122 : memref<72xi32, #tpu.memory_space<vmem>>) semaphore(%arg16 : memref<!tpu.dma_semaphore, #tpu.memory_space<semaphore_mem>>)
    %scan3A = arith.constant 0 : i32
    %scan3A_126 = arith.constant 0 : i32
    %scan3A_127 = arith.constant 15 : i32
    %scan3A_128 = arith.addi %scan3A_126, %scan3A_127 : i32
    %scan3A_129 = arith.constant 1 : i32
    scf.for %scan3A_804 = %scan3A_126 to %scan3A_128 step %scan3A_129  : i32 {
      %mul3A_805 = arith.constant 4 : i32
      %mul3A_806 = arith.muli %scan3A_804, %mul3A_805 : i32
      %add3A_807 = arith.constant 0 : i32
      %add3A_808 = arith.addi %mul3A_806, %add3A_807 : i32
      %dma_wait3A_809 = arith.constant 0 : i32
      %dma_wait3A_810 = arith.constant 0 : i32
      %dma_wait3A_811 = arith.constant 0 : i32
      %dma_wait3A_812 = tpu.memref_slice %arg8[%dma_wait3A_809, %dma_wait3A_810, %dma_wait3A_811] : memref<4x200x128xf32, #tpu.memory_space<vmem>> -> memref<1x200x128xf32, #tpu.memory_space<vmem>>
      %dma_wait3A_813 = tpu.memref_squeeze %dma_wait3A_812 : memref<1x200x128xf32, #tpu.memory_space<vmem>> -> memref<200x128xf32, #tpu.memory_space<vmem>>
      %dma_wait3A_814 = arith.constant 0 : i32
      %dma_wait3A_815 = arith.constant 0 : i32
      %dma_wait3A_816 = tpu.memref_slice %dma_wait3A_813[%dma_wait3A_814, %dma_wait3A_815] : memref<200x128xf32, #tpu.memory_space<vmem>> -> memref<128x128xf32, #tpu.memory_space<vmem>>
      %dma_wait3A_817 = arith.constant 0 : i32
      %dma_wait3A_818 = tpu.memref_slice %arg6[%add3A_808, %dma_wait3A_817] : memref<64x128xi32, #tpu.memory_space<vmem>> -> memref<1x128xi32, #tpu.memory_space<vmem>>
      %dma_wait3A_819 = tpu.memref_squeeze %dma_wait3A_818 : memref<1x128xi32, #tpu.memory_space<vmem>> -> memref<128xi32, #tpu.memory_space<vmem>>
      %dma_wait3A_820 = arith.constant 0 : i32
      %dma_wait3A_821 = arith.constant 0 : i32
      %dma_wait3A_822 = tpu.memref_slice %arg4[%dma_wait3A_820, %dma_wait3A_821] : memref<400000x128xf32, #tpu.memory_space<hbm>> -> memref<400000x128xf32, #tpu.memory_space<hbm>>
      tpu.wait_indirect_dma semaphore(%arg9 : memref<!tpu.dma_semaphore, #tpu.memory_space<semaphore_mem>>) src(%dma_wait3A_822 : memref<400000x128xf32, #tpu.memory_space<hbm>>) dst(%dma_wait3A_816 : memref<128x128xf32, #tpu.memory_space<vmem>>)
      %add3A_823 = arith.constant 0 : i32
      %add3A_824 = arith.addi %mul3A_806, %add3A_823 : i32
      %dma_wait3A_825 = arith.constant 0 : i32
      %dma_wait3A_826 = arith.constant 0 : i32
      %dma_wait3A_827 = arith.constant 0 : i32
      %dma_wait3A_828 = tpu.memref_slice %arg8[%dma_wait3A_825, %dma_wait3A_826, %dma_wait3A_827] : memref<4x200x128xf32, #tpu.memory_space<vmem>> -> memref<1x200x128xf32, #tpu.memory_space<vmem>>
      %dma_wait3A_829 = tpu.memref_squeeze %dma_wait3A_828 : memref<1x200x128xf32, #tpu.memory_space<vmem>> -> memref<200x128xf32, #tpu.memory_space<vmem>>
      %dma_wait3A_830 = arith.constant 128 : i32
      %dma_wait3A_831 = arith.constant 0 : i32
      %dma_wait3A_832 = tpu.memref_slice %dma_wait3A_829[%dma_wait3A_830, %dma_wait3A_831] : memref<200x128xf32, #tpu.memory_space<vmem>> -> memref<72x128xf32, #tpu.memory_space<vmem>>
      %dma_wait3A_833 = arith.constant 0 : i32
      %dma_wait3A_834 = tpu.memref_slice %arg7[%add3A_824, %dma_wait3A_833] : memref<64x128xi32, #tpu.memory_space<vmem>> -> memref<1x72xi32, #tpu.memory_space<vmem>>
      %dma_wait3A_835 = tpu.memref_squeeze %dma_wait3A_834 : memref<1x72xi32, #tpu.memory_space<vmem>> -> memref<72xi32, #tpu.memory_space<vmem>>
      %dma_wait3A_836 = arith.constant 0 : i32
      %dma_wait3A_837 = arith.constant 0 : i32
      %dma_wait3A_838 = tpu.memref_slice %arg4[%dma_wait3A_836, %dma_wait3A_837] : memref<400000x128xf32, #tpu.memory_space<hbm>> -> memref<400000x128xf32, #tpu.memory_space<hbm>>
      tpu.wait_indirect_dma semaphore(%arg13 : memref<!tpu.dma_semaphore, #tpu.memory_space<semaphore_mem>>) src(%dma_wait3A_838 : memref<400000x128xf32, #tpu.memory_space<hbm>>) dst(%dma_wait3A_832 : memref<72x128xf32, #tpu.memory_space<vmem>>)
      %add3A_839 = arith.constant 0 : i32
      %add3A_840 = arith.addi %mul3A_806, %add3A_839 : i32
      %add3A_841 = arith.constant 0 : i32
      %add3A_842 = arith.addi %mul3A_2, %add3A_841 : i32
      %add3A_843 = arith.addi %add3A_842, %add3A_840 : i32
      %mul3A_844 = arith.constant 200 : i32
      %mul3A_845 = arith.muli %add3A_843, %mul3A_844 : i32
      %dma_start3A_846 = arith.constant 0 : i32
      %dma_start3A_847 = arith.constant 0 : i32
      %dma_start3A_848 = arith.constant 0 : i32
      %dma_start3A_849 = tpu.memref_slice %arg8[%dma_start3A_846, %dma_start3A_847, %dma_start3A_848] : memref<4x200x128xf32, #tpu.memory_space<vmem>> -> memref<1x200x128xf32, #tpu.memory_space<vmem>>
      %dma_start3A_850 = tpu.memref_squeeze %dma_start3A_849 : memref<1x200x128xf32, #tpu.memory_space<vmem>> -> memref<200x128xf32, #tpu.memory_space<vmem>>
      %dma_start3A_851 = arith.constant 0 : i32
      %dma_start3A_852 = tpu.memref_slice %arg5[%mul3A_845, %dma_start3A_851] : memref<819200x128xf32, #tpu.memory_space<hbm>> -> memref<200x128xf32, #tpu.memory_space<hbm>>
      %dma_start3A_853 = arith.constant 0 : i32
      %dma_start3A_854 = tpu.memref_slice %arg5[%mul3A_845, %dma_start3A_853] : memref<819200x128xf32, #tpu.memory_space<hbm>> -> memref<200x128xf32, #tpu.memory_space<hbm>>
      %dma_start3A_855 = arith.constant 0 : i32
      %dma_start3A_856 = arith.constant 0 : i32
      %dma_start3A_857 = tpu.memref_slice %arg8[%dma_start3A_846, %dma_start3A_855, %dma_start3A_856] : memref<4x200x128xf32, #tpu.memory_space<vmem>> -> memref<1x200x128xf32, #tpu.memory_space<vmem>>
      %dma_start3A_858 = tpu.memref_squeeze %dma_start3A_857 : memref<1x200x128xf32, #tpu.memory_space<vmem>> -> memref<200x128xf32, #tpu.memory_space<vmem>>
      tpu.enqueue_dma source(%dma_start3A_858 : memref<200x128xf32, #tpu.memory_space<vmem>>) target(%dma_start3A_854 : memref<200x128xf32, #tpu.memory_space<hbm>>) target_semaphore(%arg17 : memref<!tpu.dma_semaphore, #tpu.memory_space<semaphore_mem>>)
      %add3A_859 = arith.constant 1 : i32
      %add3A_860 = arith.addi %mul3A_806, %add3A_859 : i32
      %dma_wait3A_861 = arith.constant 1 : i32
      %dma_wait3A_862 = arith.constant 0 : i32
      %dma_wait3A_863 = arith.constant 0 : i32
      %dma_wait3A_864 = tpu.memref_slice %arg8[%dma_wait3A_861, %dma_wait3A_862, %dma_wait3A_863] : memref<4x200x128xf32, #tpu.memory_space<vmem>> -> memref<1x200x128xf32, #tpu.memory_space<vmem>>
      %dma_wait3A_865 = tpu.memref_squeeze %dma_wait3A_864 : memref<1x200x128xf32, #tpu.memory_space<vmem>> -> memref<200x128xf32, #tpu.memory_space<vmem>>
      %dma_wait3A_866 = arith.constant 0 : i32
      %dma_wait3A_867 = arith.constant 0 : i32
      %dma_wait3A_868 = tpu.memref_slice %dma_wait3A_865[%dma_wait3A_866, %dma_wait3A_867] : memref<200x128xf32, #tpu.memory_space<vmem>> -> memref<128x128xf32, #tpu.memory_space<vmem>>
      %dma_wait3A_869 = arith.constant 0 : i32
      %dma_wait3A_870 = tpu.memref_slice %arg6[%add3A_860, %dma_wait3A_869] : memref<64x128xi32, #tpu.memory_space<vmem>> -> memref<1x128xi32, #tpu.memory_space<vmem>>
      %dma_wait3A_871 = tpu.memref_squeeze %dma_wait3A_870 : memref<1x128xi32, #tpu.memory_space<vmem>> -> memref<128xi32, #tpu.memory_space<vmem>>
      %dma_wait3A_872 = arith.constant 0 : i32
      %dma_wait3A_873 = arith.constant 0 : i32
      %dma_wait3A_874 = tpu.memref_slice %arg4[%dma_wait3A_872, %dma_wait3A_873] : memref<400000x128xf32, #tpu.memory_space<hbm>> -> memref<400000x128xf32, #tpu.memory_space<hbm>>
      tpu.wait_indirect_dma semaphore(%arg10 : memref<!tpu.dma_semaphore, #tpu.memory_space<semaphore_mem>>) src(%dma_wait3A_874 : memref<400000x128xf32, #tpu.memory_space<hbm>>) dst(%dma_wait3A_868 : memref<128x128xf32, #tpu.memory_space<vmem>>)
      %add3A_875 = arith.constant 1 : i32
      %add3A_876 = arith.addi %mul3A_806, %add3A_875 : i32
      %dma_wait3A_877 = arith.constant 1 : i32
      %dma_wait3A_878 = arith.constant 0 : i32
      %dma_wait3A_879 = arith.constant 0 : i32
      %dma_wait3A_880 = tpu.memref_slice %arg8[%dma_wait3A_877, %dma_wait3A_878, %dma_wait3A_879] : memref<4x200x128xf32, #tpu.memory_space<vmem>> -> memref<1x200x128xf32, #tpu.memory_space<vmem>>
      %dma_wait3A_881 = tpu.memref_squeeze %dma_wait3A_880 : memref<1x200x128xf32, #tpu.memory_space<vmem>> -> memref<200x128xf32, #tpu.memory_space<vmem>>
      %dma_wait3A_882 = arith.constant 128 : i32
      %dma_wait3A_883 = arith.constant 0 : i32
      %dma_wait3A_884 = tpu.memref_slice %dma_wait3A_881[%dma_wait3A_882, %dma_wait3A_883] : memref<200x128xf32, #tpu.memory_space<vmem>> -> memref<72x128xf32, #tpu.memory_space<vmem>>
      %dma_wait3A_885 = arith.constant 0 : i32
      %dma_wait3A_886 = tpu.memref_slice %arg7[%add3A_876, %dma_wait3A_885] : memref<64x128xi32, #tpu.memory_space<vmem>> -> memref<1x72xi32, #tpu.memory_space<vmem>>
      %dma_wait3A_887 = tpu.memref_squeeze %dma_wait3A_886 : memref<1x72xi32, #tpu.memory_space<vmem>> -> memref<72xi32, #tpu.memory_space<vmem>>
      %dma_wait3A_888 = arith.constant 0 : i32
      %dma_wait3A_889 = arith.constant 0 : i32
      %dma_wait3A_890 = tpu.memref_slice %arg4[%dma_wait3A_888, %dma_wait3A_889] : memref<400000x128xf32, #tpu.memory_space<hbm>> -> memref<400000x128xf32, #tpu.memory_space<hbm>>
      tpu.wait_indirect_dma semaphore(%arg14 : memref<!tpu.dma_semaphore, #tpu.memory_space<semaphore_mem>>) src(%dma_wait3A_890 : memref<400000x128xf32, #tpu.memory_space<hbm>>) dst(%dma_wait3A_884 : memref<72x128xf32, #tpu.memory_space<vmem>>)
      %add3A_891 = arith.constant 1 : i32
      %add3A_892 = arith.addi %mul3A_806, %add3A_891 : i32
      %add3A_893 = arith.constant 0 : i32
      %add3A_894 = arith.addi %mul3A_2, %add3A_893 : i32
      %add3A_895 = arith.addi %add3A_894, %add3A_892 : i32
      %mul3A_896 = arith.constant 200 : i32
      %mul3A_897 = arith.muli %add3A_895, %mul3A_896 : i32
      %dma_start3A_898 = arith.constant 1 : i32
      %dma_start3A_899 = arith.constant 0 : i32
      %dma_start3A_900 = arith.constant 0 : i32
      %dma_start3A_901 = tpu.memref_slice %arg8[%dma_start3A_898, %dma_start3A_899, %dma_start3A_900] : memref<4x200x128xf32, #tpu.memory_space<vmem>> -> memref<1x200x128xf32, #tpu.memory_space<vmem>>
      %dma_start3A_902 = tpu.memref_squeeze %dma_start3A_901 : memref<1x200x128xf32, #tpu.memory_space<vmem>> -> memref<200x128xf32, #tpu.memory_space<vmem>>
      %dma_start3A_903 = arith.constant 0 : i32
      %dma_start3A_904 = tpu.memref_slice %arg5[%mul3A_897, %dma_start3A_903] : memref<819200x128xf32, #tpu.memory_space<hbm>> -> memref<200x128xf32, #tpu.memory_space<hbm>>
      %dma_start3A_905 = arith.constant 0 : i32
      %dma_start3A_906 = tpu.memref_slice %arg5[%mul3A_897, %dma_start3A_905] : memref<819200x128xf32, #tpu.memory_space<hbm>> -> memref<200x128xf32, #tpu.memory_space<hbm>>
      %dma_start3A_907 = arith.constant 0 : i32
      %dma_start3A_908 = arith.constant 0 : i32
      %dma_start3A_909 = tpu.memref_slice %arg8[%dma_start3A_898, %dma_start3A_907, %dma_start3A_908] : memref<4x200x128xf32, #tpu.memory_space<vmem>> -> memref<1x200x128xf32, #tpu.memory_space<vmem>>
      %dma_start3A_910 = tpu.memref_squeeze %dma_start3A_909 : memref<1x200x128xf32, #tpu.memory_space<vmem>> -> memref<200x128xf32, #tpu.memory_space<vmem>>
      tpu.enqueue_dma source(%dma_start3A_910 : memref<200x128xf32, #tpu.memory_space<vmem>>) target(%dma_start3A_906 : memref<200x128xf32, #tpu.memory_space<hbm>>) target_semaphore(%arg18 : memref<!tpu.dma_semaphore, #tpu.memory_space<semaphore_mem>>)
      %add3A_911 = arith.constant 2 : i32
      %add3A_912 = arith.addi %mul3A_806, %add3A_911 : i32
      %dma_wait3A_913 = arith.constant 2 : i32
      %dma_wait3A_914 = arith.constant 0 : i32
      %dma_wait3A_915 = arith.constant 0 : i32
      %dma_wait3A_916 = tpu.memref_slice %arg8[%dma_wait3A_913, %dma_wait3A_914, %dma_wait3A_915] : memref<4x200x128xf32, #tpu.memory_space<vmem>> -> memref<1x200x128xf32, #tpu.memory_space<vmem>>
      %dma_wait3A_917 = tpu.memref_squeeze %dma_wait3A_916 : memref<1x200x128xf32, #tpu.memory_space<vmem>> -> memref<200x128xf32, #tpu.memory_space<vmem>>
      %dma_wait3A_918 = arith.constant 0 : i32
      %dma_wait3A_919 = arith.constant 0 : i32
      %dma_wait3A_920 = tpu.memref_slice %dma_wait3A_917[%dma_wait3A_918, %dma_wait3A_919] : memref<200x128xf32, #tpu.memory_space<vmem>> -> memref<128x128xf32, #tpu.memory_space<vmem>>
      %dma_wait3A_921 = arith.constant 0 : i32
      %dma_wait3A_922 = tpu.memref_slice %arg6[%add3A_912, %dma_wait3A_921] : memref<64x128xi32, #tpu.memory_space<vmem>> -> memref<1x128xi32, #tpu.memory_space<vmem>>
      %dma_wait3A_923 = tpu.memref_squeeze %dma_wait3A_922 : memref<1x128xi32, #tpu.memory_space<vmem>> -> memref<128xi32, #tpu.memory_space<vmem>>
      %dma_wait3A_924 = arith.constant 0 : i32
      %dma_wait3A_925 = arith.constant 0 : i32
      %dma_wait3A_926 = tpu.memref_slice %arg4[%dma_wait3A_924, %dma_wait3A_925] : memref<400000x128xf32, #tpu.memory_space<hbm>> -> memref<400000x128xf32, #tpu.memory_space<hbm>>
      tpu.wait_indirect_dma semaphore(%arg11 : memref<!tpu.dma_semaphore, #tpu.memory_space<semaphore_mem>>) src(%dma_wait3A_926 : memref<400000x128xf32, #tpu.memory_space<hbm>>) dst(%dma_wait3A_920 : memref<128x128xf32, #tpu.memory_space<vmem>>)
      %add3A_927 = arith.constant 2 : i32
      %add3A_928 = arith.addi %mul3A_806, %add3A_927 : i32
      %dma_wait3A_929 = arith.constant 2 : i32
      %dma_wait3A_930 = arith.constant 0 : i32
      %dma_wait3A_931 = arith.constant 0 : i32
      %dma_wait3A_932 = tpu.memref_slice %arg8[%dma_wait3A_929, %dma_wait3A_930, %dma_wait3A_931] : memref<4x200x128xf32, #tpu.memory_space<vmem>> -> memref<1x200x128xf32, #tpu.memory_space<vmem>>
      %dma_wait3A_933 = tpu.memref_squeeze %dma_wait3A_932 : memref<1x200x128xf32, #tpu.memory_space<vmem>> -> memref<200x128xf32, #tpu.memory_space<vmem>>
      %dma_wait3A_934 = arith.constant 128 : i32
      %dma_wait3A_935 = arith.constant 0 : i32
      %dma_wait3A_936 = tpu.memref_slice %dma_wait3A_933[%dma_wait3A_934, %dma_wait3A_935] : memref<200x128xf32, #tpu.memory_space<vmem>> -> memref<72x128xf32, #tpu.memory_space<vmem>>
      %dma_wait3A_937 = arith.constant 0 : i32
      %dma_wait3A_938 = tpu.memref_slice %arg7[%add3A_928, %dma_wait3A_937] : memref<64x128xi32, #tpu.memory_space<vmem>> -> memref<1x72xi32, #tpu.memory_space<vmem>>
      %dma_wait3A_939 = tpu.memref_squeeze %dma_wait3A_938 : memref<1x72xi32, #tpu.memory_space<vmem>> -> memref<72xi32, #tpu.memory_space<vmem>>
      %dma_wait3A_940 = arith.constant 0 : i32
      %dma_wait3A_941 = arith.constant 0 : i32
      %dma_wait3A_942 = tpu.memref_slice %arg4[%dma_wait3A_940, %dma_wait3A_941] : memref<400000x128xf32, #tpu.memory_space<hbm>> -> memref<400000x128xf32, #tpu.memory_space<hbm>>
      tpu.wait_indirect_dma semaphore(%arg15 : memref<!tpu.dma_semaphore, #tpu.memory_space<semaphore_mem>>) src(%dma_wait3A_942 : memref<400000x128xf32, #tpu.memory_space<hbm>>) dst(%dma_wait3A_936 : memref<72x128xf32, #tpu.memory_space<vmem>>)
      %add3A_943 = arith.constant 2 : i32
      %add3A_944 = arith.addi %mul3A_806, %add3A_943 : i32
      %add3A_945 = arith.constant 0 : i32
      %add3A_946 = arith.addi %mul3A_2, %add3A_945 : i32
      %add3A_947 = arith.addi %add3A_946, %add3A_944 : i32
      %mul3A_948 = arith.constant 200 : i32
      %mul3A_949 = arith.muli %add3A_947, %mul3A_948 : i32
      %dma_start3A_950 = arith.constant 2 : i32
      %dma_start3A_951 = arith.constant 0 : i32
      %dma_start3A_952 = arith.constant 0 : i32
      %dma_start3A_953 = tpu.memref_slice %arg8[%dma_start3A_950, %dma_start3A_951, %dma_start3A_952] : memref<4x200x128xf32, #tpu.memory_space<vmem>> -> memref<1x200x128xf32, #tpu.memory_space<vmem>>
      %dma_start3A_954 = tpu.memref_squeeze %dma_start3A_953 : memref<1x200x128xf32, #tpu.memory_space<vmem>> -> memref<200x128xf32, #tpu.memory_space<vmem>>
      %dma_start3A_955 = arith.constant 0 : i32
      %dma_start3A_956 = tpu.memref_slice %arg5[%mul3A_949, %dma_start3A_955] : memref<819200x128xf32, #tpu.memory_space<hbm>> -> memref<200x128xf32, #tpu.memory_space<hbm>>
      %dma_start3A_957 = arith.constant 0 : i32
      %dma_start3A_958 = tpu.memref_slice %arg5[%mul3A_949, %dma_start3A_957] : memref<819200x128xf32, #tpu.memory_space<hbm>> -> memref<200x128xf32, #tpu.memory_space<hbm>>
      %dma_start3A_959 = arith.constant 0 : i32
      %dma_start3A_960 = arith.constant 0 : i32
      %dma_start3A_961 = tpu.memref_slice %arg8[%dma_start3A_950, %dma_start3A_959, %dma_start3A_960] : memref<4x200x128xf32, #tpu.memory_space<vmem>> -> memref<1x200x128xf32, #tpu.memory_space<vmem>>
      %dma_start3A_962 = tpu.memref_squeeze %dma_start3A_961 : memref<1x200x128xf32, #tpu.memory_space<vmem>> -> memref<200x128xf32, #tpu.memory_space<vmem>>
      tpu.enqueue_dma source(%dma_start3A_962 : memref<200x128xf32, #tpu.memory_space<vmem>>) target(%dma_start3A_958 : memref<200x128xf32, #tpu.memory_space<hbm>>) target_semaphore(%arg19 : memref<!tpu.dma_semaphore, #tpu.memory_space<semaphore_mem>>)
      %add3A_963 = arith.constant 3 : i32
      %add3A_964 = arith.addi %mul3A_806, %add3A_963 : i32
      %dma_wait3A_965 = arith.constant 3 : i32
      %dma_wait3A_966 = arith.constant 0 : i32
      %dma_wait3A_967 = arith.constant 0 : i32
      %dma_wait3A_968 = tpu.memref_slice %arg8[%dma_wait3A_965, %dma_wait3A_966, %dma_wait3A_967] : memref<4x200x128xf32, #tpu.memory_space<vmem>> -> memref<1x200x128xf32, #tpu.memory_space<vmem>>
      %dma_wait3A_969 = tpu.memref_squeeze %dma_wait3A_968 : memref<1x200x128xf32, #tpu.memory_space<vmem>> -> memref<200x128xf32, #tpu.memory_space<vmem>>
      %dma_wait3A_970 = arith.constant 0 : i32
      %dma_wait3A_971 = arith.constant 0 : i32
      %dma_wait3A_972 = tpu.memref_slice %dma_wait3A_969[%dma_wait3A_970, %dma_wait3A_971] : memref<200x128xf32, #tpu.memory_space<vmem>> -> memref<128x128xf32, #tpu.memory_space<vmem>>
      %dma_wait3A_973 = arith.constant 0 : i32
      %dma_wait3A_974 = tpu.memref_slice %arg6[%add3A_964, %dma_wait3A_973] : memref<64x128xi32, #tpu.memory_space<vmem>> -> memref<1x128xi32, #tpu.memory_space<vmem>>
      %dma_wait3A_975 = tpu.memref_squeeze %dma_wait3A_974 : memref<1x128xi32, #tpu.memory_space<vmem>> -> memref<128xi32, #tpu.memory_space<vmem>>
      %dma_wait3A_976 = arith.constant 0 : i32
      %dma_wait3A_977 = arith.constant 0 : i32
      %dma_wait3A_978 = tpu.memref_slice %arg4[%dma_wait3A_976, %dma_wait3A_977] : memref<400000x128xf32, #tpu.memory_space<hbm>> -> memref<400000x128xf32, #tpu.memory_space<hbm>>
      tpu.wait_indirect_dma semaphore(%arg12 : memref<!tpu.dma_semaphore, #tpu.memory_space<semaphore_mem>>) src(%dma_wait3A_978 : memref<400000x128xf32, #tpu.memory_space<hbm>>) dst(%dma_wait3A_972 : memref<128x128xf32, #tpu.memory_space<vmem>>)
      %add3A_979 = arith.constant 3 : i32
      %add3A_980 = arith.addi %mul3A_806, %add3A_979 : i32
      %dma_wait3A_981 = arith.constant 3 : i32
      %dma_wait3A_982 = arith.constant 0 : i32
      %dma_wait3A_983 = arith.constant 0 : i32
      %dma_wait3A_984 = tpu.memref_slice %arg8[%dma_wait3A_981, %dma_wait3A_982, %dma_wait3A_983] : memref<4x200x128xf32, #tpu.memory_space<vmem>> -> memref<1x200x128xf32, #tpu.memory_space<vmem>>
      %dma_wait3A_985 = tpu.memref_squeeze %dma_wait3A_984 : memref<1x200x128xf32, #tpu.memory_space<vmem>> -> memref<200x128xf32, #tpu.memory_space<vmem>>
      %dma_wait3A_986 = arith.constant 128 : i32
      %dma_wait3A_987 = arith.constant 0 : i32
      %dma_wait3A_988 = tpu.memref_slice %dma_wait3A_985[%dma_wait3A_986, %dma_wait3A_987] : memref<200x128xf32, #tpu.memory_space<vmem>> -> memref<72x128xf32, #tpu.memory_space<vmem>>
      %dma_wait3A_989 = arith.constant 0 : i32
      %dma_wait3A_990 = tpu.memref_slice %arg7[%add3A_980, %dma_wait3A_989] : memref<64x128xi32, #tpu.memory_space<vmem>> -> memref<1x72xi32, #tpu.memory_space<vmem>>
      %dma_wait3A_991 = tpu.memref_squeeze %dma_wait3A_990 : memref<1x72xi32, #tpu.memory_space<vmem>> -> memref<72xi32, #tpu.memory_space<vmem>>
      %dma_wait3A_992 = arith.constant 0 : i32
      %dma_wait3A_993 = arith.constant 0 : i32
      %dma_wait3A_994 = tpu.memref_slice %arg4[%dma_wait3A_992, %dma_wait3A_993] : memref<400000x128xf32, #tpu.memory_space<hbm>> -> memref<400000x128xf32, #tpu.memory_space<hbm>>
      tpu.wait_indirect_dma semaphore(%arg16 : memref<!tpu.dma_semaphore, #tpu.memory_space<semaphore_mem>>) src(%dma_wait3A_994 : memref<400000x128xf32, #tpu.memory_space<hbm>>) dst(%dma_wait3A_988 : memref<72x128xf32, #tpu.memory_space<vmem>>)
      %add3A_995 = arith.constant 3 : i32
      %add3A_996 = arith.addi %mul3A_806, %add3A_995 : i32
      %add3A_997 = arith.constant 0 : i32
      %add3A_998 = arith.addi %mul3A_2, %add3A_997 : i32
      %add3A_999 = arith.addi %add3A_998, %add3A_996 : i32
      %mul3A_1000 = arith.constant 200 : i32
      %mul3A_1001 = arith.muli %add3A_999, %mul3A_1000 : i32
      %dma_start3A_1002 = arith.constant 3 : i32
      %dma_start3A_1003 = arith.constant 0 : i32
      %dma_start3A_1004 = arith.constant 0 : i32
      %dma_start3A_1005 = tpu.memref_slice %arg8[%dma_start3A_1002, %dma_start3A_1003, %dma_start3A_1004] : memref<4x200x128xf32, #tpu.memory_space<vmem>> -> memref<1x200x128xf32, #tpu.memory_space<vmem>>
      %dma_start3A_1006 = tpu.memref_squeeze %dma_start3A_1005 : memref<1x200x128xf32, #tpu.memory_space<vmem>> -> memref<200x128xf32, #tpu.memory_space<vmem>>
      %dma_start3A_1007 = arith.constant 0 : i32
      %dma_start3A_1008 = tpu.memref_slice %arg5[%mul3A_1001, %dma_start3A_1007] : memref<819200x128xf32, #tpu.memory_space<hbm>> -> memref<200x128xf32, #tpu.memory_space<hbm>>
      %dma_start3A_1009 = arith.constant 0 : i32
      %dma_start3A_1010 = tpu.memref_slice %arg5[%mul3A_1001, %dma_start3A_1009] : memref<819200x128xf32, #tpu.memory_space<hbm>> -> memref<200x128xf32, #tpu.memory_space<hbm>>
      %dma_start3A_1011 = arith.constant 0 : i32
      %dma_start3A_1012 = arith.constant 0 : i32
      %dma_start3A_1013 = tpu.memref_slice %arg8[%dma_start3A_1002, %dma_start3A_1011, %dma_start3A_1012] : memref<4x200x128xf32, #tpu.memory_space<vmem>> -> memref<1x200x128xf32, #tpu.memory_space<vmem>>
      %dma_start3A_1014 = tpu.memref_squeeze %dma_start3A_1013 : memref<1x200x128xf32, #tpu.memory_space<vmem>> -> memref<200x128xf32, #tpu.memory_space<vmem>>
      tpu.enqueue_dma source(%dma_start3A_1014 : memref<200x128xf32, #tpu.memory_space<vmem>>) target(%dma_start3A_1010 : memref<200x128xf32, #tpu.memory_space<hbm>>) target_semaphore(%arg20 : memref<!tpu.dma_semaphore, #tpu.memory_space<semaphore_mem>>)
      %add3A_1015 = arith.constant 0 : i32
      %add3A_1016 = arith.addi %mul3A_806, %add3A_1015 : i32
      %add3A_1017 = arith.constant 0 : i32
      %add3A_1018 = arith.addi %mul3A_2, %add3A_1017 : i32
      %add3A_1019 = arith.addi %add3A_1018, %add3A_1016 : i32
      %mul3A_1020 = arith.constant 200 : i32
      %mul3A_1021 = arith.muli %add3A_1019, %mul3A_1020 : i32
      %dma_wait3A_1022 = arith.constant 0 : i32
      %dma_wait3A_1023 = arith.constant 0 : i32
      %dma_wait3A_1024 = arith.constant 0 : i32
      %dma_wait3A_1025 = tpu.memref_slice %arg8[%dma_wait3A_1022, %dma_wait3A_1023, %dma_wait3A_1024] : memref<4x200x128xf32, #tpu.memory_space<vmem>> -> memref<1x200x128xf32, #tpu.memory_space<vmem>>
      %dma_wait3A_1026 = tpu.memref_squeeze %dma_wait3A_1025 : memref<1x200x128xf32, #tpu.memory_space<vmem>> -> memref<200x128xf32, #tpu.memory_space<vmem>>
      %dma_wait3A_1027 = arith.constant 0 : i32
      %dma_wait3A_1028 = tpu.memref_slice %arg5[%mul3A_1021, %dma_wait3A_1027] : memref<819200x128xf32, #tpu.memory_space<hbm>> -> memref<200x128xf32, #tpu.memory_space<hbm>>
      %dma_wait3A_1029 = arith.constant 0 : i32
      %dma_wait3A_1030 = tpu.memref_slice %arg5[%mul3A_1021, %dma_wait3A_1029] : memref<819200x128xf32, #tpu.memory_space<hbm>> -> memref<200x128xf32, #tpu.memory_space<hbm>>
      %dma_wait3A_1031 = arith.constant 0 : i32
      %dma_wait3A_1032 = arith.constant 0 : i32
      %dma_wait3A_1033 = tpu.memref_slice %arg8[%dma_wait3A_1022, %dma_wait3A_1031, %dma_wait3A_1032] : memref<4x200x128xf32, #tpu.memory_space<vmem>> -> memref<1x200x128xf32, #tpu.memory_space<vmem>>
      %dma_wait3A_1034 = tpu.memref_squeeze %dma_wait3A_1033 : memref<1x200x128xf32, #tpu.memory_space<vmem>> -> memref<200x128xf32, #tpu.memory_space<vmem>>
      tpu.wait_dma2 semaphore(%arg17 : memref<!tpu.dma_semaphore, #tpu.memory_space<semaphore_mem>>) src(%dma_wait3A_1034 : memref<200x128xf32, #tpu.memory_space<vmem>>) dst(%dma_wait3A_1030 : memref<200x128xf32, #tpu.memory_space<hbm>>)
      %add3A_1035 = arith.constant 4 : i32
      %add3A_1036 = arith.addi %mul3A_806, %add3A_1035 : i32
      %add3A_1037 = arith.constant 0 : i32
      %add3A_1038 = arith.addi %add3A_1036, %add3A_1037 : i32
      %dma_start3A_1039 = arith.constant 0 : i32
      %dma_start3A_1040 = arith.constant 0 : i32
      %dma_start3A_1041 = arith.constant 0 : i32
      %dma_start3A_1042 = tpu.memref_slice %arg8[%dma_start3A_1039, %dma_start3A_1040, %dma_start3A_1041] : memref<4x200x128xf32, #tpu.memory_space<vmem>> -> memref<1x200x128xf32, #tpu.memory_space<vmem>>
      %dma_start3A_1043 = tpu.memref_squeeze %dma_start3A_1042 : memref<1x200x128xf32, #tpu.memory_space<vmem>> -> memref<200x128xf32, #tpu.memory_space<vmem>>
      %dma_start3A_1044 = arith.constant 0 : i32
      %dma_start3A_1045 = arith.constant 0 : i32
      %dma_start3A_1046 = tpu.memref_slice %dma_start3A_1043[%dma_start3A_1044, %dma_start3A_1045] : memref<200x128xf32, #tpu.memory_space<vmem>> -> memref<128x128xf32, #tpu.memory_space<vmem>>
      %dma_start3A_1047 = arith.constant 0 : i32
      %dma_start3A_1048 = tpu.memref_slice %arg6[%add3A_1038, %dma_start3A_1047] : memref<64x128xi32, #tpu.memory_space<vmem>> -> memref<1x128xi32, #tpu.memory_space<vmem>>
      %dma_start3A_1049 = tpu.memref_squeeze %dma_start3A_1048 : memref<1x128xi32, #tpu.memory_space<vmem>> -> memref<128xi32, #tpu.memory_space<vmem>>
      %dma_start3A_1050 = arith.constant 0 : i32
      %dma_start3A_1051 = arith.constant 0 : i32
      %dma_start3A_1052 = tpu.memref_slice %arg4[%dma_start3A_1050, %dma_start3A_1051] : memref<400000x128xf32, #tpu.memory_space<hbm>> -> memref<400000x128xf32, #tpu.memory_space<hbm>>
      tpu.enqueue_indirect_dma source(%dma_start3A_1052 : memref<400000x128xf32, #tpu.memory_space<hbm>>) target(%dma_start3A_1046 : memref<128x128xf32, #tpu.memory_space<vmem>>) offsets(%dma_start3A_1049 : memref<128xi32, #tpu.memory_space<vmem>>) semaphore(%arg9 : memref<!tpu.dma_semaphore, #tpu.memory_space<semaphore_mem>>)
      %add3A_1053 = arith.constant 4 : i32
      %add3A_1054 = arith.addi %mul3A_806, %add3A_1053 : i32
      %add3A_1055 = arith.constant 0 : i32
      %add3A_1056 = arith.addi %add3A_1054, %add3A_1055 : i32
      %dma_start3A_1057 = arith.constant 0 : i32
      %dma_start3A_1058 = arith.constant 0 : i32
      %dma_start3A_1059 = arith.constant 0 : i32
      %dma_start3A_1060 = tpu.memref_slice %arg8[%dma_start3A_1057, %dma_start3A_1058, %dma_start3A_1059] : memref<4x200x128xf32, #tpu.memory_space<vmem>> -> memref<1x200x128xf32, #tpu.memory_space<vmem>>
      %dma_start3A_1061 = tpu.memref_squeeze %dma_start3A_1060 : memref<1x200x128xf32, #tpu.memory_space<vmem>> -> memref<200x128xf32, #tpu.memory_space<vmem>>
      %dma_start3A_1062 = arith.constant 128 : i32
      %dma_start3A_1063 = arith.constant 0 : i32
      %dma_start3A_1064 = tpu.memref_slice %dma_start3A_1061[%dma_start3A_1062, %dma_start3A_1063] : memref<200x128xf32, #tpu.memory_space<vmem>> -> memref<72x128xf32, #tpu.memory_space<vmem>>
      %dma_start3A_1065 = arith.constant 0 : i32
      %dma_start3A_1066 = tpu.memref_slice %arg7[%add3A_1056, %dma_start3A_1065] : memref<64x128xi32, #tpu.memory_space<vmem>> -> memref<1x72xi32, #tpu.memory_space<vmem>>
      %dma_start3A_1067 = tpu.memref_squeeze %dma_start3A_1066 : memref<1x72xi32, #tpu.memory_space<vmem>> -> memref<72xi32, #tpu.memory_space<vmem>>
      %dma_start3A_1068 = arith.constant 0 : i32
      %dma_start3A_1069 = arith.constant 0 : i32
      %dma_start3A_1070 = tpu.memref_slice %arg4[%dma_start3A_1068, %dma_start3A_1069] : memref<400000x128xf32, #tpu.memory_space<hbm>> -> memref<400000x128xf32, #tpu.memory_space<hbm>>
      tpu.enqueue_indirect_dma source(%dma_start3A_1070 : memref<400000x128xf32, #tpu.memory_space<hbm>>) target(%dma_start3A_1064 : memref<72x128xf32, #tpu.memory_space<vmem>>) offsets(%dma_start3A_1067 : memref<72xi32, #tpu.memory_space<vmem>>) semaphore(%arg13 : memref<!tpu.dma_semaphore, #tpu.memory_space<semaphore_mem>>)
      %add3A_1071 = arith.constant 1 : i32
      %add3A_1072 = arith.addi %mul3A_806, %add3A_1071 : i32
      %add3A_1073 = arith.constant 0 : i32
      %add3A_1074 = arith.addi %mul3A_2, %add3A_1073 : i32
      %add3A_1075 = arith.addi %add3A_1074, %add3A_1072 : i32
      %mul3A_1076 = arith.constant 200 : i32
      %mul3A_1077 = arith.muli %add3A_1075, %mul3A_1076 : i32
      %dma_wait3A_1078 = arith.constant 1 : i32
      %dma_wait3A_1079 = arith.constant 0 : i32
      %dma_wait3A_1080 = arith.constant 0 : i32
      %dma_wait3A_1081 = tpu.memref_slice %arg8[%dma_wait3A_1078, %dma_wait3A_1079, %dma_wait3A_1080] : memref<4x200x128xf32, #tpu.memory_space<vmem>> -> memref<1x200x128xf32, #tpu.memory_space<vmem>>
      %dma_wait3A_1082 = tpu.memref_squeeze %dma_wait3A_1081 : memref<1x200x128xf32, #tpu.memory_space<vmem>> -> memref<200x128xf32, #tpu.memory_space<vmem>>
      %dma_wait3A_1083 = arith.constant 0 : i32
      %dma_wait3A_1084 = tpu.memref_slice %arg5[%mul3A_1077, %dma_wait3A_1083] : memref<819200x128xf32, #tpu.memory_space<hbm>> -> memref<200x128xf32, #tpu.memory_space<hbm>>
      %dma_wait3A_1085 = arith.constant 0 : i32
      %dma_wait3A_1086 = tpu.memref_slice %arg5[%mul3A_1077, %dma_wait3A_1085] : memref<819200x128xf32, #tpu.memory_space<hbm>> -> memref<200x128xf32, #tpu.memory_space<hbm>>
      %dma_wait3A_1087 = arith.constant 0 : i32
      %dma_wait3A_1088 = arith.constant 0 : i32
      %dma_wait3A_1089 = tpu.memref_slice %arg8[%dma_wait3A_1078, %dma_wait3A_1087, %dma_wait3A_1088] : memref<4x200x128xf32, #tpu.memory_space<vmem>> -> memref<1x200x128xf32, #tpu.memory_space<vmem>>
      %dma_wait3A_1090 = tpu.memref_squeeze %dma_wait3A_1089 : memref<1x200x128xf32, #tpu.memory_space<vmem>> -> memref<200x128xf32, #tpu.memory_space<vmem>>
      tpu.wait_dma2 semaphore(%arg18 : memref<!tpu.dma_semaphore, #tpu.memory_space<semaphore_mem>>) src(%dma_wait3A_1090 : memref<200x128xf32, #tpu.memory_space<vmem>>) dst(%dma_wait3A_1086 : memref<200x128xf32, #tpu.memory_space<hbm>>)
      %add3A_1091 = arith.constant 4 : i32
      %add3A_1092 = arith.addi %mul3A_806, %add3A_1091 : i32
      %add3A_1093 = arith.constant 1 : i32
      %add3A_1094 = arith.addi %add3A_1092, %add3A_1093 : i32
      %dma_start3A_1095 = arith.constant 1 : i32
      %dma_start3A_1096 = arith.constant 0 : i32
      %dma_start3A_1097 = arith.constant 0 : i32
      %dma_start3A_1098 = tpu.memref_slice %arg8[%dma_start3A_1095, %dma_start3A_1096, %dma_start3A_1097] : memref<4x200x128xf32, #tpu.memory_space<vmem>> -> memref<1x200x128xf32, #tpu.memory_space<vmem>>
      %dma_start3A_1099 = tpu.memref_squeeze %dma_start3A_1098 : memref<1x200x128xf32, #tpu.memory_space<vmem>> -> memref<200x128xf32, #tpu.memory_space<vmem>>
      %dma_start3A_1100 = arith.constant 0 : i32
      %dma_start3A_1101 = arith.constant 0 : i32
      %dma_start3A_1102 = tpu.memref_slice %dma_start3A_1099[%dma_start3A_1100, %dma_start3A_1101] : memref<200x128xf32, #tpu.memory_space<vmem>> -> memref<128x128xf32, #tpu.memory_space<vmem>>
      %dma_start3A_1103 = arith.constant 0 : i32
      %dma_start3A_1104 = tpu.memref_slice %arg6[%add3A_1094, %dma_start3A_1103] : memref<64x128xi32, #tpu.memory_space<vmem>> -> memref<1x128xi32, #tpu.memory_space<vmem>>
      %dma_start3A_1105 = tpu.memref_squeeze %dma_start3A_1104 : memref<1x128xi32, #tpu.memory_space<vmem>> -> memref<128xi32, #tpu.memory_space<vmem>>
      %dma_start3A_1106 = arith.constant 0 : i32
      %dma_start3A_1107 = arith.constant 0 : i32
      %dma_start3A_1108 = tpu.memref_slice %arg4[%dma_start3A_1106, %dma_start3A_1107] : memref<400000x128xf32, #tpu.memory_space<hbm>> -> memref<400000x128xf32, #tpu.memory_space<hbm>>
      tpu.enqueue_indirect_dma source(%dma_start3A_1108 : memref<400000x128xf32, #tpu.memory_space<hbm>>) target(%dma_start3A_1102 : memref<128x128xf32, #tpu.memory_space<vmem>>) offsets(%dma_start3A_1105 : memref<128xi32, #tpu.memory_space<vmem>>) semaphore(%arg10 : memref<!tpu.dma_semaphore, #tpu.memory_space<semaphore_mem>>)
      %add3A_1109 = arith.constant 4 : i32
      %add3A_1110 = arith.addi %mul3A_806, %add3A_1109 : i32
      %add3A_1111 = arith.constant 1 : i32
      %add3A_1112 = arith.addi %add3A_1110, %add3A_1111 : i32
      %dma_start3A_1113 = arith.constant 1 : i32
      %dma_start3A_1114 = arith.constant 0 : i32
      %dma_start3A_1115 = arith.constant 0 : i32
      %dma_start3A_1116 = tpu.memref_slice %arg8[%dma_start3A_1113, %dma_start3A_1114, %dma_start3A_1115] : memref<4x200x128xf32, #tpu.memory_space<vmem>> -> memref<1x200x128xf32, #tpu.memory_space<vmem>>
      %dma_start3A_1117 = tpu.memref_squeeze %dma_start3A_1116 : memref<1x200x128xf32, #tpu.memory_space<vmem>> -> memref<200x128xf32, #tpu.memory_space<vmem>>
      %dma_start3A_1118 = arith.constant 128 : i32
      %dma_start3A_1119 = arith.constant 0 : i32
      %dma_start3A_1120 = tpu.memref_slice %dma_start3A_1117[%dma_start3A_1118, %dma_start3A_1119] : memref<200x128xf32, #tpu.memory_space<vmem>> -> memref<72x128xf32, #tpu.memory_space<vmem>>
      %dma_start3A_1121 = arith.constant 0 : i32
      %dma_start3A_1122 = tpu.memref_slice %arg7[%add3A_1112, %dma_start3A_1121] : memref<64x128xi32, #tpu.memory_space<vmem>> -> memref<1x72xi32, #tpu.memory_space<vmem>>
      %dma_start3A_1123 = tpu.memref_squeeze %dma_start3A_1122 : memref<1x72xi32, #tpu.memory_space<vmem>> -> memref<72xi32, #tpu.memory_space<vmem>>
      %dma_start3A_1124 = arith.constant 0 : i32
      %dma_start3A_1125 = arith.constant 0 : i32
      %dma_start3A_1126 = tpu.memref_slice %arg4[%dma_start3A_1124, %dma_start3A_1125] : memref<400000x128xf32, #tpu.memory_space<hbm>> -> memref<400000x128xf32, #tpu.memory_space<hbm>>
      tpu.enqueue_indirect_dma source(%dma_start3A_1126 : memref<400000x128xf32, #tpu.memory_space<hbm>>) target(%dma_start3A_1120 : memref<72x128xf32, #tpu.memory_space<vmem>>) offsets(%dma_start3A_1123 : memref<72xi32, #tpu.memory_space<vmem>>) semaphore(%arg14 : memref<!tpu.dma_semaphore, #tpu.memory_space<semaphore_mem>>)
      %add3A_1127 = arith.constant 2 : i32
      %add3A_1128 = arith.addi %mul3A_806, %add3A_1127 : i32
      %add3A_1129 = arith.constant 0 : i32
      %add3A_1130 = arith.addi %mul3A_2, %add3A_1129 : i32
      %add3A_1131 = arith.addi %add3A_1130, %add3A_1128 : i32
      %mul3A_1132 = arith.constant 200 : i32
      %mul3A_1133 = arith.muli %add3A_1131, %mul3A_1132 : i32
      %dma_wait3A_1134 = arith.constant 2 : i32
      %dma_wait3A_1135 = arith.constant 0 : i32
      %dma_wait3A_1136 = arith.constant 0 : i32
      %dma_wait3A_1137 = tpu.memref_slice %arg8[%dma_wait3A_1134, %dma_wait3A_1135, %dma_wait3A_1136] : memref<4x200x128xf32, #tpu.memory_space<vmem>> -> memref<1x200x128xf32, #tpu.memory_space<vmem>>
      %dma_wait3A_1138 = tpu.memref_squeeze %dma_wait3A_1137 : memref<1x200x128xf32, #tpu.memory_space<vmem>> -> memref<200x128xf32, #tpu.memory_space<vmem>>
      %dma_wait3A_1139 = arith.constant 0 : i32
      %dma_wait3A_1140 = tpu.memref_slice %arg5[%mul3A_1133, %dma_wait3A_1139] : memref<819200x128xf32, #tpu.memory_space<hbm>> -> memref<200x128xf32, #tpu.memory_space<hbm>>
      %dma_wait3A_1141 = arith.constant 0 : i32
      %dma_wait3A_1142 = tpu.memref_slice %arg5[%mul3A_1133, %dma_wait3A_1141] : memref<819200x128xf32, #tpu.memory_space<hbm>> -> memref<200x128xf32, #tpu.memory_space<hbm>>
      %dma_wait3A_1143 = arith.constant 0 : i32
      %dma_wait3A_1144 = arith.constant 0 : i32
      %dma_wait3A_1145 = tpu.memref_slice %arg8[%dma_wait3A_1134, %dma_wait3A_1143, %dma_wait3A_1144] : memref<4x200x128xf32, #tpu.memory_space<vmem>> -> memref<1x200x128xf32, #tpu.memory_space<vmem>>
      %dma_wait3A_1146 = tpu.memref_squeeze %dma_wait3A_1145 : memref<1x200x128xf32, #tpu.memory_space<vmem>> -> memref<200x128xf32, #tpu.memory_space<vmem>>
      tpu.wait_dma2 semaphore(%arg19 : memref<!tpu.dma_semaphore, #tpu.memory_space<semaphore_mem>>) src(%dma_wait3A_1146 : memref<200x128xf32, #tpu.memory_space<vmem>>) dst(%dma_wait3A_1142 : memref<200x128xf32, #tpu.memory_space<hbm>>)
      %add3A_1147 = arith.constant 4 : i32
      %add3A_1148 = arith.addi %mul3A_806, %add3A_1147 : i32
      %add3A_1149 = arith.constant 2 : i32
      %add3A_1150 = arith.addi %add3A_1148, %add3A_1149 : i32
      %dma_start3A_1151 = arith.constant 2 : i32
      %dma_start3A_1152 = arith.constant 0 : i32
      %dma_start3A_1153 = arith.constant 0 : i32
      %dma_start3A_1154 = tpu.memref_slice %arg8[%dma_start3A_1151, %dma_start3A_1152, %dma_start3A_1153] : memref<4x200x128xf32, #tpu.memory_space<vmem>> -> memref<1x200x128xf32, #tpu.memory_space<vmem>>
      %dma_start3A_1155 = tpu.memref_squeeze %dma_start3A_1154 : memref<1x200x128xf32, #tpu.memory_space<vmem>> -> memref<200x128xf32, #tpu.memory_space<vmem>>
      %dma_start3A_1156 = arith.constant 0 : i32
      %dma_start3A_1157 = arith.constant 0 : i32
      %dma_start3A_1158 = tpu.memref_slice %dma_start3A_1155[%dma_start3A_1156, %dma_start3A_1157] : memref<200x128xf32, #tpu.memory_space<vmem>> -> memref<128x128xf32, #tpu.memory_space<vmem>>
      %dma_start3A_1159 = arith.constant 0 : i32
      %dma_start3A_1160 = tpu.memref_slice %arg6[%add3A_1150, %dma_start3A_1159] : memref<64x128xi32, #tpu.memory_space<vmem>> -> memref<1x128xi32, #tpu.memory_space<vmem>>
      %dma_start3A_1161 = tpu.memref_squeeze %dma_start3A_1160 : memref<1x128xi32, #tpu.memory_space<vmem>> -> memref<128xi32, #tpu.memory_space<vmem>>
      %dma_start3A_1162 = arith.constant 0 : i32
      %dma_start3A_1163 = arith.constant 0 : i32
      %dma_start3A_1164 = tpu.memref_slice %arg4[%dma_start3A_1162, %dma_start3A_1163] : memref<400000x128xf32, #tpu.memory_space<hbm>> -> memref<400000x128xf32, #tpu.memory_space<hbm>>
      tpu.enqueue_indirect_dma source(%dma_start3A_1164 : memref<400000x128xf32, #tpu.memory_space<hbm>>) target(%dma_start3A_1158 : memref<128x128xf32, #tpu.memory_space<vmem>>) offsets(%dma_start3A_1161 : memref<128xi32, #tpu.memory_space<vmem>>) semaphore(%arg11 : memref<!tpu.dma_semaphore, #tpu.memory_space<semaphore_mem>>)
      %add3A_1165 = arith.constant 4 : i32
      %add3A_1166 = arith.addi %mul3A_806, %add3A_1165 : i32
      %add3A_1167 = arith.constant 2 : i32
      %add3A_1168 = arith.addi %add3A_1166, %add3A_1167 : i32
      %dma_start3A_1169 = arith.constant 2 : i32
      %dma_start3A_1170 = arith.constant 0 : i32
      %dma_start3A_1171 = arith.constant 0 : i32
      %dma_start3A_1172 = tpu.memref_slice %arg8[%dma_start3A_1169, %dma_start3A_1170, %dma_start3A_1171] : memref<4x200x128xf32, #tpu.memory_space<vmem>> -> memref<1x200x128xf32, #tpu.memory_space<vmem>>
      %dma_start3A_1173 = tpu.memref_squeeze %dma_start3A_1172 : memref<1x200x128xf32, #tpu.memory_space<vmem>> -> memref<200x128xf32, #tpu.memory_space<vmem>>
      %dma_start3A_1174 = arith.constant 128 : i32
      %dma_start3A_1175 = arith.constant 0 : i32
      %dma_start3A_1176 = tpu.memref_slice %dma_start3A_1173[%dma_start3A_1174, %dma_start3A_1175] : memref<200x128xf32, #tpu.memory_space<vmem>> -> memref<72x128xf32, #tpu.memory_space<vmem>>
      %dma_start3A_1177 = arith.constant 0 : i32
      %dma_start3A_1178 = tpu.memref_slice %arg7[%add3A_1168, %dma_start3A_1177] : memref<64x128xi32, #tpu.memory_space<vmem>> -> memref<1x72xi32, #tpu.memory_space<vmem>>
      %dma_start3A_1179 = tpu.memref_squeeze %dma_start3A_1178 : memref<1x72xi32, #tpu.memory_space<vmem>> -> memref<72xi32, #tpu.memory_space<vmem>>
      %dma_start3A_1180 = arith.constant 0 : i32
      %dma_start3A_1181 = arith.constant 0 : i32
      %dma_start3A_1182 = tpu.memref_slice %arg4[%dma_start3A_1180, %dma_start3A_1181] : memref<400000x128xf32, #tpu.memory_space<hbm>> -> memref<400000x128xf32, #tpu.memory_space<hbm>>
      tpu.enqueue_indirect_dma source(%dma_start3A_1182 : memref<400000x128xf32, #tpu.memory_space<hbm>>) target(%dma_start3A_1176 : memref<72x128xf32, #tpu.memory_space<vmem>>) offsets(%dma_start3A_1179 : memref<72xi32, #tpu.memory_space<vmem>>) semaphore(%arg15 : memref<!tpu.dma_semaphore, #tpu.memory_space<semaphore_mem>>)
      %add3A_1183 = arith.constant 3 : i32
      %add3A_1184 = arith.addi %mul3A_806, %add3A_1183 : i32
      %add3A_1185 = arith.constant 0 : i32
      %add3A_1186 = arith.addi %mul3A_2, %add3A_1185 : i32
      %add3A_1187 = arith.addi %add3A_1186, %add3A_1184 : i32
      %mul3A_1188 = arith.constant 200 : i32
      %mul3A_1189 = arith.muli %add3A_1187, %mul3A_1188 : i32
      %dma_wait3A_1190 = arith.constant 3 : i32
      %dma_wait3A_1191 = arith.constant 0 : i32
      %dma_wait3A_1192 = arith.constant 0 : i32
      %dma_wait3A_1193 = tpu.memref_slice %arg8[%dma_wait3A_1190, %dma_wait3A_1191, %dma_wait3A_1192] : memref<4x200x128xf32, #tpu.memory_space<vmem>> -> memref<1x200x128xf32, #tpu.memory_space<vmem>>
      %dma_wait3A_1194 = tpu.memref_squeeze %dma_wait3A_1193 : memref<1x200x128xf32, #tpu.memory_space<vmem>> -> memref<200x128xf32, #tpu.memory_space<vmem>>
      %dma_wait3A_1195 = arith.constant 0 : i32
      %dma_wait3A_1196 = tpu.memref_slice %arg5[%mul3A_1189, %dma_wait3A_1195] : memref<819200x128xf32, #tpu.memory_space<hbm>> -> memref<200x128xf32, #tpu.memory_space<hbm>>
      %dma_wait3A_1197 = arith.constant 0 : i32
      %dma_wait3A_1198 = tpu.memref_slice %arg5[%mul3A_1189, %dma_wait3A_1197] : memref<819200x128xf32, #tpu.memory_space<hbm>> -> memref<200x128xf32, #tpu.memory_space<hbm>>
      %dma_wait3A_1199 = arith.constant 0 : i32
      %dma_wait3A_1200 = arith.constant 0 : i32
      %dma_wait3A_1201 = tpu.memref_slice %arg8[%dma_wait3A_1190, %dma_wait3A_1199, %dma_wait3A_1200] : memref<4x200x128xf32, #tpu.memory_space<vmem>> -> memref<1x200x128xf32, #tpu.memory_space<vmem>>
      %dma_wait3A_1202 = tpu.memref_squeeze %dma_wait3A_1201 : memref<1x200x128xf32, #tpu.memory_space<vmem>> -> memref<200x128xf32, #tpu.memory_space<vmem>>
      tpu.wait_dma2 semaphore(%arg20 : memref<!tpu.dma_semaphore, #tpu.memory_space<semaphore_mem>>) src(%dma_wait3A_1202 : memref<200x128xf32, #tpu.memory_space<vmem>>) dst(%dma_wait3A_1198 : memref<200x128xf32, #tpu.memory_space<hbm>>)
      %add3A_1203 = arith.constant 4 : i32
      %add3A_1204 = arith.addi %mul3A_806, %add3A_1203 : i32
      %add3A_1205 = arith.constant 3 : i32
      %add3A_1206 = arith.addi %add3A_1204, %add3A_1205 : i32
      %dma_start3A_1207 = arith.constant 3 : i32
      %dma_start3A_1208 = arith.constant 0 : i32
      %dma_start3A_1209 = arith.constant 0 : i32
      %dma_start3A_1210 = tpu.memref_slice %arg8[%dma_start3A_1207, %dma_start3A_1208, %dma_start3A_1209] : memref<4x200x128xf32, #tpu.memory_space<vmem>> -> memref<1x200x128xf32, #tpu.memory_space<vmem>>
      %dma_start3A_1211 = tpu.memref_squeeze %dma_start3A_1210 : memref<1x200x128xf32, #tpu.memory_space<vmem>> -> memref<200x128xf32, #tpu.memory_space<vmem>>
      %dma_start3A_1212 = arith.constant 0 : i32
      %dma_start3A_1213 = arith.constant 0 : i32
      %dma_start3A_1214 = tpu.memref_slice %dma_start3A_1211[%dma_start3A_1212, %dma_start3A_1213] : memref<200x128xf32, #tpu.memory_space<vmem>> -> memref<128x128xf32, #tpu.memory_space<vmem>>
      %dma_start3A_1215 = arith.constant 0 : i32
      %dma_start3A_1216 = tpu.memref_slice %arg6[%add3A_1206, %dma_start3A_1215] : memref<64x128xi32, #tpu.memory_space<vmem>> -> memref<1x128xi32, #tpu.memory_space<vmem>>
      %dma_start3A_1217 = tpu.memref_squeeze %dma_start3A_1216 : memref<1x128xi32, #tpu.memory_space<vmem>> -> memref<128xi32, #tpu.memory_space<vmem>>
      %dma_start3A_1218 = arith.constant 0 : i32
      %dma_start3A_1219 = arith.constant 0 : i32
      %dma_start3A_1220 = tpu.memref_slice %arg4[%dma_start3A_1218, %dma_start3A_1219] : memref<400000x128xf32, #tpu.memory_space<hbm>> -> memref<400000x128xf32, #tpu.memory_space<hbm>>
      tpu.enqueue_indirect_dma source(%dma_start3A_1220 : memref<400000x128xf32, #tpu.memory_space<hbm>>) target(%dma_start3A_1214 : memref<128x128xf32, #tpu.memory_space<vmem>>) offsets(%dma_start3A_1217 : memref<128xi32, #tpu.memory_space<vmem>>) semaphore(%arg12 : memref<!tpu.dma_semaphore, #tpu.memory_space<semaphore_mem>>)
      %add3A_1221 = arith.constant 4 : i32
      %add3A_1222 = arith.addi %mul3A_806, %add3A_1221 : i32
      %add3A_1223 = arith.constant 3 : i32
      %add3A_1224 = arith.addi %add3A_1222, %add3A_1223 : i32
      %dma_start3A_1225 = arith.constant 3 : i32
      %dma_start3A_1226 = arith.constant 0 : i32
      %dma_start3A_1227 = arith.constant 0 : i32
      %dma_start3A_1228 = tpu.memref_slice %arg8[%dma_start3A_1225, %dma_start3A_1226, %dma_start3A_1227] : memref<4x200x128xf32, #tpu.memory_space<vmem>> -> memref<1x200x128xf32, #tpu.memory_space<vmem>>
      %dma_start3A_1229 = tpu.memref_squeeze %dma_start3A_1228 : memref<1x200x128xf32, #tpu.memory_space<vmem>> -> memref<200x128xf32, #tpu.memory_space<vmem>>
      %dma_start3A_1230 = arith.constant 128 : i32
      %dma_start3A_1231 = arith.constant 0 : i32
      %dma_start3A_1232 = tpu.memref_slice %dma_start3A_1229[%dma_start3A_1230, %dma_start3A_1231] : memref<200x128xf32, #tpu.memory_space<vmem>> -> memref<72x128xf32, #tpu.memory_space<vmem>>
      %dma_start3A_1233 = arith.constant 0 : i32
      %dma_start3A_1234 = tpu.memref_slice %arg7[%add3A_1224, %dma_start3A_1233] : memref<64x128xi32, #tpu.memory_space<vmem>> -> memref<1x72xi32, #tpu.memory_space<vmem>>
      %dma_start3A_1235 = tpu.memref_squeeze %dma_start3A_1234 : memref<1x72xi32, #tpu.memory_space<vmem>> -> memref<72xi32, #tpu.memory_space<vmem>>
      %dma_start3A_1236 = arith.constant 0 : i32
      %dma_start3A_1237 = arith.constant 0 : i32
      %dma_start3A_1238 = tpu.memref_slice %arg4[%dma_start3A_1236, %dma_start3A_1237] : memref<400000x128xf32, #tpu.memory_space<hbm>> -> memref<400000x128xf32, #tpu.memory_space<hbm>>
      tpu.enqueue_indirect_dma source(%dma_start3A_1238 : memref<400000x128xf32, #tpu.memory_space<hbm>>) target(%dma_start3A_1232 : memref<72x128xf32, #tpu.memory_space<vmem>>) offsets(%dma_start3A_1235 : memref<72xi32, #tpu.memory_space<vmem>>) semaphore(%arg16 : memref<!tpu.dma_semaphore, #tpu.memory_space<semaphore_mem>>)
    }
    %scan3A_130 = arith.constant 15 : i32
    %dma_wait3A = arith.constant 60 : i32
    %dma_wait3A_131 = arith.constant 0 : i32
    %dma_wait3A_132 = arith.constant 0 : i32
    %dma_wait3A_133 = arith.constant 0 : i32
    %dma_wait3A_134 = tpu.memref_slice %arg8[%dma_wait3A_131, %dma_wait3A_132, %dma_wait3A_133] : memref<4x200x128xf32, #tpu.memory_space<vmem>> -> memref<1x200x128xf32, #tpu.memory_space<vmem>>
    %dma_wait3A_135 = tpu.memref_squeeze %dma_wait3A_134 : memref<1x200x128xf32, #tpu.memory_space<vmem>> -> memref<200x128xf32, #tpu.memory_space<vmem>>
    %dma_wait3A_136 = arith.constant 0 : i32
    %dma_wait3A_137 = arith.constant 0 : i32
    %dma_wait3A_138 = tpu.memref_slice %dma_wait3A_135[%dma_wait3A_136, %dma_wait3A_137] : memref<200x128xf32, #tpu.memory_space<vmem>> -> memref<128x128xf32, #tpu.memory_space<vmem>>
    %dma_wait3A_139 = arith.constant 0 : i32
    %dma_wait3A_140 = tpu.memref_slice %arg6[%dma_wait3A, %dma_wait3A_139] : memref<64x128xi32, #tpu.memory_space<vmem>> -> memref<1x128xi32, #tpu.memory_space<vmem>>
    %dma_wait3A_141 = tpu.memref_squeeze %dma_wait3A_140 : memref<1x128xi32, #tpu.memory_space<vmem>> -> memref<128xi32, #tpu.memory_space<vmem>>
    %dma_wait3A_142 = arith.constant 0 : i32
    %dma_wait3A_143 = arith.constant 0 : i32
    %dma_wait3A_144 = tpu.memref_slice %arg4[%dma_wait3A_142, %dma_wait3A_143] : memref<400000x128xf32, #tpu.memory_space<hbm>> -> memref<400000x128xf32, #tpu.memory_space<hbm>>
    tpu.wait_indirect_dma semaphore(%arg9 : memref<!tpu.dma_semaphore, #tpu.memory_space<semaphore_mem>>) src(%dma_wait3A_144 : memref<400000x128xf32, #tpu.memory_space<hbm>>) dst(%dma_wait3A_138 : memref<128x128xf32, #tpu.memory_space<vmem>>)
    %dma_wait3A_145 = arith.constant 60 : i32
    %dma_wait3A_146 = arith.constant 0 : i32
    %dma_wait3A_147 = arith.constant 0 : i32
    %dma_wait3A_148 = arith.constant 0 : i32
    %dma_wait3A_149 = tpu.memref_slice %arg8[%dma_wait3A_146, %dma_wait3A_147, %dma_wait3A_148] : memref<4x200x128xf32, #tpu.memory_space<vmem>> -> memref<1x200x128xf32, #tpu.memory_space<vmem>>
    %dma_wait3A_150 = tpu.memref_squeeze %dma_wait3A_149 : memref<1x200x128xf32, #tpu.memory_space<vmem>> -> memref<200x128xf32, #tpu.memory_space<vmem>>
    %dma_wait3A_151 = arith.constant 128 : i32
    %dma_wait3A_152 = arith.constant 0 : i32
    %dma_wait3A_153 = tpu.memref_slice %dma_wait3A_150[%dma_wait3A_151, %dma_wait3A_152] : memref<200x128xf32, #tpu.memory_space<vmem>> -> memref<72x128xf32, #tpu.memory_space<vmem>>
    %dma_wait3A_154 = arith.constant 0 : i32
    %dma_wait3A_155 = tpu.memref_slice %arg7[%dma_wait3A_145, %dma_wait3A_154] : memref<64x128xi32, #tpu.memory_space<vmem>> -> memref<1x72xi32, #tpu.memory_space<vmem>>
    %dma_wait3A_156 = tpu.memref_squeeze %dma_wait3A_155 : memref<1x72xi32, #tpu.memory_space<vmem>> -> memref<72xi32, #tpu.memory_space<vmem>>
    %dma_wait3A_157 = arith.constant 0 : i32
    %dma_wait3A_158 = arith.constant 0 : i32
    %dma_wait3A_159 = tpu.memref_slice %arg4[%dma_wait3A_157, %dma_wait3A_158] : memref<400000x128xf32, #tpu.memory_space<hbm>> -> memref<400000x128xf32, #tpu.memory_space<hbm>>
    tpu.wait_indirect_dma semaphore(%arg13 : memref<!tpu.dma_semaphore, #tpu.memory_space<semaphore_mem>>) src(%dma_wait3A_159 : memref<400000x128xf32, #tpu.memory_space<hbm>>) dst(%dma_wait3A_153 : memref<72x128xf32, #tpu.memory_space<vmem>>)
    %add3A_160 = arith.constant 0 : i32
    %add3A_161 = arith.addi %mul3A_2, %add3A_160 : i32
    %add3A_162 = arith.constant 60 : i32
    %add3A_163 = arith.addi %add3A_161, %add3A_162 : i32
    %mul3A_164 = arith.constant 200 : i32
    %mul3A_165 = arith.muli %add3A_163, %mul3A_164 : i32
    %dma_start3A_166 = arith.constant 0 : i32
    %dma_start3A_167 = arith.constant 0 : i32
    %dma_start3A_168 = arith.constant 0 : i32
    %dma_start3A_169 = tpu.memref_slice %arg8[%dma_start3A_166, %dma_start3A_167, %dma_start3A_168] : memref<4x200x128xf32, #tpu.memory_space<vmem>> -> memref<1x200x128xf32, #tpu.memory_space<vmem>>
    %dma_start3A_170 = tpu.memref_squeeze %dma_start3A_169 : memref<1x200x128xf32, #tpu.memory_space<vmem>> -> memref<200x128xf32, #tpu.memory_space<vmem>>
    %dma_start3A_171 = arith.constant 0 : i32
    %dma_start3A_172 = tpu.memref_slice %arg5[%mul3A_165, %dma_start3A_171] : memref<819200x128xf32, #tpu.memory_space<hbm>> -> memref<200x128xf32, #tpu.memory_space<hbm>>
    %dma_start3A_173 = arith.constant 0 : i32
    %dma_start3A_174 = tpu.memref_slice %arg5[%mul3A_165, %dma_start3A_173] : memref<819200x128xf32, #tpu.memory_space<hbm>> -> memref<200x128xf32, #tpu.memory_space<hbm>>
    %dma_start3A_175 = arith.constant 0 : i32
    %dma_start3A_176 = arith.constant 0 : i32
    %dma_start3A_177 = tpu.memref_slice %arg8[%dma_start3A_166, %dma_start3A_175, %dma_start3A_176] : memref<4x200x128xf32, #tpu.memory_space<vmem>> -> memref<1x200x128xf32, #tpu.memory_space<vmem>>
    %dma_start3A_178 = tpu.memref_squeeze %dma_start3A_177 : memref<1x200x128xf32, #tpu.memory_space<vmem>> -> memref<200x128xf32, #tpu.memory_space<vmem>>
    tpu.enqueue_dma source(%dma_start3A_178 : memref<200x128xf32, #tpu.memory_space<vmem>>) target(%dma_start3A_174 : memref<200x128xf32, #tpu.memory_space<hbm>>) target_semaphore(%arg17 : memref<!tpu.dma_semaphore, #tpu.memory_space<semaphore_mem>>)
    %dma_wait3A_179 = arith.constant 61 : i32
    %dma_wait3A_180 = arith.constant 1 : i32
    %dma_wait3A_181 = arith.constant 0 : i32
    %dma_wait3A_182 = arith.constant 0 : i32
    %dma_wait3A_183 = tpu.memref_slice %arg8[%dma_wait3A_180, %dma_wait3A_181, %dma_wait3A_182] : memref<4x200x128xf32, #tpu.memory_space<vmem>> -> memref<1x200x128xf32, #tpu.memory_space<vmem>>
    %dma_wait3A_184 = tpu.memref_squeeze %dma_wait3A_183 : memref<1x200x128xf32, #tpu.memory_space<vmem>> -> memref<200x128xf32, #tpu.memory_space<vmem>>
    %dma_wait3A_185 = arith.constant 0 : i32
    %dma_wait3A_186 = arith.constant 0 : i32
    %dma_wait3A_187 = tpu.memref_slice %dma_wait3A_184[%dma_wait3A_185, %dma_wait3A_186] : memref<200x128xf32, #tpu.memory_space<vmem>> -> memref<128x128xf32, #tpu.memory_space<vmem>>
    %dma_wait3A_188 = arith.constant 0 : i32
    %dma_wait3A_189 = tpu.memref_slice %arg6[%dma_wait3A_179, %dma_wait3A_188] : memref<64x128xi32, #tpu.memory_space<vmem>> -> memref<1x128xi32, #tpu.memory_space<vmem>>
    %dma_wait3A_190 = tpu.memref_squeeze %dma_wait3A_189 : memref<1x128xi32, #tpu.memory_space<vmem>> -> memref<128xi32, #tpu.memory_space<vmem>>
    %dma_wait3A_191 = arith.constant 0 : i32
    %dma_wait3A_192 = arith.constant 0 : i32
    %dma_wait3A_193 = tpu.memref_slice %arg4[%dma_wait3A_191, %dma_wait3A_192] : memref<400000x128xf32, #tpu.memory_space<hbm>> -> memref<400000x128xf32, #tpu.memory_space<hbm>>
    tpu.wait_indirect_dma semaphore(%arg10 : memref<!tpu.dma_semaphore, #tpu.memory_space<semaphore_mem>>) src(%dma_wait3A_193 : memref<400000x128xf32, #tpu.memory_space<hbm>>) dst(%dma_wait3A_187 : memref<128x128xf32, #tpu.memory_space<vmem>>)
    %dma_wait3A_194 = arith.constant 61 : i32
    %dma_wait3A_195 = arith.constant 1 : i32
    %dma_wait3A_196 = arith.constant 0 : i32
    %dma_wait3A_197 = arith.constant 0 : i32
    %dma_wait3A_198 = tpu.memref_slice %arg8[%dma_wait3A_195, %dma_wait3A_196, %dma_wait3A_197] : memref<4x200x128xf32, #tpu.memory_space<vmem>> -> memref<1x200x128xf32, #tpu.memory_space<vmem>>
    %dma_wait3A_199 = tpu.memref_squeeze %dma_wait3A_198 : memref<1x200x128xf32, #tpu.memory_space<vmem>> -> memref<200x128xf32, #tpu.memory_space<vmem>>
    %dma_wait3A_200 = arith.constant 128 : i32
    %dma_wait3A_201 = arith.constant 0 : i32
    %dma_wait3A_202 = tpu.memref_slice %dma_wait3A_199[%dma_wait3A_200, %dma_wait3A_201] : memref<200x128xf32, #tpu.memory_space<vmem>> -> memref<72x128xf32, #tpu.memory_space<vmem>>
    %dma_wait3A_203 = arith.constant 0 : i32
    %dma_wait3A_204 = tpu.memref_slice %arg7[%dma_wait3A_194, %dma_wait3A_203] : memref<64x128xi32, #tpu.memory_space<vmem>> -> memref<1x72xi32, #tpu.memory_space<vmem>>
    %dma_wait3A_205 = tpu.memref_squeeze %dma_wait3A_204 : memref<1x72xi32, #tpu.memory_space<vmem>> -> memref<72xi32, #tpu.memory_space<vmem>>
    %dma_wait3A_206 = arith.constant 0 : i32
    %dma_wait3A_207 = arith.constant 0 : i32
    %dma_wait3A_208 = tpu.memref_slice %arg4[%dma_wait3A_206, %dma_wait3A_207] : memref<400000x128xf32, #tpu.memory_space<hbm>> -> memref<400000x128xf32, #tpu.memory_space<hbm>>
    tpu.wait_indirect_dma semaphore(%arg14 : memref<!tpu.dma_semaphore, #tpu.memory_space<semaphore_mem>>) src(%dma_wait3A_208 : memref<400000x128xf32, #tpu.memory_space<hbm>>) dst(%dma_wait3A_202 : memref<72x128xf32, #tpu.memory_space<vmem>>)
    %add3A_209 = arith.constant 0 : i32
    %add3A_210 = arith.addi %mul3A_2, %add3A_209 : i32
    %add3A_211 = arith.constant 61 : i32
    %add3A_212 = arith.addi %add3A_210, %add3A_211 : i32
    %mul3A_213 = arith.constant 200 : i32
    %mul3A_214 = arith.muli %add3A_212, %mul3A_213 : i32
    %dma_start3A_215 = arith.constant 1 : i32
    %dma_start3A_216 = arith.constant 0 : i32
    %dma_start3A_217 = arith.constant 0 : i32
    %dma_start3A_218 = tpu.memref_slice %arg8[%dma_start3A_215, %dma_start3A_216, %dma_start3A_217] : memref<4x200x128xf32, #tpu.memory_space<vmem>> -> memref<1x200x128xf32, #tpu.memory_space<vmem>>
    %dma_start3A_219 = tpu.memref_squeeze %dma_start3A_218 : memref<1x200x128xf32, #tpu.memory_space<vmem>> -> memref<200x128xf32, #tpu.memory_space<vmem>>
    %dma_start3A_220 = arith.constant 0 : i32
    %dma_start3A_221 = tpu.memref_slice %arg5[%mul3A_214, %dma_start3A_220] : memref<819200x128xf32, #tpu.memory_space<hbm>> -> memref<200x128xf32, #tpu.memory_space<hbm>>
    %dma_start3A_222 = arith.constant 0 : i32
    %dma_start3A_223 = tpu.memref_slice %arg5[%mul3A_214, %dma_start3A_222] : memref<819200x128xf32, #tpu.memory_space<hbm>> -> memref<200x128xf32, #tpu.memory_space<hbm>>
    %dma_start3A_224 = arith.constant 0 : i32
    %dma_start3A_225 = arith.constant 0 : i32
    %dma_start3A_226 = tpu.memref_slice %arg8[%dma_start3A_215, %dma_start3A_224, %dma_start3A_225] : memref<4x200x128xf32, #tpu.memory_space<vmem>> -> memref<1x200x128xf32, #tpu.memory_space<vmem>>
    %dma_start3A_227 = tpu.memref_squeeze %dma_start3A_226 : memref<1x200x128xf32, #tpu.memory_space<vmem>> -> memref<200x128xf32, #tpu.memory_space<vmem>>
    tpu.enqueue_dma source(%dma_start3A_227 : memref<200x128xf32, #tpu.memory_space<vmem>>) target(%dma_start3A_223 : memref<200x128xf32, #tpu.memory_space<hbm>>) target_semaphore(%arg18 : memref<!tpu.dma_semaphore, #tpu.memory_space<semaphore_mem>>)
    %dma_wait3A_228 = arith.constant 62 : i32
    %dma_wait3A_229 = arith.constant 2 : i32
    %dma_wait3A_230 = arith.constant 0 : i32
    %dma_wait3A_231 = arith.constant 0 : i32
    %dma_wait3A_232 = tpu.memref_slice %arg8[%dma_wait3A_229, %dma_wait3A_230, %dma_wait3A_231] : memref<4x200x128xf32, #tpu.memory_space<vmem>> -> memref<1x200x128xf32, #tpu.memory_space<vmem>>
    %dma_wait3A_233 = tpu.memref_squeeze %dma_wait3A_232 : memref<1x200x128xf32, #tpu.memory_space<vmem>> -> memref<200x128xf32, #tpu.memory_space<vmem>>
    %dma_wait3A_234 = arith.constant 0 : i32
    %dma_wait3A_235 = arith.constant 0 : i32
    %dma_wait3A_236 = tpu.memref_slice %dma_wait3A_233[%dma_wait3A_234, %dma_wait3A_235] : memref<200x128xf32, #tpu.memory_space<vmem>> -> memref<128x128xf32, #tpu.memory_space<vmem>>
    %dma_wait3A_237 = arith.constant 0 : i32
    %dma_wait3A_238 = tpu.memref_slice %arg6[%dma_wait3A_228, %dma_wait3A_237] : memref<64x128xi32, #tpu.memory_space<vmem>> -> memref<1x128xi32, #tpu.memory_space<vmem>>
    %dma_wait3A_239 = tpu.memref_squeeze %dma_wait3A_238 : memref<1x128xi32, #tpu.memory_space<vmem>> -> memref<128xi32, #tpu.memory_space<vmem>>
    %dma_wait3A_240 = arith.constant 0 : i32
    %dma_wait3A_241 = arith.constant 0 : i32
    %dma_wait3A_242 = tpu.memref_slice %arg4[%dma_wait3A_240, %dma_wait3A_241] : memref<400000x128xf32, #tpu.memory_space<hbm>> -> memref<400000x128xf32, #tpu.memory_space<hbm>>
    tpu.wait_indirect_dma semaphore(%arg11 : memref<!tpu.dma_semaphore, #tpu.memory_space<semaphore_mem>>) src(%dma_wait3A_242 : memref<400000x128xf32, #tpu.memory_space<hbm>>) dst(%dma_wait3A_236 : memref<128x128xf32, #tpu.memory_space<vmem>>)
    %dma_wait3A_243 = arith.constant 62 : i32
    %dma_wait3A_244 = arith.constant 2 : i32
    %dma_wait3A_245 = arith.constant 0 : i32
    %dma_wait3A_246 = arith.constant 0 : i32
    %dma_wait3A_247 = tpu.memref_slice %arg8[%dma_wait3A_244, %dma_wait3A_245, %dma_wait3A_246] : memref<4x200x128xf32, #tpu.memory_space<vmem>> -> memref<1x200x128xf32, #tpu.memory_space<vmem>>
    %dma_wait3A_248 = tpu.memref_squeeze %dma_wait3A_247 : memref<1x200x128xf32, #tpu.memory_space<vmem>> -> memref<200x128xf32, #tpu.memory_space<vmem>>
    %dma_wait3A_249 = arith.constant 128 : i32
    %dma_wait3A_250 = arith.constant 0 : i32
    %dma_wait3A_251 = tpu.memref_slice %dma_wait3A_248[%dma_wait3A_249, %dma_wait3A_250] : memref<200x128xf32, #tpu.memory_space<vmem>> -> memref<72x128xf32, #tpu.memory_space<vmem>>
    %dma_wait3A_252 = arith.constant 0 : i32
    %dma_wait3A_253 = tpu.memref_slice %arg7[%dma_wait3A_243, %dma_wait3A_252] : memref<64x128xi32, #tpu.memory_space<vmem>> -> memref<1x72xi32, #tpu.memory_space<vmem>>
    %dma_wait3A_254 = tpu.memref_squeeze %dma_wait3A_253 : memref<1x72xi32, #tpu.memory_space<vmem>> -> memref<72xi32, #tpu.memory_space<vmem>>
    %dma_wait3A_255 = arith.constant 0 : i32
    %dma_wait3A_256 = arith.constant 0 : i32
    %dma_wait3A_257 = tpu.memref_slice %arg4[%dma_wait3A_255, %dma_wait3A_256] : memref<400000x128xf32, #tpu.memory_space<hbm>> -> memref<400000x128xf32, #tpu.memory_space<hbm>>
    tpu.wait_indirect_dma semaphore(%arg15 : memref<!tpu.dma_semaphore, #tpu.memory_space<semaphore_mem>>) src(%dma_wait3A_257 : memref<400000x128xf32, #tpu.memory_space<hbm>>) dst(%dma_wait3A_251 : memref<72x128xf32, #tpu.memory_space<vmem>>)
    %add3A_258 = arith.constant 0 : i32
    %add3A_259 = arith.addi %mul3A_2, %add3A_258 : i32
    %add3A_260 = arith.constant 62 : i32
    %add3A_261 = arith.addi %add3A_259, %add3A_260 : i32
    %mul3A_262 = arith.constant 200 : i32
    %mul3A_263 = arith.muli %add3A_261, %mul3A_262 : i32
    %dma_start3A_264 = arith.constant 2 : i32
    %dma_start3A_265 = arith.constant 0 : i32
    %dma_start3A_266 = arith.constant 0 : i32
    %dma_start3A_267 = tpu.memref_slice %arg8[%dma_start3A_264, %dma_start3A_265, %dma_start3A_266] : memref<4x200x128xf32, #tpu.memory_space<vmem>> -> memref<1x200x128xf32, #tpu.memory_space<vmem>>
    %dma_start3A_268 = tpu.memref_squeeze %dma_start3A_267 : memref<1x200x128xf32, #tpu.memory_space<vmem>> -> memref<200x128xf32, #tpu.memory_space<vmem>>
    %dma_start3A_269 = arith.constant 0 : i32
    %dma_start3A_270 = tpu.memref_slice %arg5[%mul3A_263, %dma_start3A_269] : memref<819200x128xf32, #tpu.memory_space<hbm>> -> memref<200x128xf32, #tpu.memory_space<hbm>>
    %dma_start3A_271 = arith.constant 0 : i32
    %dma_start3A_272 = tpu.memref_slice %arg5[%mul3A_263, %dma_start3A_271] : memref<819200x128xf32, #tpu.memory_space<hbm>> -> memref<200x128xf32, #tpu.memory_space<hbm>>
    %dma_start3A_273 = arith.constant 0 : i32
    %dma_start3A_274 = arith.constant 0 : i32
    %dma_start3A_275 = tpu.memref_slice %arg8[%dma_start3A_264, %dma_start3A_273, %dma_start3A_274] : memref<4x200x128xf32, #tpu.memory_space<vmem>> -> memref<1x200x128xf32, #tpu.memory_space<vmem>>
    %dma_start3A_276 = tpu.memref_squeeze %dma_start3A_275 : memref<1x200x128xf32, #tpu.memory_space<vmem>> -> memref<200x128xf32, #tpu.memory_space<vmem>>
    tpu.enqueue_dma source(%dma_start3A_276 : memref<200x128xf32, #tpu.memory_space<vmem>>) target(%dma_start3A_272 : memref<200x128xf32, #tpu.memory_space<hbm>>) target_semaphore(%arg19 : memref<!tpu.dma_semaphore, #tpu.memory_space<semaphore_mem>>)
    %dma_wait3A_277 = arith.constant 63 : i32
    %dma_wait3A_278 = arith.constant 3 : i32
    %dma_wait3A_279 = arith.constant 0 : i32
    %dma_wait3A_280 = arith.constant 0 : i32
    %dma_wait3A_281 = tpu.memref_slice %arg8[%dma_wait3A_278, %dma_wait3A_279, %dma_wait3A_280] : memref<4x200x128xf32, #tpu.memory_space<vmem>> -> memref<1x200x128xf32, #tpu.memory_space<vmem>>
    %dma_wait3A_282 = tpu.memref_squeeze %dma_wait3A_281 : memref<1x200x128xf32, #tpu.memory_space<vmem>> -> memref<200x128xf32, #tpu.memory_space<vmem>>
    %dma_wait3A_283 = arith.constant 0 : i32
    %dma_wait3A_284 = arith.constant 0 : i32
    %dma_wait3A_285 = tpu.memref_slice %dma_wait3A_282[%dma_wait3A_283, %dma_wait3A_284] : memref<200x128xf32, #tpu.memory_space<vmem>> -> memref<128x128xf32, #tpu.memory_space<vmem>>
    %dma_wait3A_286 = arith.constant 0 : i32
    %dma_wait3A_287 = tpu.memref_slice %arg6[%dma_wait3A_277, %dma_wait3A_286] : memref<64x128xi32, #tpu.memory_space<vmem>> -> memref<1x128xi32, #tpu.memory_space<vmem>>
    %dma_wait3A_288 = tpu.memref_squeeze %dma_wait3A_287 : memref<1x128xi32, #tpu.memory_space<vmem>> -> memref<128xi32, #tpu.memory_space<vmem>>
    %dma_wait3A_289 = arith.constant 0 : i32
    %dma_wait3A_290 = arith.constant 0 : i32
    %dma_wait3A_291 = tpu.memref_slice %arg4[%dma_wait3A_289, %dma_wait3A_290] : memref<400000x128xf32, #tpu.memory_space<hbm>> -> memref<400000x128xf32, #tpu.memory_space<hbm>>
    tpu.wait_indirect_dma semaphore(%arg12 : memref<!tpu.dma_semaphore, #tpu.memory_space<semaphore_mem>>) src(%dma_wait3A_291 : memref<400000x128xf32, #tpu.memory_space<hbm>>) dst(%dma_wait3A_285 : memref<128x128xf32, #tpu.memory_space<vmem>>)
    %dma_wait3A_292 = arith.constant 63 : i32
    %dma_wait3A_293 = arith.constant 3 : i32
    %dma_wait3A_294 = arith.constant 0 : i32
    %dma_wait3A_295 = arith.constant 0 : i32
    %dma_wait3A_296 = tpu.memref_slice %arg8[%dma_wait3A_293, %dma_wait3A_294, %dma_wait3A_295] : memref<4x200x128xf32, #tpu.memory_space<vmem>> -> memref<1x200x128xf32, #tpu.memory_space<vmem>>
    %dma_wait3A_297 = tpu.memref_squeeze %dma_wait3A_296 : memref<1x200x128xf32, #tpu.memory_space<vmem>> -> memref<200x128xf32, #tpu.memory_space<vmem>>
    %dma_wait3A_298 = arith.constant 128 : i32
    %dma_wait3A_299 = arith.constant 0 : i32
    %dma_wait3A_300 = tpu.memref_slice %dma_wait3A_297[%dma_wait3A_298, %dma_wait3A_299] : memref<200x128xf32, #tpu.memory_space<vmem>> -> memref<72x128xf32, #tpu.memory_space<vmem>>
    %dma_wait3A_301 = arith.constant 0 : i32
    %dma_wait3A_302 = tpu.memref_slice %arg7[%dma_wait3A_292, %dma_wait3A_301] : memref<64x128xi32, #tpu.memory_space<vmem>> -> memref<1x72xi32, #tpu.memory_space<vmem>>
    %dma_wait3A_303 = tpu.memref_squeeze %dma_wait3A_302 : memref<1x72xi32, #tpu.memory_space<vmem>> -> memref<72xi32, #tpu.memory_space<vmem>>
    %dma_wait3A_304 = arith.constant 0 : i32
    %dma_wait3A_305 = arith.constant 0 : i32
    %dma_wait3A_306 = tpu.memref_slice %arg4[%dma_wait3A_304, %dma_wait3A_305] : memref<400000x128xf32, #tpu.memory_space<hbm>> -> memref<400000x128xf32, #tpu.memory_space<hbm>>
    tpu.wait_indirect_dma semaphore(%arg16 : memref<!tpu.dma_semaphore, #tpu.memory_space<semaphore_mem>>) src(%dma_wait3A_306 : memref<400000x128xf32, #tpu.memory_space<hbm>>) dst(%dma_wait3A_300 : memref<72x128xf32, #tpu.memory_space<vmem>>)
    %add3A_307 = arith.constant 0 : i32
    %add3A_308 = arith.addi %mul3A_2, %add3A_307 : i32
    %add3A_309 = arith.constant 63 : i32
    %add3A_310 = arith.addi %add3A_308, %add3A_309 : i32
    %mul3A_311 = arith.constant 200 : i32
    %mul3A_312 = arith.muli %add3A_310, %mul3A_311 : i32
    %dma_start3A_313 = arith.constant 3 : i32
    %dma_start3A_314 = arith.constant 0 : i32
    %dma_start3A_315 = arith.constant 0 : i32
    %dma_start3A_316 = tpu.memref_slice %arg8[%dma_start3A_313, %dma_start3A_314, %dma_start3A_315] : memref<4x200x128xf32, #tpu.memory_space<vmem>> -> memref<1x200x128xf32, #tpu.memory_space<vmem>>
    %dma_start3A_317 = tpu.memref_squeeze %dma_start3A_316 : memref<1x200x128xf32, #tpu.memory_space<vmem>> -> memref<200x128xf32, #tpu.memory_space<vmem>>
    %dma_start3A_318 = arith.constant 0 : i32
    %dma_start3A_319 = tpu.memref_slice %arg5[%mul3A_312, %dma_start3A_318] : memref<819200x128xf32, #tpu.memory_space<hbm>> -> memref<200x128xf32, #tpu.memory_space<hbm>>
    %dma_start3A_320 = arith.constant 0 : i32
    %dma_start3A_321 = tpu.memref_slice %arg5[%mul3A_312, %dma_start3A_320] : memref<819200x128xf32, #tpu.memory_space<hbm>> -> memref<200x128xf32, #tpu.memory_space<hbm>>
    %dma_start3A_322 = arith.constant 0 : i32
    %dma_start3A_323 = arith.constant 0 : i32
    %dma_start3A_324 = tpu.memref_slice %arg8[%dma_start3A_313, %dma_start3A_322, %dma_start3A_323] : memref<4x200x128xf32, #tpu.memory_space<vmem>> -> memref<1x200x128xf32, #tpu.memory_space<vmem>>
    %dma_start3A_325 = tpu.memref_squeeze %dma_start3A_324 : memref<1x200x128xf32, #tpu.memory_space<vmem>> -> memref<200x128xf32, #tpu.memory_space<vmem>>
    tpu.enqueue_dma source(%dma_start3A_325 : memref<200x128xf32, #tpu.memory_space<vmem>>) target(%dma_start3A_321 : memref<200x128xf32, #tpu.memory_space<hbm>>) target_semaphore(%arg20 : memref<!tpu.dma_semaphore, #tpu.memory_space<semaphore_mem>>)
    %add3A_326 = arith.constant 0 : i32
    %add3A_327 = arith.addi %mul3A_2, %add3A_326 : i32
    %add3A_328 = arith.constant 60 : i32
    %add3A_329 = arith.addi %add3A_327, %add3A_328 : i32
    %mul3A_330 = arith.constant 200 : i32
    %mul3A_331 = arith.muli %add3A_329, %mul3A_330 : i32
    %dma_wait3A_332 = arith.constant 0 : i32
    %dma_wait3A_333 = arith.constant 0 : i32
    %dma_wait3A_334 = arith.constant 0 : i32
    %dma_wait3A_335 = tpu.memref_slice %arg8[%dma_wait3A_332, %dma_wait3A_333, %dma_wait3A_334] : memref<4x200x128xf32, #tpu.memory_space<vmem>> -> memref<1x200x128xf32, #tpu.memory_space<vmem>>
    %dma_wait3A_336 = tpu.memref_squeeze %dma_wait3A_335 : memref<1x200x128xf32, #tpu.memory_space<vmem>> -> memref<200x128xf32, #tpu.memory_space<vmem>>
    %dma_wait3A_337 = arith.constant 0 : i32
    %dma_wait3A_338 = tpu.memref_slice %arg5[%mul3A_331, %dma_wait3A_337] : memref<819200x128xf32, #tpu.memory_space<hbm>> -> memref<200x128xf32, #tpu.memory_space<hbm>>
    %dma_wait3A_339 = arith.constant 0 : i32
    %dma_wait3A_340 = tpu.memref_slice %arg5[%mul3A_331, %dma_wait3A_339] : memref<819200x128xf32, #tpu.memory_space<hbm>> -> memref<200x128xf32, #tpu.memory_space<hbm>>
    %dma_wait3A_341 = arith.constant 0 : i32
    %dma_wait3A_342 = arith.constant 0 : i32
    %dma_wait3A_343 = tpu.memref_slice %arg8[%dma_wait3A_332, %dma_wait3A_341, %dma_wait3A_342] : memref<4x200x128xf32, #tpu.memory_space<vmem>> -> memref<1x200x128xf32, #tpu.memory_space<vmem>>
    %dma_wait3A_344 = tpu.memref_squeeze %dma_wait3A_343 : memref<1x200x128xf32, #tpu.memory_space<vmem>> -> memref<200x128xf32, #tpu.memory_space<vmem>>
    tpu.wait_dma2 semaphore(%arg17 : memref<!tpu.dma_semaphore, #tpu.memory_space<semaphore_mem>>) src(%dma_wait3A_344 : memref<200x128xf32, #tpu.memory_space<vmem>>) dst(%dma_wait3A_340 : memref<200x128xf32, #tpu.memory_space<hbm>>)
    %add3A_345 = arith.constant 0 : i32
    %add3A_346 = arith.addi %mul3A_2, %add3A_345 : i32
    %add3A_347 = arith.constant 61 : i32
    %add3A_348 = arith.addi %add3A_346, %add3A_347 : i32
    %mul3A_349 = arith.constant 200 : i32
    %mul3A_350 = arith.muli %add3A_348, %mul3A_349 : i32
    %dma_wait3A_351 = arith.constant 1 : i32
    %dma_wait3A_352 = arith.constant 0 : i32
    %dma_wait3A_353 = arith.constant 0 : i32
    %dma_wait3A_354 = tpu.memref_slice %arg8[%dma_wait3A_351, %dma_wait3A_352, %dma_wait3A_353] : memref<4x200x128xf32, #tpu.memory_space<vmem>> -> memref<1x200x128xf32, #tpu.memory_space<vmem>>
    %dma_wait3A_355 = tpu.memref_squeeze %dma_wait3A_354 : memref<1x200x128xf32, #tpu.memory_space<vmem>> -> memref<200x128xf32, #tpu.memory_space<vmem>>
    %dma_wait3A_356 = arith.constant 0 : i32
    %dma_wait3A_357 = tpu.memref_slice %arg5[%mul3A_350, %dma_wait3A_356] : memref<819200x128xf32, #tpu.memory_space<hbm>> -> memref<200x128xf32, #tpu.memory_space<hbm>>
    %dma_wait3A_358 = arith.constant 0 : i32
    %dma_wait3A_359 = tpu.memref_slice %arg5[%mul3A_350, %dma_wait3A_358] : memref<819200x128xf32, #tpu.memory_space<hbm>> -> memref<200x128xf32, #tpu.memory_space<hbm>>
    %dma_wait3A_360 = arith.constant 0 : i32
    %dma_wait3A_361 = arith.constant 0 : i32
    %dma_wait3A_362 = tpu.memref_slice %arg8[%dma_wait3A_351, %dma_wait3A_360, %dma_wait3A_361] : memref<4x200x128xf32, #tpu.memory_space<vmem>> -> memref<1x200x128xf32, #tpu.memory_space<vmem>>
    %dma_wait3A_363 = tpu.memref_squeeze %dma_wait3A_362 : memref<1x200x128xf32, #tpu.memory_space<vmem>> -> memref<200x128xf32, #tpu.memory_space<vmem>>
    tpu.wait_dma2 semaphore(%arg18 : memref<!tpu.dma_semaphore, #tpu.memory_space<semaphore_mem>>) src(%dma_wait3A_363 : memref<200x128xf32, #tpu.memory_space<vmem>>) dst(%dma_wait3A_359 : memref<200x128xf32, #tpu.memory_space<hbm>>)
    %add3A_364 = arith.constant 0 : i32
    %add3A_365 = arith.addi %mul3A_2, %add3A_364 : i32
    %add3A_366 = arith.constant 62 : i32
    %add3A_367 = arith.addi %add3A_365, %add3A_366 : i32
    %mul3A_368 = arith.constant 200 : i32
    %mul3A_369 = arith.muli %add3A_367, %mul3A_368 : i32
    %dma_wait3A_370 = arith.constant 2 : i32
    %dma_wait3A_371 = arith.constant 0 : i32
    %dma_wait3A_372 = arith.constant 0 : i32
    %dma_wait3A_373 = tpu.memref_slice %arg8[%dma_wait3A_370, %dma_wait3A_371, %dma_wait3A_372] : memref<4x200x128xf32, #tpu.memory_space<vmem>> -> memref<1x200x128xf32, #tpu.memory_space<vmem>>
    %dma_wait3A_374 = tpu.memref_squeeze %dma_wait3A_373 : memref<1x200x128xf32, #tpu.memory_space<vmem>> -> memref<200x128xf32, #tpu.memory_space<vmem>>
    %dma_wait3A_375 = arith.constant 0 : i32
    %dma_wait3A_376 = tpu.memref_slice %arg5[%mul3A_369, %dma_wait3A_375] : memref<819200x128xf32, #tpu.memory_space<hbm>> -> memref<200x128xf32, #tpu.memory_space<hbm>>
    %dma_wait3A_377 = arith.constant 0 : i32
    %dma_wait3A_378 = tpu.memref_slice %arg5[%mul3A_369, %dma_wait3A_377] : memref<819200x128xf32, #tpu.memory_space<hbm>> -> memref<200x128xf32, #tpu.memory_space<hbm>>
    %dma_wait3A_379 = arith.constant 0 : i32
    %dma_wait3A_380 = arith.constant 0 : i32
    %dma_wait3A_381 = tpu.memref_slice %arg8[%dma_wait3A_370, %dma_wait3A_379, %dma_wait3A_380] : memref<4x200x128xf32, #tpu.memory_space<vmem>> -> memref<1x200x128xf32, #tpu.memory_space<vmem>>
    %dma_wait3A_382 = tpu.memref_squeeze %dma_wait3A_381 : memref<1x200x128xf32, #tpu.memory_space<vmem>> -> memref<200x128xf32, #tpu.memory_space<vmem>>
    tpu.wait_dma2 semaphore(%arg19 : memref<!tpu.dma_semaphore, #tpu.memory_space<semaphore_mem>>) src(%dma_wait3A_382 : memref<200x128xf32, #tpu.memory_space<vmem>>) dst(%dma_wait3A_378 : memref<200x128xf32, #tpu.memory_space<hbm>>)
    %add3A_383 = arith.constant 0 : i32
    %add3A_384 = arith.addi %mul3A_2, %add3A_383 : i32
    %add3A_385 = arith.constant 63 : i32
    %add3A_386 = arith.addi %add3A_384, %add3A_385 : i32
    %mul3A_387 = arith.constant 200 : i32
    %mul3A_388 = arith.muli %add3A_386, %mul3A_387 : i32
    %dma_wait3A_389 = arith.constant 3 : i32
    %dma_wait3A_390 = arith.constant 0 : i32
    %dma_wait3A_391 = arith.constant 0 : i32
    %dma_wait3A_392 = tpu.memref_slice %arg8[%dma_wait3A_389, %dma_wait3A_390, %dma_wait3A_391] : memref<4x200x128xf32, #tpu.memory_space<vmem>> -> memref<1x200x128xf32, #tpu.memory_space<vmem>>
    %dma_wait3A_393 = tpu.memref_squeeze %dma_wait3A_392 : memref<1x200x128xf32, #tpu.memory_space<vmem>> -> memref<200x128xf32, #tpu.memory_space<vmem>>
    %dma_wait3A_394 = arith.constant 0 : i32
    %dma_wait3A_395 = tpu.memref_slice %arg5[%mul3A_388, %dma_wait3A_394] : memref<819200x128xf32, #tpu.memory_space<hbm>> -> memref<200x128xf32, #tpu.memory_space<hbm>>
    %dma_wait3A_396 = arith.constant 0 : i32
    %dma_wait3A_397 = tpu.memref_slice %arg5[%mul3A_388, %dma_wait3A_396] : memref<819200x128xf32, #tpu.memory_space<hbm>> -> memref<200x128xf32, #tpu.memory_space<hbm>>
    %dma_wait3A_398 = arith.constant 0 : i32
    %dma_wait3A_399 = arith.constant 0 : i32
    %dma_wait3A_400 = tpu.memref_slice %arg8[%dma_wait3A_389, %dma_wait3A_398, %dma_wait3A_399] : memref<4x200x128xf32, #tpu.memory_space<vmem>> -> memref<1x200x128xf32, #tpu.memory_space<vmem>>
    %dma_wait3A_401 = tpu.memref_squeeze %dma_wait3A_400 : memref<1x200x128xf32, #tpu.memory_space<vmem>> -> memref<200x128xf32, #tpu.memory_space<vmem>>
    tpu.wait_dma2 semaphore(%arg20 : memref<!tpu.dma_semaphore, #tpu.memory_space<semaphore_mem>>) src(%dma_wait3A_401 : memref<200x128xf32, #tpu.memory_space<vmem>>) dst(%dma_wait3A_397 : memref<200x128xf32, #tpu.memory_space<hbm>>)
    %add3A_402 = arith.constant 64 : i32
    %add3A_403 = arith.addi %mul3A_2, %add3A_402 : i32
    "tpu.region"() ({
      %run_scoped3A = tpu.sem_alloc : memref<!tpu.dma_semaphore, #tpu.memory_space<semaphore_mem>>
      %dma_start3A_804 = arith.constant 0 : i32
      %dma_start3A_805 = tpu.memref_slice %arg2[%add3A_403, %dma_start3A_804] : memref<4096x128xi32, #tpu.memory_space<hbm>> -> memref<64x128xi32, #tpu.memory_space<hbm>>
      %dma_start3A_806 = arith.constant 0 : i32
      %dma_start3A_807 = tpu.memref_slice %arg2[%add3A_403, %dma_start3A_806] : memref<4096x128xi32, #tpu.memory_space<hbm>> -> memref<64x128xi32, #tpu.memory_space<hbm>>
      tpu.enqueue_dma source(%dma_start3A_807 : memref<64x128xi32, #tpu.memory_space<hbm>>) target(%arg6 : memref<64x128xi32, #tpu.memory_space<vmem>>) target_semaphore(%run_scoped3A : memref<!tpu.dma_semaphore, #tpu.memory_space<semaphore_mem>>)
      %dma_wait3A_808 = arith.constant 0 : i32
      %dma_wait3A_809 = tpu.memref_slice %arg2[%add3A_403, %dma_wait3A_808] : memref<4096x128xi32, #tpu.memory_space<hbm>> -> memref<64x128xi32, #tpu.memory_space<hbm>>
      %dma_wait3A_810 = arith.constant 0 : i32
      %dma_wait3A_811 = tpu.memref_slice %arg2[%add3A_403, %dma_wait3A_810] : memref<4096x128xi32, #tpu.memory_space<hbm>> -> memref<64x128xi32, #tpu.memory_space<hbm>>
      tpu.wait_dma2 semaphore(%run_scoped3A : memref<!tpu.dma_semaphore, #tpu.memory_space<semaphore_mem>>) src(%dma_wait3A_811 : memref<64x128xi32, #tpu.memory_space<hbm>>) dst(%arg6 : memref<64x128xi32, #tpu.memory_space<vmem>>)
      tpu.yield
    }) : () -> ()
    %add3A_404 = arith.constant 64 : i32
    %add3A_405 = arith.addi %mul3A_2, %add3A_404 : i32
    "tpu.region"() ({
      %run_scoped3A = tpu.sem_alloc : memref<!tpu.dma_semaphore, #tpu.memory_space<semaphore_mem>>
      %dma_start3A_804 = arith.constant 0 : i32
      %dma_start3A_805 = tpu.memref_slice %arg3[%add3A_405, %dma_start3A_804] : memref<4096x128xi32, #tpu.memory_space<hbm>> -> memref<64x128xi32, #tpu.memory_space<hbm>>
      %dma_start3A_806 = arith.constant 0 : i32
      %dma_start3A_807 = tpu.memref_slice %arg3[%add3A_405, %dma_start3A_806] : memref<4096x128xi32, #tpu.memory_space<hbm>> -> memref<64x128xi32, #tpu.memory_space<hbm>>
      tpu.enqueue_dma source(%dma_start3A_807 : memref<64x128xi32, #tpu.memory_space<hbm>>) target(%arg7 : memref<64x128xi32, #tpu.memory_space<vmem>>) target_semaphore(%run_scoped3A : memref<!tpu.dma_semaphore, #tpu.memory_space<semaphore_mem>>)
      %dma_wait3A_808 = arith.constant 0 : i32
      %dma_wait3A_809 = tpu.memref_slice %arg3[%add3A_405, %dma_wait3A_808] : memref<4096x128xi32, #tpu.memory_space<hbm>> -> memref<64x128xi32, #tpu.memory_space<hbm>>
      %dma_wait3A_810 = arith.constant 0 : i32
      %dma_wait3A_811 = tpu.memref_slice %arg3[%add3A_405, %dma_wait3A_810] : memref<4096x128xi32, #tpu.memory_space<hbm>> -> memref<64x128xi32, #tpu.memory_space<hbm>>
      tpu.wait_dma2 semaphore(%run_scoped3A : memref<!tpu.dma_semaphore, #tpu.memory_space<semaphore_mem>>) src(%dma_wait3A_811 : memref<64x128xi32, #tpu.memory_space<hbm>>) dst(%arg7 : memref<64x128xi32, #tpu.memory_space<vmem>>)
      tpu.yield
    }) : () -> ()
    %dma_start3A_406 = arith.constant 0 : i32
    %dma_start3A_407 = arith.constant 0 : i32
    %dma_start3A_408 = arith.constant 0 : i32
    %dma_start3A_409 = arith.constant 0 : i32
    %dma_start3A_410 = tpu.memref_slice %arg8[%dma_start3A_407, %dma_start3A_408, %dma_start3A_409] : memref<4x200x128xf32, #tpu.memory_space<vmem>> -> memref<1x200x128xf32, #tpu.memory_space<vmem>>
    %dma_start3A_411 = tpu.memref_squeeze %dma_start3A_410 : memref<1x200x128xf32, #tpu.memory_space<vmem>> -> memref<200x128xf32, #tpu.memory_space<vmem>>
    %dma_start3A_412 = arith.constant 0 : i32
    %dma_start3A_413 = arith.constant 0 : i32
    %dma_start3A_414 = tpu.memref_slice %dma_start3A_411[%dma_start3A_412, %dma_start3A_413] : memref<200x128xf32, #tpu.memory_space<vmem>> -> memref<128x128xf32, #tpu.memory_space<vmem>>
    %dma_start3A_415 = arith.constant 0 : i32
    %dma_start3A_416 = tpu.memref_slice %arg6[%dma_start3A_406, %dma_start3A_415] : memref<64x128xi32, #tpu.memory_space<vmem>> -> memref<1x128xi32, #tpu.memory_space<vmem>>
    %dma_start3A_417 = tpu.memref_squeeze %dma_start3A_416 : memref<1x128xi32, #tpu.memory_space<vmem>> -> memref<128xi32, #tpu.memory_space<vmem>>
    %dma_start3A_418 = arith.constant 0 : i32
    %dma_start3A_419 = arith.constant 0 : i32
    %dma_start3A_420 = tpu.memref_slice %arg4[%dma_start3A_418, %dma_start3A_419] : memref<400000x128xf32, #tpu.memory_space<hbm>> -> memref<400000x128xf32, #tpu.memory_space<hbm>>
    tpu.enqueue_indirect_dma source(%dma_start3A_420 : memref<400000x128xf32, #tpu.memory_space<hbm>>) target(%dma_start3A_414 : memref<128x128xf32, #tpu.memory_space<vmem>>) offsets(%dma_start3A_417 : memref<128xi32, #tpu.memory_space<vmem>>) semaphore(%arg9 : memref<!tpu.dma_semaphore, #tpu.memory_space<semaphore_mem>>)
    %dma_start3A_421 = arith.constant 0 : i32
    %dma_start3A_422 = arith.constant 0 : i32
    %dma_start3A_423 = arith.constant 0 : i32
    %dma_start3A_424 = arith.constant 0 : i32
    %dma_start3A_425 = tpu.memref_slice %arg8[%dma_start3A_422, %dma_start3A_423, %dma_start3A_424] : memref<4x200x128xf32, #tpu.memory_space<vmem>> -> memref<1x200x128xf32, #tpu.memory_space<vmem>>
    %dma_start3A_426 = tpu.memref_squeeze %dma_start3A_425 : memref<1x200x128xf32, #tpu.memory_space<vmem>> -> memref<200x128xf32, #tpu.memory_space<vmem>>
    %dma_start3A_427 = arith.constant 128 : i32
    %dma_start3A_428 = arith.constant 0 : i32
    %dma_start3A_429 = tpu.memref_slice %dma_start3A_426[%dma_start3A_427, %dma_start3A_428] : memref<200x128xf32, #tpu.memory_space<vmem>> -> memref<72x128xf32, #tpu.memory_space<vmem>>
    %dma_start3A_430 = arith.constant 0 : i32
    %dma_start3A_431 = tpu.memref_slice %arg7[%dma_start3A_421, %dma_start3A_430] : memref<64x128xi32, #tpu.memory_space<vmem>> -> memref<1x72xi32, #tpu.memory_space<vmem>>
    %dma_start3A_432 = tpu.memref_squeeze %dma_start3A_431 : memref<1x72xi32, #tpu.memory_space<vmem>> -> memref<72xi32, #tpu.memory_space<vmem>>
    %dma_start3A_433 = arith.constant 0 : i32
    %dma_start3A_434 = arith.constant 0 : i32
    %dma_start3A_435 = tpu.memref_slice %arg4[%dma_start3A_433, %dma_start3A_434] : memref<400000x128xf32, #tpu.memory_space<hbm>> -> memref<400000x128xf32, #tpu.memory_space<hbm>>
    tpu.enqueue_indirect_dma source(%dma_start3A_435 : memref<400000x128xf32, #tpu.memory_space<hbm>>) target(%dma_start3A_429 : memref<72x128xf32, #tpu.memory_space<vmem>>) offsets(%dma_start3A_432 : memref<72xi32, #tpu.memory_space<vmem>>) semaphore(%arg13 : memref<!tpu.dma_semaphore, #tpu.memory_space<semaphore_mem>>)
    %dma_start3A_436 = arith.constant 1 : i32
    %dma_start3A_437 = arith.constant 1 : i32
    %dma_start3A_438 = arith.constant 0 : i32
    %dma_start3A_439 = arith.constant 0 : i32
    %dma_start3A_440 = tpu.memref_slice %arg8[%dma_start3A_437, %dma_start3A_438, %dma_start3A_439] : memref<4x200x128xf32, #tpu.memory_space<vmem>> -> memref<1x200x128xf32, #tpu.memory_space<vmem>>
    %dma_start3A_441 = tpu.memref_squeeze %dma_start3A_440 : memref<1x200x128xf32, #tpu.memory_space<vmem>> -> memref<200x128xf32, #tpu.memory_space<vmem>>
    %dma_start3A_442 = arith.constant 0 : i32
    %dma_start3A_443 = arith.constant 0 : i32
    %dma_start3A_444 = tpu.memref_slice %dma_start3A_441[%dma_start3A_442, %dma_start3A_443] : memref<200x128xf32, #tpu.memory_space<vmem>> -> memref<128x128xf32, #tpu.memory_space<vmem>>
    %dma_start3A_445 = arith.constant 0 : i32
    %dma_start3A_446 = tpu.memref_slice %arg6[%dma_start3A_436, %dma_start3A_445] : memref<64x128xi32, #tpu.memory_space<vmem>> -> memref<1x128xi32, #tpu.memory_space<vmem>>
    %dma_start3A_447 = tpu.memref_squeeze %dma_start3A_446 : memref<1x128xi32, #tpu.memory_space<vmem>> -> memref<128xi32, #tpu.memory_space<vmem>>
    %dma_start3A_448 = arith.constant 0 : i32
    %dma_start3A_449 = arith.constant 0 : i32
    %dma_start3A_450 = tpu.memref_slice %arg4[%dma_start3A_448, %dma_start3A_449] : memref<400000x128xf32, #tpu.memory_space<hbm>> -> memref<400000x128xf32, #tpu.memory_space<hbm>>
    tpu.enqueue_indirect_dma source(%dma_start3A_450 : memref<400000x128xf32, #tpu.memory_space<hbm>>) target(%dma_start3A_444 : memref<128x128xf32, #tpu.memory_space<vmem>>) offsets(%dma_start3A_447 : memref<128xi32, #tpu.memory_space<vmem>>) semaphore(%arg10 : memref<!tpu.dma_semaphore, #tpu.memory_space<semaphore_mem>>)
    %dma_start3A_451 = arith.constant 1 : i32
    %dma_start3A_452 = arith.constant 1 : i32
    %dma_start3A_453 = arith.constant 0 : i32
    %dma_start3A_454 = arith.constant 0 : i32
    %dma_start3A_455 = tpu.memref_slice %arg8[%dma_start3A_452, %dma_start3A_453, %dma_start3A_454] : memref<4x200x128xf32, #tpu.memory_space<vmem>> -> memref<1x200x128xf32, #tpu.memory_space<vmem>>
    %dma_start3A_456 = tpu.memref_squeeze %dma_start3A_455 : memref<1x200x128xf32, #tpu.memory_space<vmem>> -> memref<200x128xf32, #tpu.memory_space<vmem>>
    %dma_start3A_457 = arith.constant 128 : i32
    %dma_start3A_458 = arith.constant 0 : i32
    %dma_start3A_459 = tpu.memref_slice %dma_start3A_456[%dma_start3A_457, %dma_start3A_458] : memref<200x128xf32, #tpu.memory_space<vmem>> -> memref<72x128xf32, #tpu.memory_space<vmem>>
    %dma_start3A_460 = arith.constant 0 : i32
    %dma_start3A_461 = tpu.memref_slice %arg7[%dma_start3A_451, %dma_start3A_460] : memref<64x128xi32, #tpu.memory_space<vmem>> -> memref<1x72xi32, #tpu.memory_space<vmem>>
    %dma_start3A_462 = tpu.memref_squeeze %dma_start3A_461 : memref<1x72xi32, #tpu.memory_space<vmem>> -> memref<72xi32, #tpu.memory_space<vmem>>
    %dma_start3A_463 = arith.constant 0 : i32
    %dma_start3A_464 = arith.constant 0 : i32
    %dma_start3A_465 = tpu.memref_slice %arg4[%dma_start3A_463, %dma_start3A_464] : memref<400000x128xf32, #tpu.memory_space<hbm>> -> memref<400000x128xf32, #tpu.memory_space<hbm>>
    tpu.enqueue_indirect_dma source(%dma_start3A_465 : memref<400000x128xf32, #tpu.memory_space<hbm>>) target(%dma_start3A_459 : memref<72x128xf32, #tpu.memory_space<vmem>>) offsets(%dma_start3A_462 : memref<72xi32, #tpu.memory_space<vmem>>) semaphore(%arg14 : memref<!tpu.dma_semaphore, #tpu.memory_space<semaphore_mem>>)
    %dma_start3A_466 = arith.constant 2 : i32
    %dma_start3A_467 = arith.constant 2 : i32
    %dma_start3A_468 = arith.constant 0 : i32
    %dma_start3A_469 = arith.constant 0 : i32
    %dma_start3A_470 = tpu.memref_slice %arg8[%dma_start3A_467, %dma_start3A_468, %dma_start3A_469] : memref<4x200x128xf32, #tpu.memory_space<vmem>> -> memref<1x200x128xf32, #tpu.memory_space<vmem>>
    %dma_start3A_471 = tpu.memref_squeeze %dma_start3A_470 : memref<1x200x128xf32, #tpu.memory_space<vmem>> -> memref<200x128xf32, #tpu.memory_space<vmem>>
    %dma_start3A_472 = arith.constant 0 : i32
    %dma_start3A_473 = arith.constant 0 : i32
    %dma_start3A_474 = tpu.memref_slice %dma_start3A_471[%dma_start3A_472, %dma_start3A_473] : memref<200x128xf32, #tpu.memory_space<vmem>> -> memref<128x128xf32, #tpu.memory_space<vmem>>
    %dma_start3A_475 = arith.constant 0 : i32
    %dma_start3A_476 = tpu.memref_slice %arg6[%dma_start3A_466, %dma_start3A_475] : memref<64x128xi32, #tpu.memory_space<vmem>> -> memref<1x128xi32, #tpu.memory_space<vmem>>
    %dma_start3A_477 = tpu.memref_squeeze %dma_start3A_476 : memref<1x128xi32, #tpu.memory_space<vmem>> -> memref<128xi32, #tpu.memory_space<vmem>>
    %dma_start3A_478 = arith.constant 0 : i32
    %dma_start3A_479 = arith.constant 0 : i32
    %dma_start3A_480 = tpu.memref_slice %arg4[%dma_start3A_478, %dma_start3A_479] : memref<400000x128xf32, #tpu.memory_space<hbm>> -> memref<400000x128xf32, #tpu.memory_space<hbm>>
    tpu.enqueue_indirect_dma source(%dma_start3A_480 : memref<400000x128xf32, #tpu.memory_space<hbm>>) target(%dma_start3A_474 : memref<128x128xf32, #tpu.memory_space<vmem>>) offsets(%dma_start3A_477 : memref<128xi32, #tpu.memory_space<vmem>>) semaphore(%arg11 : memref<!tpu.dma_semaphore, #tpu.memory_space<semaphore_mem>>)
    %dma_start3A_481 = arith.constant 2 : i32
    %dma_start3A_482 = arith.constant 2 : i32
    %dma_start3A_483 = arith.constant 0 : i32
    %dma_start3A_484 = arith.constant 0 : i32
    %dma_start3A_485 = tpu.memref_slice %arg8[%dma_start3A_482, %dma_start3A_483, %dma_start3A_484] : memref<4x200x128xf32, #tpu.memory_space<vmem>> -> memref<1x200x128xf32, #tpu.memory_space<vmem>>
    %dma_start3A_486 = tpu.memref_squeeze %dma_start3A_485 : memref<1x200x128xf32, #tpu.memory_space<vmem>> -> memref<200x128xf32, #tpu.memory_space<vmem>>
    %dma_start3A_487 = arith.constant 128 : i32
    %dma_start3A_488 = arith.constant 0 : i32
    %dma_start3A_489 = tpu.memref_slice %dma_start3A_486[%dma_start3A_487, %dma_start3A_488] : memref<200x128xf32, #tpu.memory_space<vmem>> -> memref<72x128xf32, #tpu.memory_space<vmem>>
    %dma_start3A_490 = arith.constant 0 : i32
    %dma_start3A_491 = tpu.memref_slice %arg7[%dma_start3A_481, %dma_start3A_490] : memref<64x128xi32, #tpu.memory_space<vmem>> -> memref<1x72xi32, #tpu.memory_space<vmem>>
    %dma_start3A_492 = tpu.memref_squeeze %dma_start3A_491 : memref<1x72xi32, #tpu.memory_space<vmem>> -> memref<72xi32, #tpu.memory_space<vmem>>
    %dma_start3A_493 = arith.constant 0 : i32
    %dma_start3A_494 = arith.constant 0 : i32
    %dma_start3A_495 = tpu.memref_slice %arg4[%dma_start3A_493, %dma_start3A_494] : memref<400000x128xf32, #tpu.memory_space<hbm>> -> memref<400000x128xf32, #tpu.memory_space<hbm>>
    tpu.enqueue_indirect_dma source(%dma_start3A_495 : memref<400000x128xf32, #tpu.memory_space<hbm>>) target(%dma_start3A_489 : memref<72x128xf32, #tpu.memory_space<vmem>>) offsets(%dma_start3A_492 : memref<72xi32, #tpu.memory_space<vmem>>) semaphore(%arg15 : memref<!tpu.dma_semaphore, #tpu.memory_space<semaphore_mem>>)
    %dma_start3A_496 = arith.constant 3 : i32
    %dma_start3A_497 = arith.constant 3 : i32
    %dma_start3A_498 = arith.constant 0 : i32
    %dma_start3A_499 = arith.constant 0 : i32
    %dma_start3A_500 = tpu.memref_slice %arg8[%dma_start3A_497, %dma_start3A_498, %dma_start3A_499] : memref<4x200x128xf32, #tpu.memory_space<vmem>> -> memref<1x200x128xf32, #tpu.memory_space<vmem>>
    %dma_start3A_501 = tpu.memref_squeeze %dma_start3A_500 : memref<1x200x128xf32, #tpu.memory_space<vmem>> -> memref<200x128xf32, #tpu.memory_space<vmem>>
    %dma_start3A_502 = arith.constant 0 : i32
    %dma_start3A_503 = arith.constant 0 : i32
    %dma_start3A_504 = tpu.memref_slice %dma_start3A_501[%dma_start3A_502, %dma_start3A_503] : memref<200x128xf32, #tpu.memory_space<vmem>> -> memref<128x128xf32, #tpu.memory_space<vmem>>
    %dma_start3A_505 = arith.constant 0 : i32
    %dma_start3A_506 = tpu.memref_slice %arg6[%dma_start3A_496, %dma_start3A_505] : memref<64x128xi32, #tpu.memory_space<vmem>> -> memref<1x128xi32, #tpu.memory_space<vmem>>
    %dma_start3A_507 = tpu.memref_squeeze %dma_start3A_506 : memref<1x128xi32, #tpu.memory_space<vmem>> -> memref<128xi32, #tpu.memory_space<vmem>>
    %dma_start3A_508 = arith.constant 0 : i32
    %dma_start3A_509 = arith.constant 0 : i32
    %dma_start3A_510 = tpu.memref_slice %arg4[%dma_start3A_508, %dma_start3A_509] : memref<400000x128xf32, #tpu.memory_space<hbm>> -> memref<400000x128xf32, #tpu.memory_space<hbm>>
    tpu.enqueue_indirect_dma source(%dma_start3A_510 : memref<400000x128xf32, #tpu.memory_space<hbm>>) target(%dma_start3A_504 : memref<128x128xf32, #tpu.memory_space<vmem>>) offsets(%dma_start3A_507 : memref<128xi32, #tpu.memory_space<vmem>>) semaphore(%arg12 : memref<!tpu.dma_semaphore, #tpu.memory_space<semaphore_mem>>)
    %dma_start3A_511 = arith.constant 3 : i32
    %dma_start3A_512 = arith.constant 3 : i32
    %dma_start3A_513 = arith.constant 0 : i32
    %dma_start3A_514 = arith.constant 0 : i32
    %dma_start3A_515 = tpu.memref_slice %arg8[%dma_start3A_512, %dma_start3A_513, %dma_start3A_514] : memref<4x200x128xf32, #tpu.memory_space<vmem>> -> memref<1x200x128xf32, #tpu.memory_space<vmem>>
    %dma_start3A_516 = tpu.memref_squeeze %dma_start3A_515 : memref<1x200x128xf32, #tpu.memory_space<vmem>> -> memref<200x128xf32, #tpu.memory_space<vmem>>
    %dma_start3A_517 = arith.constant 128 : i32
    %dma_start3A_518 = arith.constant 0 : i32
    %dma_start3A_519 = tpu.memref_slice %dma_start3A_516[%dma_start3A_517, %dma_start3A_518] : memref<200x128xf32, #tpu.memory_space<vmem>> -> memref<72x128xf32, #tpu.memory_space<vmem>>
    %dma_start3A_520 = arith.constant 0 : i32
    %dma_start3A_521 = tpu.memref_slice %arg7[%dma_start3A_511, %dma_start3A_520] : memref<64x128xi32, #tpu.memory_space<vmem>> -> memref<1x72xi32, #tpu.memory_space<vmem>>
    %dma_start3A_522 = tpu.memref_squeeze %dma_start3A_521 : memref<1x72xi32, #tpu.memory_space<vmem>> -> memref<72xi32, #tpu.memory_space<vmem>>
    %dma_start3A_523 = arith.constant 0 : i32
    %dma_start3A_524 = arith.constant 0 : i32
    %dma_start3A_525 = tpu.memref_slice %arg4[%dma_start3A_523, %dma_start3A_524] : memref<400000x128xf32, #tpu.memory_space<hbm>> -> memref<400000x128xf32, #tpu.memory_space<hbm>>
    tpu.enqueue_indirect_dma source(%dma_start3A_525 : memref<400000x128xf32, #tpu.memory_space<hbm>>) target(%dma_start3A_519 : memref<72x128xf32, #tpu.memory_space<vmem>>) offsets(%dma_start3A_522 : memref<72xi32, #tpu.memory_space<vmem>>) semaphore(%arg16 : memref<!tpu.dma_semaphore, #tpu.memory_space<semaphore_mem>>)
    %scan3A_526 = arith.constant 0 : i32
    %scan3A_527 = arith.constant 0 : i32
    %scan3A_528 = arith.constant 15 : i32
    %scan3A_529 = arith.addi %scan3A_527, %scan3A_528 : i32
    %scan3A_530 = arith.constant 1 : i32
    scf.for %scan3A_804 = %scan3A_527 to %scan3A_529 step %scan3A_530  : i32 {
      %mul3A_805 = arith.constant 4 : i32
      %mul3A_806 = arith.muli %scan3A_804, %mul3A_805 : i32
      %add3A_807 = arith.constant 0 : i32
      %add3A_808 = arith.addi %mul3A_806, %add3A_807 : i32
      %dma_wait3A_809 = arith.constant 0 : i32
      %dma_wait3A_810 = arith.constant 0 : i32
      %dma_wait3A_811 = arith.constant 0 : i32
      %dma_wait3A_812 = tpu.memref_slice %arg8[%dma_wait3A_809, %dma_wait3A_810, %dma_wait3A_811] : memref<4x200x128xf32, #tpu.memory_space<vmem>> -> memref<1x200x128xf32, #tpu.memory_space<vmem>>
      %dma_wait3A_813 = tpu.memref_squeeze %dma_wait3A_812 : memref<1x200x128xf32, #tpu.memory_space<vmem>> -> memref<200x128xf32, #tpu.memory_space<vmem>>
      %dma_wait3A_814 = arith.constant 0 : i32
      %dma_wait3A_815 = arith.constant 0 : i32
      %dma_wait3A_816 = tpu.memref_slice %dma_wait3A_813[%dma_wait3A_814, %dma_wait3A_815] : memref<200x128xf32, #tpu.memory_space<vmem>> -> memref<128x128xf32, #tpu.memory_space<vmem>>
      %dma_wait3A_817 = arith.constant 0 : i32
      %dma_wait3A_818 = tpu.memref_slice %arg6[%add3A_808, %dma_wait3A_817] : memref<64x128xi32, #tpu.memory_space<vmem>> -> memref<1x128xi32, #tpu.memory_space<vmem>>
      %dma_wait3A_819 = tpu.memref_squeeze %dma_wait3A_818 : memref<1x128xi32, #tpu.memory_space<vmem>> -> memref<128xi32, #tpu.memory_space<vmem>>
      %dma_wait3A_820 = arith.constant 0 : i32
      %dma_wait3A_821 = arith.constant 0 : i32
      %dma_wait3A_822 = tpu.memref_slice %arg4[%dma_wait3A_820, %dma_wait3A_821] : memref<400000x128xf32, #tpu.memory_space<hbm>> -> memref<400000x128xf32, #tpu.memory_space<hbm>>
      tpu.wait_indirect_dma semaphore(%arg9 : memref<!tpu.dma_semaphore, #tpu.memory_space<semaphore_mem>>) src(%dma_wait3A_822 : memref<400000x128xf32, #tpu.memory_space<hbm>>) dst(%dma_wait3A_816 : memref<128x128xf32, #tpu.memory_space<vmem>>)
      %add3A_823 = arith.constant 0 : i32
      %add3A_824 = arith.addi %mul3A_806, %add3A_823 : i32
      %dma_wait3A_825 = arith.constant 0 : i32
      %dma_wait3A_826 = arith.constant 0 : i32
      %dma_wait3A_827 = arith.constant 0 : i32
      %dma_wait3A_828 = tpu.memref_slice %arg8[%dma_wait3A_825, %dma_wait3A_826, %dma_wait3A_827] : memref<4x200x128xf32, #tpu.memory_space<vmem>> -> memref<1x200x128xf32, #tpu.memory_space<vmem>>
      %dma_wait3A_829 = tpu.memref_squeeze %dma_wait3A_828 : memref<1x200x128xf32, #tpu.memory_space<vmem>> -> memref<200x128xf32, #tpu.memory_space<vmem>>
      %dma_wait3A_830 = arith.constant 128 : i32
      %dma_wait3A_831 = arith.constant 0 : i32
      %dma_wait3A_832 = tpu.memref_slice %dma_wait3A_829[%dma_wait3A_830, %dma_wait3A_831] : memref<200x128xf32, #tpu.memory_space<vmem>> -> memref<72x128xf32, #tpu.memory_space<vmem>>
      %dma_wait3A_833 = arith.constant 0 : i32
      %dma_wait3A_834 = tpu.memref_slice %arg7[%add3A_824, %dma_wait3A_833] : memref<64x128xi32, #tpu.memory_space<vmem>> -> memref<1x72xi32, #tpu.memory_space<vmem>>
      %dma_wait3A_835 = tpu.memref_squeeze %dma_wait3A_834 : memref<1x72xi32, #tpu.memory_space<vmem>> -> memref<72xi32, #tpu.memory_space<vmem>>
      %dma_wait3A_836 = arith.constant 0 : i32
      %dma_wait3A_837 = arith.constant 0 : i32
      %dma_wait3A_838 = tpu.memref_slice %arg4[%dma_wait3A_836, %dma_wait3A_837] : memref<400000x128xf32, #tpu.memory_space<hbm>> -> memref<400000x128xf32, #tpu.memory_space<hbm>>
      tpu.wait_indirect_dma semaphore(%arg13 : memref<!tpu.dma_semaphore, #tpu.memory_space<semaphore_mem>>) src(%dma_wait3A_838 : memref<400000x128xf32, #tpu.memory_space<hbm>>) dst(%dma_wait3A_832 : memref<72x128xf32, #tpu.memory_space<vmem>>)
      %add3A_839 = arith.constant 0 : i32
      %add3A_840 = arith.addi %mul3A_806, %add3A_839 : i32
      %add3A_841 = arith.constant 64 : i32
      %add3A_842 = arith.addi %mul3A_2, %add3A_841 : i32
      %add3A_843 = arith.addi %add3A_842, %add3A_840 : i32
      %mul3A_844 = arith.constant 200 : i32
      %mul3A_845 = arith.muli %add3A_843, %mul3A_844 : i32
      %dma_start3A_846 = arith.constant 0 : i32
      %dma_start3A_847 = arith.constant 0 : i32
      %dma_start3A_848 = arith.constant 0 : i32
      %dma_start3A_849 = tpu.memref_slice %arg8[%dma_start3A_846, %dma_start3A_847, %dma_start3A_848] : memref<4x200x128xf32, #tpu.memory_space<vmem>> -> memref<1x200x128xf32, #tpu.memory_space<vmem>>
      %dma_start3A_850 = tpu.memref_squeeze %dma_start3A_849 : memref<1x200x128xf32, #tpu.memory_space<vmem>> -> memref<200x128xf32, #tpu.memory_space<vmem>>
      %dma_start3A_851 = arith.constant 0 : i32
      %dma_start3A_852 = tpu.memref_slice %arg5[%mul3A_845, %dma_start3A_851] : memref<819200x128xf32, #tpu.memory_space<hbm>> -> memref<200x128xf32, #tpu.memory_space<hbm>>
      %dma_start3A_853 = arith.constant 0 : i32
      %dma_start3A_854 = tpu.memref_slice %arg5[%mul3A_845, %dma_start3A_853] : memref<819200x128xf32, #tpu.memory_space<hbm>> -> memref<200x128xf32, #tpu.memory_space<hbm>>
      %dma_start3A_855 = arith.constant 0 : i32
      %dma_start3A_856 = arith.constant 0 : i32
      %dma_start3A_857 = tpu.memref_slice %arg8[%dma_start3A_846, %dma_start3A_855, %dma_start3A_856] : memref<4x200x128xf32, #tpu.memory_space<vmem>> -> memref<1x200x128xf32, #tpu.memory_space<vmem>>
      %dma_start3A_858 = tpu.memref_squeeze %dma_start3A_857 : memref<1x200x128xf32, #tpu.memory_space<vmem>> -> memref<200x128xf32, #tpu.memory_space<vmem>>
      tpu.enqueue_dma source(%dma_start3A_858 : memref<200x128xf32, #tpu.memory_space<vmem>>) target(%dma_start3A_854 : memref<200x128xf32, #tpu.memory_space<hbm>>) target_semaphore(%arg17 : memref<!tpu.dma_semaphore, #tpu.memory_space<semaphore_mem>>)
      %add3A_859 = arith.constant 1 : i32
      %add3A_860 = arith.addi %mul3A_806, %add3A_859 : i32
      %dma_wait3A_861 = arith.constant 1 : i32
      %dma_wait3A_862 = arith.constant 0 : i32
      %dma_wait3A_863 = arith.constant 0 : i32
      %dma_wait3A_864 = tpu.memref_slice %arg8[%dma_wait3A_861, %dma_wait3A_862, %dma_wait3A_863] : memref<4x200x128xf32, #tpu.memory_space<vmem>> -> memref<1x200x128xf32, #tpu.memory_space<vmem>>
      %dma_wait3A_865 = tpu.memref_squeeze %dma_wait3A_864 : memref<1x200x128xf32, #tpu.memory_space<vmem>> -> memref<200x128xf32, #tpu.memory_space<vmem>>
      %dma_wait3A_866 = arith.constant 0 : i32
      %dma_wait3A_867 = arith.constant 0 : i32
      %dma_wait3A_868 = tpu.memref_slice %dma_wait3A_865[%dma_wait3A_866, %dma_wait3A_867] : memref<200x128xf32, #tpu.memory_space<vmem>> -> memref<128x128xf32, #tpu.memory_space<vmem>>
      %dma_wait3A_869 = arith.constant 0 : i32
      %dma_wait3A_870 = tpu.memref_slice %arg6[%add3A_860, %dma_wait3A_869] : memref<64x128xi32, #tpu.memory_space<vmem>> -> memref<1x128xi32, #tpu.memory_space<vmem>>
      %dma_wait3A_871 = tpu.memref_squeeze %dma_wait3A_870 : memref<1x128xi32, #tpu.memory_space<vmem>> -> memref<128xi32, #tpu.memory_space<vmem>>
      %dma_wait3A_872 = arith.constant 0 : i32
      %dma_wait3A_873 = arith.constant 0 : i32
      %dma_wait3A_874 = tpu.memref_slice %arg4[%dma_wait3A_872, %dma_wait3A_873] : memref<400000x128xf32, #tpu.memory_space<hbm>> -> memref<400000x128xf32, #tpu.memory_space<hbm>>
      tpu.wait_indirect_dma semaphore(%arg10 : memref<!tpu.dma_semaphore, #tpu.memory_space<semaphore_mem>>) src(%dma_wait3A_874 : memref<400000x128xf32, #tpu.memory_space<hbm>>) dst(%dma_wait3A_868 : memref<128x128xf32, #tpu.memory_space<vmem>>)
      %add3A_875 = arith.constant 1 : i32
      %add3A_876 = arith.addi %mul3A_806, %add3A_875 : i32
      %dma_wait3A_877 = arith.constant 1 : i32
      %dma_wait3A_878 = arith.constant 0 : i32
      %dma_wait3A_879 = arith.constant 0 : i32
      %dma_wait3A_880 = tpu.memref_slice %arg8[%dma_wait3A_877, %dma_wait3A_878, %dma_wait3A_879] : memref<4x200x128xf32, #tpu.memory_space<vmem>> -> memref<1x200x128xf32, #tpu.memory_space<vmem>>
      %dma_wait3A_881 = tpu.memref_squeeze %dma_wait3A_880 : memref<1x200x128xf32, #tpu.memory_space<vmem>> -> memref<200x128xf32, #tpu.memory_space<vmem>>
      %dma_wait3A_882 = arith.constant 128 : i32
      %dma_wait3A_883 = arith.constant 0 : i32
      %dma_wait3A_884 = tpu.memref_slice %dma_wait3A_881[%dma_wait3A_882, %dma_wait3A_883] : memref<200x128xf32, #tpu.memory_space<vmem>> -> memref<72x128xf32, #tpu.memory_space<vmem>>
      %dma_wait3A_885 = arith.constant 0 : i32
      %dma_wait3A_886 = tpu.memref_slice %arg7[%add3A_876, %dma_wait3A_885] : memref<64x128xi32, #tpu.memory_space<vmem>> -> memref<1x72xi32, #tpu.memory_space<vmem>>
      %dma_wait3A_887 = tpu.memref_squeeze %dma_wait3A_886 : memref<1x72xi32, #tpu.memory_space<vmem>> -> memref<72xi32, #tpu.memory_space<vmem>>
      %dma_wait3A_888 = arith.constant 0 : i32
      %dma_wait3A_889 = arith.constant 0 : i32
      %dma_wait3A_890 = tpu.memref_slice %arg4[%dma_wait3A_888, %dma_wait3A_889] : memref<400000x128xf32, #tpu.memory_space<hbm>> -> memref<400000x128xf32, #tpu.memory_space<hbm>>
      tpu.wait_indirect_dma semaphore(%arg14 : memref<!tpu.dma_semaphore, #tpu.memory_space<semaphore_mem>>) src(%dma_wait3A_890 : memref<400000x128xf32, #tpu.memory_space<hbm>>) dst(%dma_wait3A_884 : memref<72x128xf32, #tpu.memory_space<vmem>>)
      %add3A_891 = arith.constant 1 : i32
      %add3A_892 = arith.addi %mul3A_806, %add3A_891 : i32
      %add3A_893 = arith.constant 64 : i32
      %add3A_894 = arith.addi %mul3A_2, %add3A_893 : i32
      %add3A_895 = arith.addi %add3A_894, %add3A_892 : i32
      %mul3A_896 = arith.constant 200 : i32
      %mul3A_897 = arith.muli %add3A_895, %mul3A_896 : i32
      %dma_start3A_898 = arith.constant 1 : i32
      %dma_start3A_899 = arith.constant 0 : i32
      %dma_start3A_900 = arith.constant 0 : i32
      %dma_start3A_901 = tpu.memref_slice %arg8[%dma_start3A_898, %dma_start3A_899, %dma_start3A_900] : memref<4x200x128xf32, #tpu.memory_space<vmem>> -> memref<1x200x128xf32, #tpu.memory_space<vmem>>
      %dma_start3A_902 = tpu.memref_squeeze %dma_start3A_901 : memref<1x200x128xf32, #tpu.memory_space<vmem>> -> memref<200x128xf32, #tpu.memory_space<vmem>>
      %dma_start3A_903 = arith.constant 0 : i32
      %dma_start3A_904 = tpu.memref_slice %arg5[%mul3A_897, %dma_start3A_903] : memref<819200x128xf32, #tpu.memory_space<hbm>> -> memref<200x128xf32, #tpu.memory_space<hbm>>
      %dma_start3A_905 = arith.constant 0 : i32
      %dma_start3A_906 = tpu.memref_slice %arg5[%mul3A_897, %dma_start3A_905] : memref<819200x128xf32, #tpu.memory_space<hbm>> -> memref<200x128xf32, #tpu.memory_space<hbm>>
      %dma_start3A_907 = arith.constant 0 : i32
      %dma_start3A_908 = arith.constant 0 : i32
      %dma_start3A_909 = tpu.memref_slice %arg8[%dma_start3A_898, %dma_start3A_907, %dma_start3A_908] : memref<4x200x128xf32, #tpu.memory_space<vmem>> -> memref<1x200x128xf32, #tpu.memory_space<vmem>>
      %dma_start3A_910 = tpu.memref_squeeze %dma_start3A_909 : memref<1x200x128xf32, #tpu.memory_space<vmem>> -> memref<200x128xf32, #tpu.memory_space<vmem>>
      tpu.enqueue_dma source(%dma_start3A_910 : memref<200x128xf32, #tpu.memory_space<vmem>>) target(%dma_start3A_906 : memref<200x128xf32, #tpu.memory_space<hbm>>) target_semaphore(%arg18 : memref<!tpu.dma_semaphore, #tpu.memory_space<semaphore_mem>>)
      %add3A_911 = arith.constant 2 : i32
      %add3A_912 = arith.addi %mul3A_806, %add3A_911 : i32
      %dma_wait3A_913 = arith.constant 2 : i32
      %dma_wait3A_914 = arith.constant 0 : i32
      %dma_wait3A_915 = arith.constant 0 : i32
      %dma_wait3A_916 = tpu.memref_slice %arg8[%dma_wait3A_913, %dma_wait3A_914, %dma_wait3A_915] : memref<4x200x128xf32, #tpu.memory_space<vmem>> -> memref<1x200x128xf32, #tpu.memory_space<vmem>>
      %dma_wait3A_917 = tpu.memref_squeeze %dma_wait3A_916 : memref<1x200x128xf32, #tpu.memory_space<vmem>> -> memref<200x128xf32, #tpu.memory_space<vmem>>
      %dma_wait3A_918 = arith.constant 0 : i32
      %dma_wait3A_919 = arith.constant 0 : i32
      %dma_wait3A_920 = tpu.memref_slice %dma_wait3A_917[%dma_wait3A_918, %dma_wait3A_919] : memref<200x128xf32, #tpu.memory_space<vmem>> -> memref<128x128xf32, #tpu.memory_space<vmem>>
      %dma_wait3A_921 = arith.constant 0 : i32
      %dma_wait3A_922 = tpu.memref_slice %arg6[%add3A_912, %dma_wait3A_921] : memref<64x128xi32, #tpu.memory_space<vmem>> -> memref<1x128xi32, #tpu.memory_space<vmem>>
      %dma_wait3A_923 = tpu.memref_squeeze %dma_wait3A_922 : memref<1x128xi32, #tpu.memory_space<vmem>> -> memref<128xi32, #tpu.memory_space<vmem>>
      %dma_wait3A_924 = arith.constant 0 : i32
      %dma_wait3A_925 = arith.constant 0 : i32
      %dma_wait3A_926 = tpu.memref_slice %arg4[%dma_wait3A_924, %dma_wait3A_925] : memref<400000x128xf32, #tpu.memory_space<hbm>> -> memref<400000x128xf32, #tpu.memory_space<hbm>>
      tpu.wait_indirect_dma semaphore(%arg11 : memref<!tpu.dma_semaphore, #tpu.memory_space<semaphore_mem>>) src(%dma_wait3A_926 : memref<400000x128xf32, #tpu.memory_space<hbm>>) dst(%dma_wait3A_920 : memref<128x128xf32, #tpu.memory_space<vmem>>)
      %add3A_927 = arith.constant 2 : i32
      %add3A_928 = arith.addi %mul3A_806, %add3A_927 : i32
      %dma_wait3A_929 = arith.constant 2 : i32
      %dma_wait3A_930 = arith.constant 0 : i32
      %dma_wait3A_931 = arith.constant 0 : i32
      %dma_wait3A_932 = tpu.memref_slice %arg8[%dma_wait3A_929, %dma_wait3A_930, %dma_wait3A_931] : memref<4x200x128xf32, #tpu.memory_space<vmem>> -> memref<1x200x128xf32, #tpu.memory_space<vmem>>
      %dma_wait3A_933 = tpu.memref_squeeze %dma_wait3A_932 : memref<1x200x128xf32, #tpu.memory_space<vmem>> -> memref<200x128xf32, #tpu.memory_space<vmem>>
      %dma_wait3A_934 = arith.constant 128 : i32
      %dma_wait3A_935 = arith.constant 0 : i32
      %dma_wait3A_936 = tpu.memref_slice %dma_wait3A_933[%dma_wait3A_934, %dma_wait3A_935] : memref<200x128xf32, #tpu.memory_space<vmem>> -> memref<72x128xf32, #tpu.memory_space<vmem>>
      %dma_wait3A_937 = arith.constant 0 : i32
      %dma_wait3A_938 = tpu.memref_slice %arg7[%add3A_928, %dma_wait3A_937] : memref<64x128xi32, #tpu.memory_space<vmem>> -> memref<1x72xi32, #tpu.memory_space<vmem>>
      %dma_wait3A_939 = tpu.memref_squeeze %dma_wait3A_938 : memref<1x72xi32, #tpu.memory_space<vmem>> -> memref<72xi32, #tpu.memory_space<vmem>>
      %dma_wait3A_940 = arith.constant 0 : i32
      %dma_wait3A_941 = arith.constant 0 : i32
      %dma_wait3A_942 = tpu.memref_slice %arg4[%dma_wait3A_940, %dma_wait3A_941] : memref<400000x128xf32, #tpu.memory_space<hbm>> -> memref<400000x128xf32, #tpu.memory_space<hbm>>
      tpu.wait_indirect_dma semaphore(%arg15 : memref<!tpu.dma_semaphore, #tpu.memory_space<semaphore_mem>>) src(%dma_wait3A_942 : memref<400000x128xf32, #tpu.memory_space<hbm>>) dst(%dma_wait3A_936 : memref<72x128xf32, #tpu.memory_space<vmem>>)
      %add3A_943 = arith.constant 2 : i32
      %add3A_944 = arith.addi %mul3A_806, %add3A_943 : i32
      %add3A_945 = arith.constant 64 : i32
      %add3A_946 = arith.addi %mul3A_2, %add3A_945 : i32
      %add3A_947 = arith.addi %add3A_946, %add3A_944 : i32
      %mul3A_948 = arith.constant 200 : i32
      %mul3A_949 = arith.muli %add3A_947, %mul3A_948 : i32
      %dma_start3A_950 = arith.constant 2 : i32
      %dma_start3A_951 = arith.constant 0 : i32
      %dma_start3A_952 = arith.constant 0 : i32
      %dma_start3A_953 = tpu.memref_slice %arg8[%dma_start3A_950, %dma_start3A_951, %dma_start3A_952] : memref<4x200x128xf32, #tpu.memory_space<vmem>> -> memref<1x200x128xf32, #tpu.memory_space<vmem>>
      %dma_start3A_954 = tpu.memref_squeeze %dma_start3A_953 : memref<1x200x128xf32, #tpu.memory_space<vmem>> -> memref<200x128xf32, #tpu.memory_space<vmem>>
      %dma_start3A_955 = arith.constant 0 : i32
      %dma_start3A_956 = tpu.memref_slice %arg5[%mul3A_949, %dma_start3A_955] : memref<819200x128xf32, #tpu.memory_space<hbm>> -> memref<200x128xf32, #tpu.memory_space<hbm>>
      %dma_start3A_957 = arith.constant 0 : i32
      %dma_start3A_958 = tpu.memref_slice %arg5[%mul3A_949, %dma_start3A_957] : memref<819200x128xf32, #tpu.memory_space<hbm>> -> memref<200x128xf32, #tpu.memory_space<hbm>>
      %dma_start3A_959 = arith.constant 0 : i32
      %dma_start3A_960 = arith.constant 0 : i32
      %dma_start3A_961 = tpu.memref_slice %arg8[%dma_start3A_950, %dma_start3A_959, %dma_start3A_960] : memref<4x200x128xf32, #tpu.memory_space<vmem>> -> memref<1x200x128xf32, #tpu.memory_space<vmem>>
      %dma_start3A_962 = tpu.memref_squeeze %dma_start3A_961 : memref<1x200x128xf32, #tpu.memory_space<vmem>> -> memref<200x128xf32, #tpu.memory_space<vmem>>
      tpu.enqueue_dma source(%dma_start3A_962 : memref<200x128xf32, #tpu.memory_space<vmem>>) target(%dma_start3A_958 : memref<200x128xf32, #tpu.memory_space<hbm>>) target_semaphore(%arg19 : memref<!tpu.dma_semaphore, #tpu.memory_space<semaphore_mem>>)
      %add3A_963 = arith.constant 3 : i32
      %add3A_964 = arith.addi %mul3A_806, %add3A_963 : i32
      %dma_wait3A_965 = arith.constant 3 : i32
      %dma_wait3A_966 = arith.constant 0 : i32
      %dma_wait3A_967 = arith.constant 0 : i32
      %dma_wait3A_968 = tpu.memref_slice %arg8[%dma_wait3A_965, %dma_wait3A_966, %dma_wait3A_967] : memref<4x200x128xf32, #tpu.memory_space<vmem>> -> memref<1x200x128xf32, #tpu.memory_space<vmem>>
      %dma_wait3A_969 = tpu.memref_squeeze %dma_wait3A_968 : memref<1x200x128xf32, #tpu.memory_space<vmem>> -> memref<200x128xf32, #tpu.memory_space<vmem>>
      %dma_wait3A_970 = arith.constant 0 : i32
      %dma_wait3A_971 = arith.constant 0 : i32
      %dma_wait3A_972 = tpu.memref_slice %dma_wait3A_969[%dma_wait3A_970, %dma_wait3A_971] : memref<200x128xf32, #tpu.memory_space<vmem>> -> memref<128x128xf32, #tpu.memory_space<vmem>>
      %dma_wait3A_973 = arith.constant 0 : i32
      %dma_wait3A_974 = tpu.memref_slice %arg6[%add3A_964, %dma_wait3A_973] : memref<64x128xi32, #tpu.memory_space<vmem>> -> memref<1x128xi32, #tpu.memory_space<vmem>>
      %dma_wait3A_975 = tpu.memref_squeeze %dma_wait3A_974 : memref<1x128xi32, #tpu.memory_space<vmem>> -> memref<128xi32, #tpu.memory_space<vmem>>
      %dma_wait3A_976 = arith.constant 0 : i32
      %dma_wait3A_977 = arith.constant 0 : i32
      %dma_wait3A_978 = tpu.memref_slice %arg4[%dma_wait3A_976, %dma_wait3A_977] : memref<400000x128xf32, #tpu.memory_space<hbm>> -> memref<400000x128xf32, #tpu.memory_space<hbm>>
      tpu.wait_indirect_dma semaphore(%arg12 : memref<!tpu.dma_semaphore, #tpu.memory_space<semaphore_mem>>) src(%dma_wait3A_978 : memref<400000x128xf32, #tpu.memory_space<hbm>>) dst(%dma_wait3A_972 : memref<128x128xf32, #tpu.memory_space<vmem>>)
      %add3A_979 = arith.constant 3 : i32
      %add3A_980 = arith.addi %mul3A_806, %add3A_979 : i32
      %dma_wait3A_981 = arith.constant 3 : i32
      %dma_wait3A_982 = arith.constant 0 : i32
      %dma_wait3A_983 = arith.constant 0 : i32
      %dma_wait3A_984 = tpu.memref_slice %arg8[%dma_wait3A_981, %dma_wait3A_982, %dma_wait3A_983] : memref<4x200x128xf32, #tpu.memory_space<vmem>> -> memref<1x200x128xf32, #tpu.memory_space<vmem>>
      %dma_wait3A_985 = tpu.memref_squeeze %dma_wait3A_984 : memref<1x200x128xf32, #tpu.memory_space<vmem>> -> memref<200x128xf32, #tpu.memory_space<vmem>>
      %dma_wait3A_986 = arith.constant 128 : i32
      %dma_wait3A_987 = arith.constant 0 : i32
      %dma_wait3A_988 = tpu.memref_slice %dma_wait3A_985[%dma_wait3A_986, %dma_wait3A_987] : memref<200x128xf32, #tpu.memory_space<vmem>> -> memref<72x128xf32, #tpu.memory_space<vmem>>
      %dma_wait3A_989 = arith.constant 0 : i32
      %dma_wait3A_990 = tpu.memref_slice %arg7[%add3A_980, %dma_wait3A_989] : memref<64x128xi32, #tpu.memory_space<vmem>> -> memref<1x72xi32, #tpu.memory_space<vmem>>
      %dma_wait3A_991 = tpu.memref_squeeze %dma_wait3A_990 : memref<1x72xi32, #tpu.memory_space<vmem>> -> memref<72xi32, #tpu.memory_space<vmem>>
      %dma_wait3A_992 = arith.constant 0 : i32
      %dma_wait3A_993 = arith.constant 0 : i32
      %dma_wait3A_994 = tpu.memref_slice %arg4[%dma_wait3A_992, %dma_wait3A_993] : memref<400000x128xf32, #tpu.memory_space<hbm>> -> memref<400000x128xf32, #tpu.memory_space<hbm>>
      tpu.wait_indirect_dma semaphore(%arg16 : memref<!tpu.dma_semaphore, #tpu.memory_space<semaphore_mem>>) src(%dma_wait3A_994 : memref<400000x128xf32, #tpu.memory_space<hbm>>) dst(%dma_wait3A_988 : memref<72x128xf32, #tpu.memory_space<vmem>>)
      %add3A_995 = arith.constant 3 : i32
      %add3A_996 = arith.addi %mul3A_806, %add3A_995 : i32
      %add3A_997 = arith.constant 64 : i32
      %add3A_998 = arith.addi %mul3A_2, %add3A_997 : i32
      %add3A_999 = arith.addi %add3A_998, %add3A_996 : i32
      %mul3A_1000 = arith.constant 200 : i32
      %mul3A_1001 = arith.muli %add3A_999, %mul3A_1000 : i32
      %dma_start3A_1002 = arith.constant 3 : i32
      %dma_start3A_1003 = arith.constant 0 : i32
      %dma_start3A_1004 = arith.constant 0 : i32
      %dma_start3A_1005 = tpu.memref_slice %arg8[%dma_start3A_1002, %dma_start3A_1003, %dma_start3A_1004] : memref<4x200x128xf32, #tpu.memory_space<vmem>> -> memref<1x200x128xf32, #tpu.memory_space<vmem>>
      %dma_start3A_1006 = tpu.memref_squeeze %dma_start3A_1005 : memref<1x200x128xf32, #tpu.memory_space<vmem>> -> memref<200x128xf32, #tpu.memory_space<vmem>>
      %dma_start3A_1007 = arith.constant 0 : i32
      %dma_start3A_1008 = tpu.memref_slice %arg5[%mul3A_1001, %dma_start3A_1007] : memref<819200x128xf32, #tpu.memory_space<hbm>> -> memref<200x128xf32, #tpu.memory_space<hbm>>
      %dma_start3A_1009 = arith.constant 0 : i32
      %dma_start3A_1010 = tpu.memref_slice %arg5[%mul3A_1001, %dma_start3A_1009] : memref<819200x128xf32, #tpu.memory_space<hbm>> -> memref<200x128xf32, #tpu.memory_space<hbm>>
      %dma_start3A_1011 = arith.constant 0 : i32
      %dma_start3A_1012 = arith.constant 0 : i32
      %dma_start3A_1013 = tpu.memref_slice %arg8[%dma_start3A_1002, %dma_start3A_1011, %dma_start3A_1012] : memref<4x200x128xf32, #tpu.memory_space<vmem>> -> memref<1x200x128xf32, #tpu.memory_space<vmem>>
      %dma_start3A_1014 = tpu.memref_squeeze %dma_start3A_1013 : memref<1x200x128xf32, #tpu.memory_space<vmem>> -> memref<200x128xf32, #tpu.memory_space<vmem>>
      tpu.enqueue_dma source(%dma_start3A_1014 : memref<200x128xf32, #tpu.memory_space<vmem>>) target(%dma_start3A_1010 : memref<200x128xf32, #tpu.memory_space<hbm>>) target_semaphore(%arg20 : memref<!tpu.dma_semaphore, #tpu.memory_space<semaphore_mem>>)
      %add3A_1015 = arith.constant 0 : i32
      %add3A_1016 = arith.addi %mul3A_806, %add3A_1015 : i32
      %add3A_1017 = arith.constant 64 : i32
      %add3A_1018 = arith.addi %mul3A_2, %add3A_1017 : i32
      %add3A_1019 = arith.addi %add3A_1018, %add3A_1016 : i32
      %mul3A_1020 = arith.constant 200 : i32
      %mul3A_1021 = arith.muli %add3A_1019, %mul3A_1020 : i32
      %dma_wait3A_1022 = arith.constant 0 : i32
      %dma_wait3A_1023 = arith.constant 0 : i32
      %dma_wait3A_1024 = arith.constant 0 : i32
      %dma_wait3A_1025 = tpu.memref_slice %arg8[%dma_wait3A_1022, %dma_wait3A_1023, %dma_wait3A_1024] : memref<4x200x128xf32, #tpu.memory_space<vmem>> -> memref<1x200x128xf32, #tpu.memory_space<vmem>>
      %dma_wait3A_1026 = tpu.memref_squeeze %dma_wait3A_1025 : memref<1x200x128xf32, #tpu.memory_space<vmem>> -> memref<200x128xf32, #tpu.memory_space<vmem>>
      %dma_wait3A_1027 = arith.constant 0 : i32
      %dma_wait3A_1028 = tpu.memref_slice %arg5[%mul3A_1021, %dma_wait3A_1027] : memref<819200x128xf32, #tpu.memory_space<hbm>> -> memref<200x128xf32, #tpu.memory_space<hbm>>
      %dma_wait3A_1029 = arith.constant 0 : i32
      %dma_wait3A_1030 = tpu.memref_slice %arg5[%mul3A_1021, %dma_wait3A_1029] : memref<819200x128xf32, #tpu.memory_space<hbm>> -> memref<200x128xf32, #tpu.memory_space<hbm>>
      %dma_wait3A_1031 = arith.constant 0 : i32
      %dma_wait3A_1032 = arith.constant 0 : i32
      %dma_wait3A_1033 = tpu.memref_slice %arg8[%dma_wait3A_1022, %dma_wait3A_1031, %dma_wait3A_1032] : memref<4x200x128xf32, #tpu.memory_space<vmem>> -> memref<1x200x128xf32, #tpu.memory_space<vmem>>
      %dma_wait3A_1034 = tpu.memref_squeeze %dma_wait3A_1033 : memref<1x200x128xf32, #tpu.memory_space<vmem>> -> memref<200x128xf32, #tpu.memory_space<vmem>>
      tpu.wait_dma2 semaphore(%arg17 : memref<!tpu.dma_semaphore, #tpu.memory_space<semaphore_mem>>) src(%dma_wait3A_1034 : memref<200x128xf32, #tpu.memory_space<vmem>>) dst(%dma_wait3A_1030 : memref<200x128xf32, #tpu.memory_space<hbm>>)
      %add3A_1035 = arith.constant 4 : i32
      %add3A_1036 = arith.addi %mul3A_806, %add3A_1035 : i32
      %add3A_1037 = arith.constant 0 : i32
      %add3A_1038 = arith.addi %add3A_1036, %add3A_1037 : i32
      %dma_start3A_1039 = arith.constant 0 : i32
      %dma_start3A_1040 = arith.constant 0 : i32
      %dma_start3A_1041 = arith.constant 0 : i32
      %dma_start3A_1042 = tpu.memref_slice %arg8[%dma_start3A_1039, %dma_start3A_1040, %dma_start3A_1041] : memref<4x200x128xf32, #tpu.memory_space<vmem>> -> memref<1x200x128xf32, #tpu.memory_space<vmem>>
      %dma_start3A_1043 = tpu.memref_squeeze %dma_start3A_1042 : memref<1x200x128xf32, #tpu.memory_space<vmem>> -> memref<200x128xf32, #tpu.memory_space<vmem>>
      %dma_start3A_1044 = arith.constant 0 : i32
      %dma_start3A_1045 = arith.constant 0 : i32
      %dma_start3A_1046 = tpu.memref_slice %dma_start3A_1043[%dma_start3A_1044, %dma_start3A_1045] : memref<200x128xf32, #tpu.memory_space<vmem>> -> memref<128x128xf32, #tpu.memory_space<vmem>>
      %dma_start3A_1047 = arith.constant 0 : i32
      %dma_start3A_1048 = tpu.memref_slice %arg6[%add3A_1038, %dma_start3A_1047] : memref<64x128xi32, #tpu.memory_space<vmem>> -> memref<1x128xi32, #tpu.memory_space<vmem>>
      %dma_start3A_1049 = tpu.memref_squeeze %dma_start3A_1048 : memref<1x128xi32, #tpu.memory_space<vmem>> -> memref<128xi32, #tpu.memory_space<vmem>>
      %dma_start3A_1050 = arith.constant 0 : i32
      %dma_start3A_1051 = arith.constant 0 : i32
      %dma_start3A_1052 = tpu.memref_slice %arg4[%dma_start3A_1050, %dma_start3A_1051] : memref<400000x128xf32, #tpu.memory_space<hbm>> -> memref<400000x128xf32, #tpu.memory_space<hbm>>
      tpu.enqueue_indirect_dma source(%dma_start3A_1052 : memref<400000x128xf32, #tpu.memory_space<hbm>>) target(%dma_start3A_1046 : memref<128x128xf32, #tpu.memory_space<vmem>>) offsets(%dma_start3A_1049 : memref<128xi32, #tpu.memory_space<vmem>>) semaphore(%arg9 : memref<!tpu.dma_semaphore, #tpu.memory_space<semaphore_mem>>)
      %add3A_1053 = arith.constant 4 : i32
      %add3A_1054 = arith.addi %mul3A_806, %add3A_1053 : i32
      %add3A_1055 = arith.constant 0 : i32
      %add3A_1056 = arith.addi %add3A_1054, %add3A_1055 : i32
      %dma_start3A_1057 = arith.constant 0 : i32
      %dma_start3A_1058 = arith.constant 0 : i32
      %dma_start3A_1059 = arith.constant 0 : i32
      %dma_start3A_1060 = tpu.memref_slice %arg8[%dma_start3A_1057, %dma_start3A_1058, %dma_start3A_1059] : memref<4x200x128xf32, #tpu.memory_space<vmem>> -> memref<1x200x128xf32, #tpu.memory_space<vmem>>
      %dma_start3A_1061 = tpu.memref_squeeze %dma_start3A_1060 : memref<1x200x128xf32, #tpu.memory_space<vmem>> -> memref<200x128xf32, #tpu.memory_space<vmem>>
      %dma_start3A_1062 = arith.constant 128 : i32
      %dma_start3A_1063 = arith.constant 0 : i32
      %dma_start3A_1064 = tpu.memref_slice %dma_start3A_1061[%dma_start3A_1062, %dma_start3A_1063] : memref<200x128xf32, #tpu.memory_space<vmem>> -> memref<72x128xf32, #tpu.memory_space<vmem>>
      %dma_start3A_1065 = arith.constant 0 : i32
      %dma_start3A_1066 = tpu.memref_slice %arg7[%add3A_1056, %dma_start3A_1065] : memref<64x128xi32, #tpu.memory_space<vmem>> -> memref<1x72xi32, #tpu.memory_space<vmem>>
      %dma_start3A_1067 = tpu.memref_squeeze %dma_start3A_1066 : memref<1x72xi32, #tpu.memory_space<vmem>> -> memref<72xi32, #tpu.memory_space<vmem>>
      %dma_start3A_1068 = arith.constant 0 : i32
      %dma_start3A_1069 = arith.constant 0 : i32
      %dma_start3A_1070 = tpu.memref_slice %arg4[%dma_start3A_1068, %dma_start3A_1069] : memref<400000x128xf32, #tpu.memory_space<hbm>> -> memref<400000x128xf32, #tpu.memory_space<hbm>>
      tpu.enqueue_indirect_dma source(%dma_start3A_1070 : memref<400000x128xf32, #tpu.memory_space<hbm>>) target(%dma_start3A_1064 : memref<72x128xf32, #tpu.memory_space<vmem>>) offsets(%dma_start3A_1067 : memref<72xi32, #tpu.memory_space<vmem>>) semaphore(%arg13 : memref<!tpu.dma_semaphore, #tpu.memory_space<semaphore_mem>>)
      %add3A_1071 = arith.constant 1 : i32
      %add3A_1072 = arith.addi %mul3A_806, %add3A_1071 : i32
      %add3A_1073 = arith.constant 64 : i32
      %add3A_1074 = arith.addi %mul3A_2, %add3A_1073 : i32
      %add3A_1075 = arith.addi %add3A_1074, %add3A_1072 : i32
      %mul3A_1076 = arith.constant 200 : i32
      %mul3A_1077 = arith.muli %add3A_1075, %mul3A_1076 : i32
      %dma_wait3A_1078 = arith.constant 1 : i32
      %dma_wait3A_1079 = arith.constant 0 : i32
      %dma_wait3A_1080 = arith.constant 0 : i32
      %dma_wait3A_1081 = tpu.memref_slice %arg8[%dma_wait3A_1078, %dma_wait3A_1079, %dma_wait3A_1080] : memref<4x200x128xf32, #tpu.memory_space<vmem>> -> memref<1x200x128xf32, #tpu.memory_space<vmem>>
      %dma_wait3A_1082 = tpu.memref_squeeze %dma_wait3A_1081 : memref<1x200x128xf32, #tpu.memory_space<vmem>> -> memref<200x128xf32, #tpu.memory_space<vmem>>
      %dma_wait3A_1083 = arith.constant 0 : i32
      %dma_wait3A_1084 = tpu.memref_slice %arg5[%mul3A_1077, %dma_wait3A_1083] : memref<819200x128xf32, #tpu.memory_space<hbm>> -> memref<200x128xf32, #tpu.memory_space<hbm>>
      %dma_wait3A_1085 = arith.constant 0 : i32
      %dma_wait3A_1086 = tpu.memref_slice %arg5[%mul3A_1077, %dma_wait3A_1085] : memref<819200x128xf32, #tpu.memory_space<hbm>> -> memref<200x128xf32, #tpu.memory_space<hbm>>
      %dma_wait3A_1087 = arith.constant 0 : i32
      %dma_wait3A_1088 = arith.constant 0 : i32
      %dma_wait3A_1089 = tpu.memref_slice %arg8[%dma_wait3A_1078, %dma_wait3A_1087, %dma_wait3A_1088] : memref<4x200x128xf32, #tpu.memory_space<vmem>> -> memref<1x200x128xf32, #tpu.memory_space<vmem>>
      %dma_wait3A_1090 = tpu.memref_squeeze %dma_wait3A_1089 : memref<1x200x128xf32, #tpu.memory_space<vmem>> -> memref<200x128xf32, #tpu.memory_space<vmem>>
      tpu.wait_dma2 semaphore(%arg18 : memref<!tpu.dma_semaphore, #tpu.memory_space<semaphore_mem>>) src(%dma_wait3A_1090 : memref<200x128xf32, #tpu.memory_space<vmem>>) dst(%dma_wait3A_1086 : memref<200x128xf32, #tpu.memory_space<hbm>>)
      %add3A_1091 = arith.constant 4 : i32
      %add3A_1092 = arith.addi %mul3A_806, %add3A_1091 : i32
      %add3A_1093 = arith.constant 1 : i32
      %add3A_1094 = arith.addi %add3A_1092, %add3A_1093 : i32
      %dma_start3A_1095 = arith.constant 1 : i32
      %dma_start3A_1096 = arith.constant 0 : i32
      %dma_start3A_1097 = arith.constant 0 : i32
      %dma_start3A_1098 = tpu.memref_slice %arg8[%dma_start3A_1095, %dma_start3A_1096, %dma_start3A_1097] : memref<4x200x128xf32, #tpu.memory_space<vmem>> -> memref<1x200x128xf32, #tpu.memory_space<vmem>>
      %dma_start3A_1099 = tpu.memref_squeeze %dma_start3A_1098 : memref<1x200x128xf32, #tpu.memory_space<vmem>> -> memref<200x128xf32, #tpu.memory_space<vmem>>
      %dma_start3A_1100 = arith.constant 0 : i32
      %dma_start3A_1101 = arith.constant 0 : i32
      %dma_start3A_1102 = tpu.memref_slice %dma_start3A_1099[%dma_start3A_1100, %dma_start3A_1101] : memref<200x128xf32, #tpu.memory_space<vmem>> -> memref<128x128xf32, #tpu.memory_space<vmem>>
      %dma_start3A_1103 = arith.constant 0 : i32
      %dma_start3A_1104 = tpu.memref_slice %arg6[%add3A_1094, %dma_start3A_1103] : memref<64x128xi32, #tpu.memory_space<vmem>> -> memref<1x128xi32, #tpu.memory_space<vmem>>
      %dma_start3A_1105 = tpu.memref_squeeze %dma_start3A_1104 : memref<1x128xi32, #tpu.memory_space<vmem>> -> memref<128xi32, #tpu.memory_space<vmem>>
      %dma_start3A_1106 = arith.constant 0 : i32
      %dma_start3A_1107 = arith.constant 0 : i32
      %dma_start3A_1108 = tpu.memref_slice %arg4[%dma_start3A_1106, %dma_start3A_1107] : memref<400000x128xf32, #tpu.memory_space<hbm>> -> memref<400000x128xf32, #tpu.memory_space<hbm>>
      tpu.enqueue_indirect_dma source(%dma_start3A_1108 : memref<400000x128xf32, #tpu.memory_space<hbm>>) target(%dma_start3A_1102 : memref<128x128xf32, #tpu.memory_space<vmem>>) offsets(%dma_start3A_1105 : memref<128xi32, #tpu.memory_space<vmem>>) semaphore(%arg10 : memref<!tpu.dma_semaphore, #tpu.memory_space<semaphore_mem>>)
      %add3A_1109 = arith.constant 4 : i32
      %add3A_1110 = arith.addi %mul3A_806, %add3A_1109 : i32
      %add3A_1111 = arith.constant 1 : i32
      %add3A_1112 = arith.addi %add3A_1110, %add3A_1111 : i32
      %dma_start3A_1113 = arith.constant 1 : i32
      %dma_start3A_1114 = arith.constant 0 : i32
      %dma_start3A_1115 = arith.constant 0 : i32
      %dma_start3A_1116 = tpu.memref_slice %arg8[%dma_start3A_1113, %dma_start3A_1114, %dma_start3A_1115] : memref<4x200x128xf32, #tpu.memory_space<vmem>> -> memref<1x200x128xf32, #tpu.memory_space<vmem>>
      %dma_start3A_1117 = tpu.memref_squeeze %dma_start3A_1116 : memref<1x200x128xf32, #tpu.memory_space<vmem>> -> memref<200x128xf32, #tpu.memory_space<vmem>>
      %dma_start3A_1118 = arith.constant 128 : i32
      %dma_start3A_1119 = arith.constant 0 : i32
      %dma_start3A_1120 = tpu.memref_slice %dma_start3A_1117[%dma_start3A_1118, %dma_start3A_1119] : memref<200x128xf32, #tpu.memory_space<vmem>> -> memref<72x128xf32, #tpu.memory_space<vmem>>
      %dma_start3A_1121 = arith.constant 0 : i32
      %dma_start3A_1122 = tpu.memref_slice %arg7[%add3A_1112, %dma_start3A_1121] : memref<64x128xi32, #tpu.memory_space<vmem>> -> memref<1x72xi32, #tpu.memory_space<vmem>>
      %dma_start3A_1123 = tpu.memref_squeeze %dma_start3A_1122 : memref<1x72xi32, #tpu.memory_space<vmem>> -> memref<72xi32, #tpu.memory_space<vmem>>
      %dma_start3A_1124 = arith.constant 0 : i32
      %dma_start3A_1125 = arith.constant 0 : i32
      %dma_start3A_1126 = tpu.memref_slice %arg4[%dma_start3A_1124, %dma_start3A_1125] : memref<400000x128xf32, #tpu.memory_space<hbm>> -> memref<400000x128xf32, #tpu.memory_space<hbm>>
      tpu.enqueue_indirect_dma source(%dma_start3A_1126 : memref<400000x128xf32, #tpu.memory_space<hbm>>) target(%dma_start3A_1120 : memref<72x128xf32, #tpu.memory_space<vmem>>) offsets(%dma_start3A_1123 : memref<72xi32, #tpu.memory_space<vmem>>) semaphore(%arg14 : memref<!tpu.dma_semaphore, #tpu.memory_space<semaphore_mem>>)
      %add3A_1127 = arith.constant 2 : i32
      %add3A_1128 = arith.addi %mul3A_806, %add3A_1127 : i32
      %add3A_1129 = arith.constant 64 : i32
      %add3A_1130 = arith.addi %mul3A_2, %add3A_1129 : i32
      %add3A_1131 = arith.addi %add3A_1130, %add3A_1128 : i32
      %mul3A_1132 = arith.constant 200 : i32
      %mul3A_1133 = arith.muli %add3A_1131, %mul3A_1132 : i32
      %dma_wait3A_1134 = arith.constant 2 : i32
      %dma_wait3A_1135 = arith.constant 0 : i32
      %dma_wait3A_1136 = arith.constant 0 : i32
      %dma_wait3A_1137 = tpu.memref_slice %arg8[%dma_wait3A_1134, %dma_wait3A_1135, %dma_wait3A_1136] : memref<4x200x128xf32, #tpu.memory_space<vmem>> -> memref<1x200x128xf32, #tpu.memory_space<vmem>>
      %dma_wait3A_1138 = tpu.memref_squeeze %dma_wait3A_1137 : memref<1x200x128xf32, #tpu.memory_space<vmem>> -> memref<200x128xf32, #tpu.memory_space<vmem>>
      %dma_wait3A_1139 = arith.constant 0 : i32
      %dma_wait3A_1140 = tpu.memref_slice %arg5[%mul3A_1133, %dma_wait3A_1139] : memref<819200x128xf32, #tpu.memory_space<hbm>> -> memref<200x128xf32, #tpu.memory_space<hbm>>
      %dma_wait3A_1141 = arith.constant 0 : i32
      %dma_wait3A_1142 = tpu.memref_slice %arg5[%mul3A_1133, %dma_wait3A_1141] : memref<819200x128xf32, #tpu.memory_space<hbm>> -> memref<200x128xf32, #tpu.memory_space<hbm>>
      %dma_wait3A_1143 = arith.constant 0 : i32
      %dma_wait3A_1144 = arith.constant 0 : i32
      %dma_wait3A_1145 = tpu.memref_slice %arg8[%dma_wait3A_1134, %dma_wait3A_1143, %dma_wait3A_1144] : memref<4x200x128xf32, #tpu.memory_space<vmem>> -> memref<1x200x128xf32, #tpu.memory_space<vmem>>
      %dma_wait3A_1146 = tpu.memref_squeeze %dma_wait3A_1145 : memref<1x200x128xf32, #tpu.memory_space<vmem>> -> memref<200x128xf32, #tpu.memory_space<vmem>>
      tpu.wait_dma2 semaphore(%arg19 : memref<!tpu.dma_semaphore, #tpu.memory_space<semaphore_mem>>) src(%dma_wait3A_1146 : memref<200x128xf32, #tpu.memory_space<vmem>>) dst(%dma_wait3A_1142 : memref<200x128xf32, #tpu.memory_space<hbm>>)
      %add3A_1147 = arith.constant 4 : i32
      %add3A_1148 = arith.addi %mul3A_806, %add3A_1147 : i32
      %add3A_1149 = arith.constant 2 : i32
      %add3A_1150 = arith.addi %add3A_1148, %add3A_1149 : i32
      %dma_start3A_1151 = arith.constant 2 : i32
      %dma_start3A_1152 = arith.constant 0 : i32
      %dma_start3A_1153 = arith.constant 0 : i32
      %dma_start3A_1154 = tpu.memref_slice %arg8[%dma_start3A_1151, %dma_start3A_1152, %dma_start3A_1153] : memref<4x200x128xf32, #tpu.memory_space<vmem>> -> memref<1x200x128xf32, #tpu.memory_space<vmem>>
      %dma_start3A_1155 = tpu.memref_squeeze %dma_start3A_1154 : memref<1x200x128xf32, #tpu.memory_space<vmem>> -> memref<200x128xf32, #tpu.memory_space<vmem>>
      %dma_start3A_1156 = arith.constant 0 : i32
      %dma_start3A_1157 = arith.constant 0 : i32
      %dma_start3A_1158 = tpu.memref_slice %dma_start3A_1155[%dma_start3A_1156, %dma_start3A_1157] : memref<200x128xf32, #tpu.memory_space<vmem>> -> memref<128x128xf32, #tpu.memory_space<vmem>>
      %dma_start3A_1159 = arith.constant 0 : i32
      %dma_start3A_1160 = tpu.memref_slice %arg6[%add3A_1150, %dma_start3A_1159] : memref<64x128xi32, #tpu.memory_space<vmem>> -> memref<1x128xi32, #tpu.memory_space<vmem>>
      %dma_start3A_1161 = tpu.memref_squeeze %dma_start3A_1160 : memref<1x128xi32, #tpu.memory_space<vmem>> -> memref<128xi32, #tpu.memory_space<vmem>>
      %dma_start3A_1162 = arith.constant 0 : i32
      %dma_start3A_1163 = arith.constant 0 : i32
      %dma_start3A_1164 = tpu.memref_slice %arg4[%dma_start3A_1162, %dma_start3A_1163] : memref<400000x128xf32, #tpu.memory_space<hbm>> -> memref<400000x128xf32, #tpu.memory_space<hbm>>
      tpu.enqueue_indirect_dma source(%dma_start3A_1164 : memref<400000x128xf32, #tpu.memory_space<hbm>>) target(%dma_start3A_1158 : memref<128x128xf32, #tpu.memory_space<vmem>>) offsets(%dma_start3A_1161 : memref<128xi32, #tpu.memory_space<vmem>>) semaphore(%arg11 : memref<!tpu.dma_semaphore, #tpu.memory_space<semaphore_mem>>)
      %add3A_1165 = arith.constant 4 : i32
      %add3A_1166 = arith.addi %mul3A_806, %add3A_1165 : i32
      %add3A_1167 = arith.constant 2 : i32
      %add3A_1168 = arith.addi %add3A_1166, %add3A_1167 : i32
      %dma_start3A_1169 = arith.constant 2 : i32
      %dma_start3A_1170 = arith.constant 0 : i32
      %dma_start3A_1171 = arith.constant 0 : i32
      %dma_start3A_1172 = tpu.memref_slice %arg8[%dma_start3A_1169, %dma_start3A_1170, %dma_start3A_1171] : memref<4x200x128xf32, #tpu.memory_space<vmem>> -> memref<1x200x128xf32, #tpu.memory_space<vmem>>
      %dma_start3A_1173 = tpu.memref_squeeze %dma_start3A_1172 : memref<1x200x128xf32, #tpu.memory_space<vmem>> -> memref<200x128xf32, #tpu.memory_space<vmem>>
      %dma_start3A_1174 = arith.constant 128 : i32
      %dma_start3A_1175 = arith.constant 0 : i32
      %dma_start3A_1176 = tpu.memref_slice %dma_start3A_1173[%dma_start3A_1174, %dma_start3A_1175] : memref<200x128xf32, #tpu.memory_space<vmem>> -> memref<72x128xf32, #tpu.memory_space<vmem>>
      %dma_start3A_1177 = arith.constant 0 : i32
      %dma_start3A_1178 = tpu.memref_slice %arg7[%add3A_1168, %dma_start3A_1177] : memref<64x128xi32, #tpu.memory_space<vmem>> -> memref<1x72xi32, #tpu.memory_space<vmem>>
      %dma_start3A_1179 = tpu.memref_squeeze %dma_start3A_1178 : memref<1x72xi32, #tpu.memory_space<vmem>> -> memref<72xi32, #tpu.memory_space<vmem>>
      %dma_start3A_1180 = arith.constant 0 : i32
      %dma_start3A_1181 = arith.constant 0 : i32
      %dma_start3A_1182 = tpu.memref_slice %arg4[%dma_start3A_1180, %dma_start3A_1181] : memref<400000x128xf32, #tpu.memory_space<hbm>> -> memref<400000x128xf32, #tpu.memory_space<hbm>>
      tpu.enqueue_indirect_dma source(%dma_start3A_1182 : memref<400000x128xf32, #tpu.memory_space<hbm>>) target(%dma_start3A_1176 : memref<72x128xf32, #tpu.memory_space<vmem>>) offsets(%dma_start3A_1179 : memref<72xi32, #tpu.memory_space<vmem>>) semaphore(%arg15 : memref<!tpu.dma_semaphore, #tpu.memory_space<semaphore_mem>>)
      %add3A_1183 = arith.constant 3 : i32
      %add3A_1184 = arith.addi %mul3A_806, %add3A_1183 : i32
      %add3A_1185 = arith.constant 64 : i32
      %add3A_1186 = arith.addi %mul3A_2, %add3A_1185 : i32
      %add3A_1187 = arith.addi %add3A_1186, %add3A_1184 : i32
      %mul3A_1188 = arith.constant 200 : i32
      %mul3A_1189 = arith.muli %add3A_1187, %mul3A_1188 : i32
      %dma_wait3A_1190 = arith.constant 3 : i32
      %dma_wait3A_1191 = arith.constant 0 : i32
      %dma_wait3A_1192 = arith.constant 0 : i32
      %dma_wait3A_1193 = tpu.memref_slice %arg8[%dma_wait3A_1190, %dma_wait3A_1191, %dma_wait3A_1192] : memref<4x200x128xf32, #tpu.memory_space<vmem>> -> memref<1x200x128xf32, #tpu.memory_space<vmem>>
      %dma_wait3A_1194 = tpu.memref_squeeze %dma_wait3A_1193 : memref<1x200x128xf32, #tpu.memory_space<vmem>> -> memref<200x128xf32, #tpu.memory_space<vmem>>
      %dma_wait3A_1195 = arith.constant 0 : i32
      %dma_wait3A_1196 = tpu.memref_slice %arg5[%mul3A_1189, %dma_wait3A_1195] : memref<819200x128xf32, #tpu.memory_space<hbm>> -> memref<200x128xf32, #tpu.memory_space<hbm>>
      %dma_wait3A_1197 = arith.constant 0 : i32
      %dma_wait3A_1198 = tpu.memref_slice %arg5[%mul3A_1189, %dma_wait3A_1197] : memref<819200x128xf32, #tpu.memory_space<hbm>> -> memref<200x128xf32, #tpu.memory_space<hbm>>
      %dma_wait3A_1199 = arith.constant 0 : i32
      %dma_wait3A_1200 = arith.constant 0 : i32
      %dma_wait3A_1201 = tpu.memref_slice %arg8[%dma_wait3A_1190, %dma_wait3A_1199, %dma_wait3A_1200] : memref<4x200x128xf32, #tpu.memory_space<vmem>> -> memref<1x200x128xf32, #tpu.memory_space<vmem>>
      %dma_wait3A_1202 = tpu.memref_squeeze %dma_wait3A_1201 : memref<1x200x128xf32, #tpu.memory_space<vmem>> -> memref<200x128xf32, #tpu.memory_space<vmem>>
      tpu.wait_dma2 semaphore(%arg20 : memref<!tpu.dma_semaphore, #tpu.memory_space<semaphore_mem>>) src(%dma_wait3A_1202 : memref<200x128xf32, #tpu.memory_space<vmem>>) dst(%dma_wait3A_1198 : memref<200x128xf32, #tpu.memory_space<hbm>>)
      %add3A_1203 = arith.constant 4 : i32
      %add3A_1204 = arith.addi %mul3A_806, %add3A_1203 : i32
      %add3A_1205 = arith.constant 3 : i32
      %add3A_1206 = arith.addi %add3A_1204, %add3A_1205 : i32
      %dma_start3A_1207 = arith.constant 3 : i32
      %dma_start3A_1208 = arith.constant 0 : i32
      %dma_start3A_1209 = arith.constant 0 : i32
      %dma_start3A_1210 = tpu.memref_slice %arg8[%dma_start3A_1207, %dma_start3A_1208, %dma_start3A_1209] : memref<4x200x128xf32, #tpu.memory_space<vmem>> -> memref<1x200x128xf32, #tpu.memory_space<vmem>>
      %dma_start3A_1211 = tpu.memref_squeeze %dma_start3A_1210 : memref<1x200x128xf32, #tpu.memory_space<vmem>> -> memref<200x128xf32, #tpu.memory_space<vmem>>
      %dma_start3A_1212 = arith.constant 0 : i32
      %dma_start3A_1213 = arith.constant 0 : i32
      %dma_start3A_1214 = tpu.memref_slice %dma_start3A_1211[%dma_start3A_1212, %dma_start3A_1213] : memref<200x128xf32, #tpu.memory_space<vmem>> -> memref<128x128xf32, #tpu.memory_space<vmem>>
      %dma_start3A_1215 = arith.constant 0 : i32
      %dma_start3A_1216 = tpu.memref_slice %arg6[%add3A_1206, %dma_start3A_1215] : memref<64x128xi32, #tpu.memory_space<vmem>> -> memref<1x128xi32, #tpu.memory_space<vmem>>
      %dma_start3A_1217 = tpu.memref_squeeze %dma_start3A_1216 : memref<1x128xi32, #tpu.memory_space<vmem>> -> memref<128xi32, #tpu.memory_space<vmem>>
      %dma_start3A_1218 = arith.constant 0 : i32
      %dma_start3A_1219 = arith.constant 0 : i32
      %dma_start3A_1220 = tpu.memref_slice %arg4[%dma_start3A_1218, %dma_start3A_1219] : memref<400000x128xf32, #tpu.memory_space<hbm>> -> memref<400000x128xf32, #tpu.memory_space<hbm>>
      tpu.enqueue_indirect_dma source(%dma_start3A_1220 : memref<400000x128xf32, #tpu.memory_space<hbm>>) target(%dma_start3A_1214 : memref<128x128xf32, #tpu.memory_space<vmem>>) offsets(%dma_start3A_1217 : memref<128xi32, #tpu.memory_space<vmem>>) semaphore(%arg12 : memref<!tpu.dma_semaphore, #tpu.memory_space<semaphore_mem>>)
      %add3A_1221 = arith.constant 4 : i32
      %add3A_1222 = arith.addi %mul3A_806, %add3A_1221 : i32
      %add3A_1223 = arith.constant 3 : i32
      %add3A_1224 = arith.addi %add3A_1222, %add3A_1223 : i32
      %dma_start3A_1225 = arith.constant 3 : i32
      %dma_start3A_1226 = arith.constant 0 : i32
      %dma_start3A_1227 = arith.constant 0 : i32
      %dma_start3A_1228 = tpu.memref_slice %arg8[%dma_start3A_1225, %dma_start3A_1226, %dma_start3A_1227] : memref<4x200x128xf32, #tpu.memory_space<vmem>> -> memref<1x200x128xf32, #tpu.memory_space<vmem>>
      %dma_start3A_1229 = tpu.memref_squeeze %dma_start3A_1228 : memref<1x200x128xf32, #tpu.memory_space<vmem>> -> memref<200x128xf32, #tpu.memory_space<vmem>>
      %dma_start3A_1230 = arith.constant 128 : i32
      %dma_start3A_1231 = arith.constant 0 : i32
      %dma_start3A_1232 = tpu.memref_slice %dma_start3A_1229[%dma_start3A_1230, %dma_start3A_1231] : memref<200x128xf32, #tpu.memory_space<vmem>> -> memref<72x128xf32, #tpu.memory_space<vmem>>
      %dma_start3A_1233 = arith.constant 0 : i32
      %dma_start3A_1234 = tpu.memref_slice %arg7[%add3A_1224, %dma_start3A_1233] : memref<64x128xi32, #tpu.memory_space<vmem>> -> memref<1x72xi32, #tpu.memory_space<vmem>>
      %dma_start3A_1235 = tpu.memref_squeeze %dma_start3A_1234 : memref<1x72xi32, #tpu.memory_space<vmem>> -> memref<72xi32, #tpu.memory_space<vmem>>
      %dma_start3A_1236 = arith.constant 0 : i32
      %dma_start3A_1237 = arith.constant 0 : i32
      %dma_start3A_1238 = tpu.memref_slice %arg4[%dma_start3A_1236, %dma_start3A_1237] : memref<400000x128xf32, #tpu.memory_space<hbm>> -> memref<400000x128xf32, #tpu.memory_space<hbm>>
      tpu.enqueue_indirect_dma source(%dma_start3A_1238 : memref<400000x128xf32, #tpu.memory_space<hbm>>) target(%dma_start3A_1232 : memref<72x128xf32, #tpu.memory_space<vmem>>) offsets(%dma_start3A_1235 : memref<72xi32, #tpu.memory_space<vmem>>) semaphore(%arg16 : memref<!tpu.dma_semaphore, #tpu.memory_space<semaphore_mem>>)
    }
    %scan3A_531 = arith.constant 15 : i32
    %dma_wait3A_532 = arith.constant 60 : i32
    %dma_wait3A_533 = arith.constant 0 : i32
    %dma_wait3A_534 = arith.constant 0 : i32
    %dma_wait3A_535 = arith.constant 0 : i32
    %dma_wait3A_536 = tpu.memref_slice %arg8[%dma_wait3A_533, %dma_wait3A_534, %dma_wait3A_535] : memref<4x200x128xf32, #tpu.memory_space<vmem>> -> memref<1x200x128xf32, #tpu.memory_space<vmem>>
    %dma_wait3A_537 = tpu.memref_squeeze %dma_wait3A_536 : memref<1x200x128xf32, #tpu.memory_space<vmem>> -> memref<200x128xf32, #tpu.memory_space<vmem>>
    %dma_wait3A_538 = arith.constant 0 : i32
    %dma_wait3A_539 = arith.constant 0 : i32
    %dma_wait3A_540 = tpu.memref_slice %dma_wait3A_537[%dma_wait3A_538, %dma_wait3A_539] : memref<200x128xf32, #tpu.memory_space<vmem>> -> memref<128x128xf32, #tpu.memory_space<vmem>>
    %dma_wait3A_541 = arith.constant 0 : i32
    %dma_wait3A_542 = tpu.memref_slice %arg6[%dma_wait3A_532, %dma_wait3A_541] : memref<64x128xi32, #tpu.memory_space<vmem>> -> memref<1x128xi32, #tpu.memory_space<vmem>>
    %dma_wait3A_543 = tpu.memref_squeeze %dma_wait3A_542 : memref<1x128xi32, #tpu.memory_space<vmem>> -> memref<128xi32, #tpu.memory_space<vmem>>
    %dma_wait3A_544 = arith.constant 0 : i32
    %dma_wait3A_545 = arith.constant 0 : i32
    %dma_wait3A_546 = tpu.memref_slice %arg4[%dma_wait3A_544, %dma_wait3A_545] : memref<400000x128xf32, #tpu.memory_space<hbm>> -> memref<400000x128xf32, #tpu.memory_space<hbm>>
    tpu.wait_indirect_dma semaphore(%arg9 : memref<!tpu.dma_semaphore, #tpu.memory_space<semaphore_mem>>) src(%dma_wait3A_546 : memref<400000x128xf32, #tpu.memory_space<hbm>>) dst(%dma_wait3A_540 : memref<128x128xf32, #tpu.memory_space<vmem>>)
    %dma_wait3A_547 = arith.constant 60 : i32
    %dma_wait3A_548 = arith.constant 0 : i32
    %dma_wait3A_549 = arith.constant 0 : i32
    %dma_wait3A_550 = arith.constant 0 : i32
    %dma_wait3A_551 = tpu.memref_slice %arg8[%dma_wait3A_548, %dma_wait3A_549, %dma_wait3A_550] : memref<4x200x128xf32, #tpu.memory_space<vmem>> -> memref<1x200x128xf32, #tpu.memory_space<vmem>>
    %dma_wait3A_552 = tpu.memref_squeeze %dma_wait3A_551 : memref<1x200x128xf32, #tpu.memory_space<vmem>> -> memref<200x128xf32, #tpu.memory_space<vmem>>
    %dma_wait3A_553 = arith.constant 128 : i32
    %dma_wait3A_554 = arith.constant 0 : i32
    %dma_wait3A_555 = tpu.memref_slice %dma_wait3A_552[%dma_wait3A_553, %dma_wait3A_554] : memref<200x128xf32, #tpu.memory_space<vmem>> -> memref<72x128xf32, #tpu.memory_space<vmem>>
    %dma_wait3A_556 = arith.constant 0 : i32
    %dma_wait3A_557 = tpu.memref_slice %arg7[%dma_wait3A_547, %dma_wait3A_556] : memref<64x128xi32, #tpu.memory_space<vmem>> -> memref<1x72xi32, #tpu.memory_space<vmem>>
    %dma_wait3A_558 = tpu.memref_squeeze %dma_wait3A_557 : memref<1x72xi32, #tpu.memory_space<vmem>> -> memref<72xi32, #tpu.memory_space<vmem>>
    %dma_wait3A_559 = arith.constant 0 : i32
    %dma_wait3A_560 = arith.constant 0 : i32
    %dma_wait3A_561 = tpu.memref_slice %arg4[%dma_wait3A_559, %dma_wait3A_560] : memref<400000x128xf32, #tpu.memory_space<hbm>> -> memref<400000x128xf32, #tpu.memory_space<hbm>>
    tpu.wait_indirect_dma semaphore(%arg13 : memref<!tpu.dma_semaphore, #tpu.memory_space<semaphore_mem>>) src(%dma_wait3A_561 : memref<400000x128xf32, #tpu.memory_space<hbm>>) dst(%dma_wait3A_555 : memref<72x128xf32, #tpu.memory_space<vmem>>)
    %add3A_562 = arith.constant 64 : i32
    %add3A_563 = arith.addi %mul3A_2, %add3A_562 : i32
    %add3A_564 = arith.constant 60 : i32
    %add3A_565 = arith.addi %add3A_563, %add3A_564 : i32
    %mul3A_566 = arith.constant 200 : i32
    %mul3A_567 = arith.muli %add3A_565, %mul3A_566 : i32
    %dma_start3A_568 = arith.constant 0 : i32
    %dma_start3A_569 = arith.constant 0 : i32
    %dma_start3A_570 = arith.constant 0 : i32
    %dma_start3A_571 = tpu.memref_slice %arg8[%dma_start3A_568, %dma_start3A_569, %dma_start3A_570] : memref<4x200x128xf32, #tpu.memory_space<vmem>> -> memref<1x200x128xf32, #tpu.memory_space<vmem>>
    %dma_start3A_572 = tpu.memref_squeeze %dma_start3A_571 : memref<1x200x128xf32, #tpu.memory_space<vmem>> -> memref<200x128xf32, #tpu.memory_space<vmem>>
    %dma_start3A_573 = arith.constant 0 : i32
    %dma_start3A_574 = tpu.memref_slice %arg5[%mul3A_567, %dma_start3A_573] : memref<819200x128xf32, #tpu.memory_space<hbm>> -> memref<200x128xf32, #tpu.memory_space<hbm>>
    %dma_start3A_575 = arith.constant 0 : i32
    %dma_start3A_576 = tpu.memref_slice %arg5[%mul3A_567, %dma_start3A_575] : memref<819200x128xf32, #tpu.memory_space<hbm>> -> memref<200x128xf32, #tpu.memory_space<hbm>>
    %dma_start3A_577 = arith.constant 0 : i32
    %dma_start3A_578 = arith.constant 0 : i32
    %dma_start3A_579 = tpu.memref_slice %arg8[%dma_start3A_568, %dma_start3A_577, %dma_start3A_578] : memref<4x200x128xf32, #tpu.memory_space<vmem>> -> memref<1x200x128xf32, #tpu.memory_space<vmem>>
    %dma_start3A_580 = tpu.memref_squeeze %dma_start3A_579 : memref<1x200x128xf32, #tpu.memory_space<vmem>> -> memref<200x128xf32, #tpu.memory_space<vmem>>
    tpu.enqueue_dma source(%dma_start3A_580 : memref<200x128xf32, #tpu.memory_space<vmem>>) target(%dma_start3A_576 : memref<200x128xf32, #tpu.memory_space<hbm>>) target_semaphore(%arg17 : memref<!tpu.dma_semaphore, #tpu.memory_space<semaphore_mem>>)
    %dma_wait3A_581 = arith.constant 61 : i32
    %dma_wait3A_582 = arith.constant 1 : i32
    %dma_wait3A_583 = arith.constant 0 : i32
    %dma_wait3A_584 = arith.constant 0 : i32
    %dma_wait3A_585 = tpu.memref_slice %arg8[%dma_wait3A_582, %dma_wait3A_583, %dma_wait3A_584] : memref<4x200x128xf32, #tpu.memory_space<vmem>> -> memref<1x200x128xf32, #tpu.memory_space<vmem>>
    %dma_wait3A_586 = tpu.memref_squeeze %dma_wait3A_585 : memref<1x200x128xf32, #tpu.memory_space<vmem>> -> memref<200x128xf32, #tpu.memory_space<vmem>>
    %dma_wait3A_587 = arith.constant 0 : i32
    %dma_wait3A_588 = arith.constant 0 : i32
    %dma_wait3A_589 = tpu.memref_slice %dma_wait3A_586[%dma_wait3A_587, %dma_wait3A_588] : memref<200x128xf32, #tpu.memory_space<vmem>> -> memref<128x128xf32, #tpu.memory_space<vmem>>
    %dma_wait3A_590 = arith.constant 0 : i32
    %dma_wait3A_591 = tpu.memref_slice %arg6[%dma_wait3A_581, %dma_wait3A_590] : memref<64x128xi32, #tpu.memory_space<vmem>> -> memref<1x128xi32, #tpu.memory_space<vmem>>
    %dma_wait3A_592 = tpu.memref_squeeze %dma_wait3A_591 : memref<1x128xi32, #tpu.memory_space<vmem>> -> memref<128xi32, #tpu.memory_space<vmem>>
    %dma_wait3A_593 = arith.constant 0 : i32
    %dma_wait3A_594 = arith.constant 0 : i32
    %dma_wait3A_595 = tpu.memref_slice %arg4[%dma_wait3A_593, %dma_wait3A_594] : memref<400000x128xf32, #tpu.memory_space<hbm>> -> memref<400000x128xf32, #tpu.memory_space<hbm>>
    tpu.wait_indirect_dma semaphore(%arg10 : memref<!tpu.dma_semaphore, #tpu.memory_space<semaphore_mem>>) src(%dma_wait3A_595 : memref<400000x128xf32, #tpu.memory_space<hbm>>) dst(%dma_wait3A_589 : memref<128x128xf32, #tpu.memory_space<vmem>>)
    %dma_wait3A_596 = arith.constant 61 : i32
    %dma_wait3A_597 = arith.constant 1 : i32
    %dma_wait3A_598 = arith.constant 0 : i32
    %dma_wait3A_599 = arith.constant 0 : i32
    %dma_wait3A_600 = tpu.memref_slice %arg8[%dma_wait3A_597, %dma_wait3A_598, %dma_wait3A_599] : memref<4x200x128xf32, #tpu.memory_space<vmem>> -> memref<1x200x128xf32, #tpu.memory_space<vmem>>
    %dma_wait3A_601 = tpu.memref_squeeze %dma_wait3A_600 : memref<1x200x128xf32, #tpu.memory_space<vmem>> -> memref<200x128xf32, #tpu.memory_space<vmem>>
    %dma_wait3A_602 = arith.constant 128 : i32
    %dma_wait3A_603 = arith.constant 0 : i32
    %dma_wait3A_604 = tpu.memref_slice %dma_wait3A_601[%dma_wait3A_602, %dma_wait3A_603] : memref<200x128xf32, #tpu.memory_space<vmem>> -> memref<72x128xf32, #tpu.memory_space<vmem>>
    %dma_wait3A_605 = arith.constant 0 : i32
    %dma_wait3A_606 = tpu.memref_slice %arg7[%dma_wait3A_596, %dma_wait3A_605] : memref<64x128xi32, #tpu.memory_space<vmem>> -> memref<1x72xi32, #tpu.memory_space<vmem>>
    %dma_wait3A_607 = tpu.memref_squeeze %dma_wait3A_606 : memref<1x72xi32, #tpu.memory_space<vmem>> -> memref<72xi32, #tpu.memory_space<vmem>>
    %dma_wait3A_608 = arith.constant 0 : i32
    %dma_wait3A_609 = arith.constant 0 : i32
    %dma_wait3A_610 = tpu.memref_slice %arg4[%dma_wait3A_608, %dma_wait3A_609] : memref<400000x128xf32, #tpu.memory_space<hbm>> -> memref<400000x128xf32, #tpu.memory_space<hbm>>
    tpu.wait_indirect_dma semaphore(%arg14 : memref<!tpu.dma_semaphore, #tpu.memory_space<semaphore_mem>>) src(%dma_wait3A_610 : memref<400000x128xf32, #tpu.memory_space<hbm>>) dst(%dma_wait3A_604 : memref<72x128xf32, #tpu.memory_space<vmem>>)
    %add3A_611 = arith.constant 64 : i32
    %add3A_612 = arith.addi %mul3A_2, %add3A_611 : i32
    %add3A_613 = arith.constant 61 : i32
    %add3A_614 = arith.addi %add3A_612, %add3A_613 : i32
    %mul3A_615 = arith.constant 200 : i32
    %mul3A_616 = arith.muli %add3A_614, %mul3A_615 : i32
    %dma_start3A_617 = arith.constant 1 : i32
    %dma_start3A_618 = arith.constant 0 : i32
    %dma_start3A_619 = arith.constant 0 : i32
    %dma_start3A_620 = tpu.memref_slice %arg8[%dma_start3A_617, %dma_start3A_618, %dma_start3A_619] : memref<4x200x128xf32, #tpu.memory_space<vmem>> -> memref<1x200x128xf32, #tpu.memory_space<vmem>>
    %dma_start3A_621 = tpu.memref_squeeze %dma_start3A_620 : memref<1x200x128xf32, #tpu.memory_space<vmem>> -> memref<200x128xf32, #tpu.memory_space<vmem>>
    %dma_start3A_622 = arith.constant 0 : i32
    %dma_start3A_623 = tpu.memref_slice %arg5[%mul3A_616, %dma_start3A_622] : memref<819200x128xf32, #tpu.memory_space<hbm>> -> memref<200x128xf32, #tpu.memory_space<hbm>>
    %dma_start3A_624 = arith.constant 0 : i32
    %dma_start3A_625 = tpu.memref_slice %arg5[%mul3A_616, %dma_start3A_624] : memref<819200x128xf32, #tpu.memory_space<hbm>> -> memref<200x128xf32, #tpu.memory_space<hbm>>
    %dma_start3A_626 = arith.constant 0 : i32
    %dma_start3A_627 = arith.constant 0 : i32
    %dma_start3A_628 = tpu.memref_slice %arg8[%dma_start3A_617, %dma_start3A_626, %dma_start3A_627] : memref<4x200x128xf32, #tpu.memory_space<vmem>> -> memref<1x200x128xf32, #tpu.memory_space<vmem>>
    %dma_start3A_629 = tpu.memref_squeeze %dma_start3A_628 : memref<1x200x128xf32, #tpu.memory_space<vmem>> -> memref<200x128xf32, #tpu.memory_space<vmem>>
    tpu.enqueue_dma source(%dma_start3A_629 : memref<200x128xf32, #tpu.memory_space<vmem>>) target(%dma_start3A_625 : memref<200x128xf32, #tpu.memory_space<hbm>>) target_semaphore(%arg18 : memref<!tpu.dma_semaphore, #tpu.memory_space<semaphore_mem>>)
    %dma_wait3A_630 = arith.constant 62 : i32
    %dma_wait3A_631 = arith.constant 2 : i32
    %dma_wait3A_632 = arith.constant 0 : i32
    %dma_wait3A_633 = arith.constant 0 : i32
    %dma_wait3A_634 = tpu.memref_slice %arg8[%dma_wait3A_631, %dma_wait3A_632, %dma_wait3A_633] : memref<4x200x128xf32, #tpu.memory_space<vmem>> -> memref<1x200x128xf32, #tpu.memory_space<vmem>>
    %dma_wait3A_635 = tpu.memref_squeeze %dma_wait3A_634 : memref<1x200x128xf32, #tpu.memory_space<vmem>> -> memref<200x128xf32, #tpu.memory_space<vmem>>
    %dma_wait3A_636 = arith.constant 0 : i32
    %dma_wait3A_637 = arith.constant 0 : i32
    %dma_wait3A_638 = tpu.memref_slice %dma_wait3A_635[%dma_wait3A_636, %dma_wait3A_637] : memref<200x128xf32, #tpu.memory_space<vmem>> -> memref<128x128xf32, #tpu.memory_space<vmem>>
    %dma_wait3A_639 = arith.constant 0 : i32
    %dma_wait3A_640 = tpu.memref_slice %arg6[%dma_wait3A_630, %dma_wait3A_639] : memref<64x128xi32, #tpu.memory_space<vmem>> -> memref<1x128xi32, #tpu.memory_space<vmem>>
    %dma_wait3A_641 = tpu.memref_squeeze %dma_wait3A_640 : memref<1x128xi32, #tpu.memory_space<vmem>> -> memref<128xi32, #tpu.memory_space<vmem>>
    %dma_wait3A_642 = arith.constant 0 : i32
    %dma_wait3A_643 = arith.constant 0 : i32
    %dma_wait3A_644 = tpu.memref_slice %arg4[%dma_wait3A_642, %dma_wait3A_643] : memref<400000x128xf32, #tpu.memory_space<hbm>> -> memref<400000x128xf32, #tpu.memory_space<hbm>>
    tpu.wait_indirect_dma semaphore(%arg11 : memref<!tpu.dma_semaphore, #tpu.memory_space<semaphore_mem>>) src(%dma_wait3A_644 : memref<400000x128xf32, #tpu.memory_space<hbm>>) dst(%dma_wait3A_638 : memref<128x128xf32, #tpu.memory_space<vmem>>)
    %dma_wait3A_645 = arith.constant 62 : i32
    %dma_wait3A_646 = arith.constant 2 : i32
    %dma_wait3A_647 = arith.constant 0 : i32
    %dma_wait3A_648 = arith.constant 0 : i32
    %dma_wait3A_649 = tpu.memref_slice %arg8[%dma_wait3A_646, %dma_wait3A_647, %dma_wait3A_648] : memref<4x200x128xf32, #tpu.memory_space<vmem>> -> memref<1x200x128xf32, #tpu.memory_space<vmem>>
    %dma_wait3A_650 = tpu.memref_squeeze %dma_wait3A_649 : memref<1x200x128xf32, #tpu.memory_space<vmem>> -> memref<200x128xf32, #tpu.memory_space<vmem>>
    %dma_wait3A_651 = arith.constant 128 : i32
    %dma_wait3A_652 = arith.constant 0 : i32
    %dma_wait3A_653 = tpu.memref_slice %dma_wait3A_650[%dma_wait3A_651, %dma_wait3A_652] : memref<200x128xf32, #tpu.memory_space<vmem>> -> memref<72x128xf32, #tpu.memory_space<vmem>>
    %dma_wait3A_654 = arith.constant 0 : i32
    %dma_wait3A_655 = tpu.memref_slice %arg7[%dma_wait3A_645, %dma_wait3A_654] : memref<64x128xi32, #tpu.memory_space<vmem>> -> memref<1x72xi32, #tpu.memory_space<vmem>>
    %dma_wait3A_656 = tpu.memref_squeeze %dma_wait3A_655 : memref<1x72xi32, #tpu.memory_space<vmem>> -> memref<72xi32, #tpu.memory_space<vmem>>
    %dma_wait3A_657 = arith.constant 0 : i32
    %dma_wait3A_658 = arith.constant 0 : i32
    %dma_wait3A_659 = tpu.memref_slice %arg4[%dma_wait3A_657, %dma_wait3A_658] : memref<400000x128xf32, #tpu.memory_space<hbm>> -> memref<400000x128xf32, #tpu.memory_space<hbm>>
    tpu.wait_indirect_dma semaphore(%arg15 : memref<!tpu.dma_semaphore, #tpu.memory_space<semaphore_mem>>) src(%dma_wait3A_659 : memref<400000x128xf32, #tpu.memory_space<hbm>>) dst(%dma_wait3A_653 : memref<72x128xf32, #tpu.memory_space<vmem>>)
    %add3A_660 = arith.constant 64 : i32
    %add3A_661 = arith.addi %mul3A_2, %add3A_660 : i32
    %add3A_662 = arith.constant 62 : i32
    %add3A_663 = arith.addi %add3A_661, %add3A_662 : i32
    %mul3A_664 = arith.constant 200 : i32
    %mul3A_665 = arith.muli %add3A_663, %mul3A_664 : i32
    %dma_start3A_666 = arith.constant 2 : i32
    %dma_start3A_667 = arith.constant 0 : i32
    %dma_start3A_668 = arith.constant 0 : i32
    %dma_start3A_669 = tpu.memref_slice %arg8[%dma_start3A_666, %dma_start3A_667, %dma_start3A_668] : memref<4x200x128xf32, #tpu.memory_space<vmem>> -> memref<1x200x128xf32, #tpu.memory_space<vmem>>
    %dma_start3A_670 = tpu.memref_squeeze %dma_start3A_669 : memref<1x200x128xf32, #tpu.memory_space<vmem>> -> memref<200x128xf32, #tpu.memory_space<vmem>>
    %dma_start3A_671 = arith.constant 0 : i32
    %dma_start3A_672 = tpu.memref_slice %arg5[%mul3A_665, %dma_start3A_671] : memref<819200x128xf32, #tpu.memory_space<hbm>> -> memref<200x128xf32, #tpu.memory_space<hbm>>
    %dma_start3A_673 = arith.constant 0 : i32
    %dma_start3A_674 = tpu.memref_slice %arg5[%mul3A_665, %dma_start3A_673] : memref<819200x128xf32, #tpu.memory_space<hbm>> -> memref<200x128xf32, #tpu.memory_space<hbm>>
    %dma_start3A_675 = arith.constant 0 : i32
    %dma_start3A_676 = arith.constant 0 : i32
    %dma_start3A_677 = tpu.memref_slice %arg8[%dma_start3A_666, %dma_start3A_675, %dma_start3A_676] : memref<4x200x128xf32, #tpu.memory_space<vmem>> -> memref<1x200x128xf32, #tpu.memory_space<vmem>>
    %dma_start3A_678 = tpu.memref_squeeze %dma_start3A_677 : memref<1x200x128xf32, #tpu.memory_space<vmem>> -> memref<200x128xf32, #tpu.memory_space<vmem>>
    tpu.enqueue_dma source(%dma_start3A_678 : memref<200x128xf32, #tpu.memory_space<vmem>>) target(%dma_start3A_674 : memref<200x128xf32, #tpu.memory_space<hbm>>) target_semaphore(%arg19 : memref<!tpu.dma_semaphore, #tpu.memory_space<semaphore_mem>>)
    %dma_wait3A_679 = arith.constant 63 : i32
    %dma_wait3A_680 = arith.constant 3 : i32
    %dma_wait3A_681 = arith.constant 0 : i32
    %dma_wait3A_682 = arith.constant 0 : i32
    %dma_wait3A_683 = tpu.memref_slice %arg8[%dma_wait3A_680, %dma_wait3A_681, %dma_wait3A_682] : memref<4x200x128xf32, #tpu.memory_space<vmem>> -> memref<1x200x128xf32, #tpu.memory_space<vmem>>
    %dma_wait3A_684 = tpu.memref_squeeze %dma_wait3A_683 : memref<1x200x128xf32, #tpu.memory_space<vmem>> -> memref<200x128xf32, #tpu.memory_space<vmem>>
    %dma_wait3A_685 = arith.constant 0 : i32
    %dma_wait3A_686 = arith.constant 0 : i32
    %dma_wait3A_687 = tpu.memref_slice %dma_wait3A_684[%dma_wait3A_685, %dma_wait3A_686] : memref<200x128xf32, #tpu.memory_space<vmem>> -> memref<128x128xf32, #tpu.memory_space<vmem>>
    %dma_wait3A_688 = arith.constant 0 : i32
    %dma_wait3A_689 = tpu.memref_slice %arg6[%dma_wait3A_679, %dma_wait3A_688] : memref<64x128xi32, #tpu.memory_space<vmem>> -> memref<1x128xi32, #tpu.memory_space<vmem>>
    %dma_wait3A_690 = tpu.memref_squeeze %dma_wait3A_689 : memref<1x128xi32, #tpu.memory_space<vmem>> -> memref<128xi32, #tpu.memory_space<vmem>>
    %dma_wait3A_691 = arith.constant 0 : i32
    %dma_wait3A_692 = arith.constant 0 : i32
    %dma_wait3A_693 = tpu.memref_slice %arg4[%dma_wait3A_691, %dma_wait3A_692] : memref<400000x128xf32, #tpu.memory_space<hbm>> -> memref<400000x128xf32, #tpu.memory_space<hbm>>
    tpu.wait_indirect_dma semaphore(%arg12 : memref<!tpu.dma_semaphore, #tpu.memory_space<semaphore_mem>>) src(%dma_wait3A_693 : memref<400000x128xf32, #tpu.memory_space<hbm>>) dst(%dma_wait3A_687 : memref<128x128xf32, #tpu.memory_space<vmem>>)
    %dma_wait3A_694 = arith.constant 63 : i32
    %dma_wait3A_695 = arith.constant 3 : i32
    %dma_wait3A_696 = arith.constant 0 : i32
    %dma_wait3A_697 = arith.constant 0 : i32
    %dma_wait3A_698 = tpu.memref_slice %arg8[%dma_wait3A_695, %dma_wait3A_696, %dma_wait3A_697] : memref<4x200x128xf32, #tpu.memory_space<vmem>> -> memref<1x200x128xf32, #tpu.memory_space<vmem>>
    %dma_wait3A_699 = tpu.memref_squeeze %dma_wait3A_698 : memref<1x200x128xf32, #tpu.memory_space<vmem>> -> memref<200x128xf32, #tpu.memory_space<vmem>>
    %dma_wait3A_700 = arith.constant 128 : i32
    %dma_wait3A_701 = arith.constant 0 : i32
    %dma_wait3A_702 = tpu.memref_slice %dma_wait3A_699[%dma_wait3A_700, %dma_wait3A_701] : memref<200x128xf32, #tpu.memory_space<vmem>> -> memref<72x128xf32, #tpu.memory_space<vmem>>
    %dma_wait3A_703 = arith.constant 0 : i32
    %dma_wait3A_704 = tpu.memref_slice %arg7[%dma_wait3A_694, %dma_wait3A_703] : memref<64x128xi32, #tpu.memory_space<vmem>> -> memref<1x72xi32, #tpu.memory_space<vmem>>
    %dma_wait3A_705 = tpu.memref_squeeze %dma_wait3A_704 : memref<1x72xi32, #tpu.memory_space<vmem>> -> memref<72xi32, #tpu.memory_space<vmem>>
    %dma_wait3A_706 = arith.constant 0 : i32
    %dma_wait3A_707 = arith.constant 0 : i32
    %dma_wait3A_708 = tpu.memref_slice %arg4[%dma_wait3A_706, %dma_wait3A_707] : memref<400000x128xf32, #tpu.memory_space<hbm>> -> memref<400000x128xf32, #tpu.memory_space<hbm>>
    tpu.wait_indirect_dma semaphore(%arg16 : memref<!tpu.dma_semaphore, #tpu.memory_space<semaphore_mem>>) src(%dma_wait3A_708 : memref<400000x128xf32, #tpu.memory_space<hbm>>) dst(%dma_wait3A_702 : memref<72x128xf32, #tpu.memory_space<vmem>>)
    %add3A_709 = arith.constant 64 : i32
    %add3A_710 = arith.addi %mul3A_2, %add3A_709 : i32
    %add3A_711 = arith.constant 63 : i32
    %add3A_712 = arith.addi %add3A_710, %add3A_711 : i32
    %mul3A_713 = arith.constant 200 : i32
    %mul3A_714 = arith.muli %add3A_712, %mul3A_713 : i32
    %dma_start3A_715 = arith.constant 3 : i32
    %dma_start3A_716 = arith.constant 0 : i32
    %dma_start3A_717 = arith.constant 0 : i32
    %dma_start3A_718 = tpu.memref_slice %arg8[%dma_start3A_715, %dma_start3A_716, %dma_start3A_717] : memref<4x200x128xf32, #tpu.memory_space<vmem>> -> memref<1x200x128xf32, #tpu.memory_space<vmem>>
    %dma_start3A_719 = tpu.memref_squeeze %dma_start3A_718 : memref<1x200x128xf32, #tpu.memory_space<vmem>> -> memref<200x128xf32, #tpu.memory_space<vmem>>
    %dma_start3A_720 = arith.constant 0 : i32
    %dma_start3A_721 = tpu.memref_slice %arg5[%mul3A_714, %dma_start3A_720] : memref<819200x128xf32, #tpu.memory_space<hbm>> -> memref<200x128xf32, #tpu.memory_space<hbm>>
    %dma_start3A_722 = arith.constant 0 : i32
    %dma_start3A_723 = tpu.memref_slice %arg5[%mul3A_714, %dma_start3A_722] : memref<819200x128xf32, #tpu.memory_space<hbm>> -> memref<200x128xf32, #tpu.memory_space<hbm>>
    %dma_start3A_724 = arith.constant 0 : i32
    %dma_start3A_725 = arith.constant 0 : i32
    %dma_start3A_726 = tpu.memref_slice %arg8[%dma_start3A_715, %dma_start3A_724, %dma_start3A_725] : memref<4x200x128xf32, #tpu.memory_space<vmem>> -> memref<1x200x128xf32, #tpu.memory_space<vmem>>
    %dma_start3A_727 = tpu.memref_squeeze %dma_start3A_726 : memref<1x200x128xf32, #tpu.memory_space<vmem>> -> memref<200x128xf32, #tpu.memory_space<vmem>>
    tpu.enqueue_dma source(%dma_start3A_727 : memref<200x128xf32, #tpu.memory_space<vmem>>) target(%dma_start3A_723 : memref<200x128xf32, #tpu.memory_space<hbm>>) target_semaphore(%arg20 : memref<!tpu.dma_semaphore, #tpu.memory_space<semaphore_mem>>)
    %add3A_728 = arith.constant 64 : i32
    %add3A_729 = arith.addi %mul3A_2, %add3A_728 : i32
    %add3A_730 = arith.constant 60 : i32
    %add3A_731 = arith.addi %add3A_729, %add3A_730 : i32
    %mul3A_732 = arith.constant 200 : i32
    %mul3A_733 = arith.muli %add3A_731, %mul3A_732 : i32
    %dma_wait3A_734 = arith.constant 0 : i32
    %dma_wait3A_735 = arith.constant 0 : i32
    %dma_wait3A_736 = arith.constant 0 : i32
    %dma_wait3A_737 = tpu.memref_slice %arg8[%dma_wait3A_734, %dma_wait3A_735, %dma_wait3A_736] : memref<4x200x128xf32, #tpu.memory_space<vmem>> -> memref<1x200x128xf32, #tpu.memory_space<vmem>>
    %dma_wait3A_738 = tpu.memref_squeeze %dma_wait3A_737 : memref<1x200x128xf32, #tpu.memory_space<vmem>> -> memref<200x128xf32, #tpu.memory_space<vmem>>
    %dma_wait3A_739 = arith.constant 0 : i32
    %dma_wait3A_740 = tpu.memref_slice %arg5[%mul3A_733, %dma_wait3A_739] : memref<819200x128xf32, #tpu.memory_space<hbm>> -> memref<200x128xf32, #tpu.memory_space<hbm>>
    %dma_wait3A_741 = arith.constant 0 : i32
    %dma_wait3A_742 = tpu.memref_slice %arg5[%mul3A_733, %dma_wait3A_741] : memref<819200x128xf32, #tpu.memory_space<hbm>> -> memref<200x128xf32, #tpu.memory_space<hbm>>
    %dma_wait3A_743 = arith.constant 0 : i32
    %dma_wait3A_744 = arith.constant 0 : i32
    %dma_wait3A_745 = tpu.memref_slice %arg8[%dma_wait3A_734, %dma_wait3A_743, %dma_wait3A_744] : memref<4x200x128xf32, #tpu.memory_space<vmem>> -> memref<1x200x128xf32, #tpu.memory_space<vmem>>
    %dma_wait3A_746 = tpu.memref_squeeze %dma_wait3A_745 : memref<1x200x128xf32, #tpu.memory_space<vmem>> -> memref<200x128xf32, #tpu.memory_space<vmem>>
    tpu.wait_dma2 semaphore(%arg17 : memref<!tpu.dma_semaphore, #tpu.memory_space<semaphore_mem>>) src(%dma_wait3A_746 : memref<200x128xf32, #tpu.memory_space<vmem>>) dst(%dma_wait3A_742 : memref<200x128xf32, #tpu.memory_space<hbm>>)
    %add3A_747 = arith.constant 64 : i32
    %add3A_748 = arith.addi %mul3A_2, %add3A_747 : i32
    %add3A_749 = arith.constant 61 : i32
    %add3A_750 = arith.addi %add3A_748, %add3A_749 : i32
    %mul3A_751 = arith.constant 200 : i32
    %mul3A_752 = arith.muli %add3A_750, %mul3A_751 : i32
    %dma_wait3A_753 = arith.constant 1 : i32
    %dma_wait3A_754 = arith.constant 0 : i32
    %dma_wait3A_755 = arith.constant 0 : i32
    %dma_wait3A_756 = tpu.memref_slice %arg8[%dma_wait3A_753, %dma_wait3A_754, %dma_wait3A_755] : memref<4x200x128xf32, #tpu.memory_space<vmem>> -> memref<1x200x128xf32, #tpu.memory_space<vmem>>
    %dma_wait3A_757 = tpu.memref_squeeze %dma_wait3A_756 : memref<1x200x128xf32, #tpu.memory_space<vmem>> -> memref<200x128xf32, #tpu.memory_space<vmem>>
    %dma_wait3A_758 = arith.constant 0 : i32
    %dma_wait3A_759 = tpu.memref_slice %arg5[%mul3A_752, %dma_wait3A_758] : memref<819200x128xf32, #tpu.memory_space<hbm>> -> memref<200x128xf32, #tpu.memory_space<hbm>>
    %dma_wait3A_760 = arith.constant 0 : i32
    %dma_wait3A_761 = tpu.memref_slice %arg5[%mul3A_752, %dma_wait3A_760] : memref<819200x128xf32, #tpu.memory_space<hbm>> -> memref<200x128xf32, #tpu.memory_space<hbm>>
    %dma_wait3A_762 = arith.constant 0 : i32
    %dma_wait3A_763 = arith.constant 0 : i32
    %dma_wait3A_764 = tpu.memref_slice %arg8[%dma_wait3A_753, %dma_wait3A_762, %dma_wait3A_763] : memref<4x200x128xf32, #tpu.memory_space<vmem>> -> memref<1x200x128xf32, #tpu.memory_space<vmem>>
    %dma_wait3A_765 = tpu.memref_squeeze %dma_wait3A_764 : memref<1x200x128xf32, #tpu.memory_space<vmem>> -> memref<200x128xf32, #tpu.memory_space<vmem>>
    tpu.wait_dma2 semaphore(%arg18 : memref<!tpu.dma_semaphore, #tpu.memory_space<semaphore_mem>>) src(%dma_wait3A_765 : memref<200x128xf32, #tpu.memory_space<vmem>>) dst(%dma_wait3A_761 : memref<200x128xf32, #tpu.memory_space<hbm>>)
    %add3A_766 = arith.constant 64 : i32
    %add3A_767 = arith.addi %mul3A_2, %add3A_766 : i32
    %add3A_768 = arith.constant 62 : i32
    %add3A_769 = arith.addi %add3A_767, %add3A_768 : i32
    %mul3A_770 = arith.constant 200 : i32
    %mul3A_771 = arith.muli %add3A_769, %mul3A_770 : i32
    %dma_wait3A_772 = arith.constant 2 : i32
    %dma_wait3A_773 = arith.constant 0 : i32
    %dma_wait3A_774 = arith.constant 0 : i32
    %dma_wait3A_775 = tpu.memref_slice %arg8[%dma_wait3A_772, %dma_wait3A_773, %dma_wait3A_774] : memref<4x200x128xf32, #tpu.memory_space<vmem>> -> memref<1x200x128xf32, #tpu.memory_space<vmem>>
    %dma_wait3A_776 = tpu.memref_squeeze %dma_wait3A_775 : memref<1x200x128xf32, #tpu.memory_space<vmem>> -> memref<200x128xf32, #tpu.memory_space<vmem>>
    %dma_wait3A_777 = arith.constant 0 : i32
    %dma_wait3A_778 = tpu.memref_slice %arg5[%mul3A_771, %dma_wait3A_777] : memref<819200x128xf32, #tpu.memory_space<hbm>> -> memref<200x128xf32, #tpu.memory_space<hbm>>
    %dma_wait3A_779 = arith.constant 0 : i32
    %dma_wait3A_780 = tpu.memref_slice %arg5[%mul3A_771, %dma_wait3A_779] : memref<819200x128xf32, #tpu.memory_space<hbm>> -> memref<200x128xf32, #tpu.memory_space<hbm>>
    %dma_wait3A_781 = arith.constant 0 : i32
    %dma_wait3A_782 = arith.constant 0 : i32
    %dma_wait3A_783 = tpu.memref_slice %arg8[%dma_wait3A_772, %dma_wait3A_781, %dma_wait3A_782] : memref<4x200x128xf32, #tpu.memory_space<vmem>> -> memref<1x200x128xf32, #tpu.memory_space<vmem>>
    %dma_wait3A_784 = tpu.memref_squeeze %dma_wait3A_783 : memref<1x200x128xf32, #tpu.memory_space<vmem>> -> memref<200x128xf32, #tpu.memory_space<vmem>>
    tpu.wait_dma2 semaphore(%arg19 : memref<!tpu.dma_semaphore, #tpu.memory_space<semaphore_mem>>) src(%dma_wait3A_784 : memref<200x128xf32, #tpu.memory_space<vmem>>) dst(%dma_wait3A_780 : memref<200x128xf32, #tpu.memory_space<hbm>>)
    %add3A_785 = arith.constant 64 : i32
    %add3A_786 = arith.addi %mul3A_2, %add3A_785 : i32
    %add3A_787 = arith.constant 63 : i32
    %add3A_788 = arith.addi %add3A_786, %add3A_787 : i32
    %mul3A_789 = arith.constant 200 : i32
    %mul3A_790 = arith.muli %add3A_788, %mul3A_789 : i32
    %dma_wait3A_791 = arith.constant 3 : i32
    %dma_wait3A_792 = arith.constant 0 : i32
    %dma_wait3A_793 = arith.constant 0 : i32
    %dma_wait3A_794 = tpu.memref_slice %arg8[%dma_wait3A_791, %dma_wait3A_792, %dma_wait3A_793] : memref<4x200x128xf32, #tpu.memory_space<vmem>> -> memref<1x200x128xf32, #tpu.memory_space<vmem>>
    %dma_wait3A_795 = tpu.memref_squeeze %dma_wait3A_794 : memref<1x200x128xf32, #tpu.memory_space<vmem>> -> memref<200x128xf32, #tpu.memory_space<vmem>>
    %dma_wait3A_796 = arith.constant 0 : i32
    %dma_wait3A_797 = tpu.memref_slice %arg5[%mul3A_790, %dma_wait3A_796] : memref<819200x128xf32, #tpu.memory_space<hbm>> -> memref<200x128xf32, #tpu.memory_space<hbm>>
    %dma_wait3A_798 = arith.constant 0 : i32
    %dma_wait3A_799 = tpu.memref_slice %arg5[%mul3A_790, %dma_wait3A_798] : memref<819200x128xf32, #tpu.memory_space<hbm>> -> memref<200x128xf32, #tpu.memory_space<hbm>>
    %dma_wait3A_800 = arith.constant 0 : i32
    %dma_wait3A_801 = arith.constant 0 : i32
    %dma_wait3A_802 = tpu.memref_slice %arg8[%dma_wait3A_791, %dma_wait3A_800, %dma_wait3A_801] : memref<4x200x128xf32, #tpu.memory_space<vmem>> -> memref<1x200x128xf32, #tpu.memory_space<vmem>>
    %dma_wait3A_803 = tpu.memref_squeeze %dma_wait3A_802 : memref<1x200x128xf32, #tpu.memory_space<vmem>> -> memref<200x128xf32, #tpu.memory_space<vmem>>
    tpu.wait_dma2 semaphore(%arg20 : memref<!tpu.dma_semaphore, #tpu.memory_space<semaphore_mem>>) src(%dma_wait3A_803 : memref<200x128xf32, #tpu.memory_space<vmem>>) dst(%dma_wait3A_799 : memref<200x128xf32, #tpu.memory_space<hbm>>)
    return
  }
}

</mosaic_0001>

<sc_bundles>
// kernel: kernel.3.cloned.1.call-start
scs
__scs_entry_jumppad:
0x0: {  	(pc) =	sbr.rel $0x88, $3  }
0x1: {  	(tag) =	ssettag $0x0;
	lr =	simm.s32 $0x1  }
0x2: {  	[smem:$0x3F9F] =	sst lr;
	_ =	strace $0xD0000000  }
0x3: {  	_ = 	snop  }
0x4: {  	_ = 	snop  }
0x5: {  	_ = 	snop  }
0x6: {  	_ = 	snop  }
0x7: {  	_ = 	snop  }
__scs_overlays_trampoline_lowered:
0x8: {  	[smem:$0x3FAE] =	sst s0  }
0x9: {  	[smem:$0x3FAF] =	sst s1  }
0xa: {  	[smem:$0x3FB0] =	sst s2  }
0xb: {  	[smem:$0x3FB1] =	sst s3  }
0xc: {  	[smem:$0x3FB2] =	sst s4  }
0xd: {  	[smem:$0x3FB3] =	sst s5  }
0xe: {  	[smem:$0x3FB4] =	sst s6  }
0xf: {  	[smem:$0x3FB5] =	sst s7  }
0x10: {  	[smem:$0x3FB6] =	sst s8  }
0x11: {  	[smem:$0x3FB7] =	sst s9;
	s0 =	simm.s32 @!p0 $0x0  }
0x12: {  	s1 =	sld [smem:$0x3F9D];
	s0 =	simm.s32 @p0 $0x1  }
0x13: {  	[smem:$0x3FB8] =	sst s0;
	s0 =	simm.s32 @!p1 $0x0  }
0x14: {  	s2 =	sld [smem:$0x3F9C];
	s0 =	simm.s32 @p1 $0x1  }
0x15: {  	[smem:$0x3FB9] =	sst s0;
	s0 =	simm.s32 @!p2 $0x0  }
0x16: {  	s3 =	sld [smem:$0x3FDB];
	s0 =	simm.s32 @p2 $0x1  }
0x17: {  	s4 =	simm.s32 $0x1BF5;
	[smem:$0x3FBB] =	sst s0  }
0x18: {  	s0 =	sld [smem:$0x3F9E];
	_ =	swait.ge [sflag:s4], $0x0  }
0x19: {  	s7 =	sld [smem:$0x3F9F]  }
0x1a: {  	s8 =	sadd.s32 $0xFFFFE003, lr  }
0x1b: {  	s9 =	sadd.s32 $0xFFFFFEF7, lr;
	s5 =	simm.s32 $0xFFFFFFFF;
	p2 =	slt.u32 s8, $0xFFFFF086  }
0x1c: {  	p1 =	slt.u32 s9, $0xF7A;
	s5 =	simm.s32 @!p2 $0x0  }
0x1d: {  	s5 =	simm.s32 @p1 $0x1;
	p0 =	seq.s32 s7, s2  }
0x1e: {  	s7 =	smul.u32 @!p0 $0xF7A, s2;
	p2 =	seq.s32 @!p0 s5, $0x0  }
0x1f: {  	s9 =	smul.u32 $0xF7A, s1;
	s8 =	simm.s32 @!p0 $0x1BF5;
	p2 =	por !p2, p0  }
0x20: {  	[sflag:s8] =	ssyncset.s32 @!p0 $0xFFFFF086;
	s6 =	sadd.s32 @!p0 s3, s7;
	s7 =	simm.s32 @!p0 $0x108  }
0x21: {  	s3 =	sadd.s32 s3, s9;
	s6 =	sadd.s32 @!p0 $0x88, s6;
	s7 =	simm.s32 @p2 $0x1082  }
0x22: {  	[simem:s7], [sflag:s8] =	dma.local @!p0 [hbm:s6], $0xF7A  }
0x23: {  	s9 =	sor.u32 $0xD0000000, s2;
	s6 =	simm.s32 $0x108;
	_ =	swait.ge @!p0 [sflag:s8], $0x0  }
0x24: {  	s3 =	sadd.s32 $0x88, s3;
	s6 =	simm.s32 @!p1 $0x1082;
	[sflag:s4] =	ssyncset.s32 $0xFFFFF086  }
0x25: {  	[simem:s6], [sflag:s4] =	dma.local [hbm:s3], $0xF7A  }
0x26: {  	[smem:$0x3F9F] =	sst s1;
	(tag) =	ssettag s2;
	_ =	strace s9  }
0x27: {  	s1 =	sld [smem:$0x3FAF]  }
0x28: {  	s2 =	sld [smem:$0x3FB0]  }
0x29: {  	s4 =	sld [smem:$0x3FB2]  }
0x2a: {  	p0 =	seq.s32 s5, $0x0;
	s5 =	sld [smem:$0x3FB3]  }
0x2b: {  	s6 =	sld [smem:$0x3FB4]  }
0x2c: {  	s7 =	sld [smem:$0x3FB5]  }
0x2d: {  	s3 =	simm.s32 $0x108;
	s8 =	sld [smem:$0x3FB6]  }
0x2e: {  	s3 =	simm.s32 @!p0 $0x1082;
	s9 =	sld [smem:$0x3FB7]  }
0x2f: {  	lr =	sadd.s32 s0, s3;
	s0 =	sld [smem:$0x3FAE]  }
0x30: {  	s3 =	sld [smem:$0x3FB1]  }
0x31: {  	[smem:$0x3FBA] =	sst s10  }
0x32: {  	s10 =	sld [smem:$0x3FB8];
	_ =	sdelay $0x3  }
0x33: {  	p0 =	seq.s32 s10, $0x1;
	s10 =	sld [smem:$0x3FBA];
	_ =	sdelay $0x3  }
0x34: {  	[smem:$0x3FBA] =	sst s10  }
0x35: {  	s10 =	sld [smem:$0x3FB9];
	_ =	sdelay $0x3  }
0x36: {  	p1 =	seq.s32 s10, $0x1;
	s10 =	sld [smem:$0x3FBA];
	_ =	sdelay $0x3  }
0x37: {  	[smem:$0x3FBA] =	sst s10  }
0x38: {  	s10 =	sld [smem:$0x3FBB]  }
0x39: {  	_ = 	snop;
	(pc) =	sbr.ind lr, $3  }
0x3a: {  	_ = 	snop  }
0x3b: {  	_ = 	snop  }
0x3c: {  	p2 =	seq.s32 s10, $0x1;
	s10 =	sld [smem:$0x3FBA]  }
0x3d: {  	_ =	shalt  }
0x3e: {  	_ =	shalt  }
0x3f: {  	_ =	shalt  }
0x40: {  	_ =	shalt  }
0x41: {  	_ =	shalt  }
0x42: {  	_ =	shalt  }
0x43: {  	_ =	shalt  }
0x44: {  	_ =	shalt  }
0x45: {  	_ =	shalt  }
0x46: {  	_ =	shalt  }
0x47: {  	_ =	shalt  }
0x48: {  	_ =	shalt  }
0x49: {  	_ =	shalt  }
0x4a: {  	_ =	shalt  }
0x4b: {  	_ =	shalt  }
0x4c: {  	_ =	shalt  }
0x4d: {  	_ =	shalt  }
0x4e: {  	_ =	shalt  }
0x4f: {  	_ =	shalt  }
0x50: {  	_ =	shalt  }
0x51: {  	_ =	shalt  }
0x52: {  	_ =	shalt  }
0x53: {  	_ =	shalt  }
0x54: {  	_ =	shalt  }
0x55: {  	_ =	shalt  }
0x56: {  	_ =	shalt  }
0x57: {  	_ =	shalt  }
0x58: {  	_ =	shalt  }
0x59: {  	_ =	shalt  }
0x5a: {  	_ =	shalt  }
0x5b: {  	_ =	shalt  }
0x5c: {  	_ =	shalt  }
0x5d: {  	_ =	shalt  }
0x5e: {  	_ =	shalt  }
0x5f: {  	_ =	shalt  }
0x60: {  	_ =	shalt  }
0x61: {  	_ =	shalt  }
0x62: {  	_ =	shalt  }
0x63: {  	_ =	shalt  }
0x64: {  	_ =	shalt  }
0x65: {  	_ =	shalt  }
0x66: {  	_ =	shalt  }
0x67: {  	_ =	shalt  }
0x68: {  	_ =	shalt  }
0x69: {  	_ =	shalt  }
0x6a: {  	_ =	shalt  }
0x6b: {  	_ =	shalt  }
0x6c: {  	_ =	shalt  }
0x6d: {  	_ =	shalt  }
0x6e: {  	_ =	shalt  }
0x6f: {  	_ =	shalt  }
0x70: {  	_ =	shalt  }
0x71: {  	_ =	shalt  }
0x72: {  	_ =	shalt  }
0x73: {  	_ =	shalt  }
0x74: {  	_ =	shalt  }
0x75: {  	_ =	shalt  }
0x76: {  	_ =	shalt  }
0x77: {  	_ =	shalt  }
0x78: {  	_ =	shalt  }
0x79: {  	_ =	shalt  }
0x7a: {  	_ =	shalt  }
0x7b: {  	_ =	shalt  }
0x7c: {  	_ =	shalt  }
0x7d: {  	_ =	shalt  }
0x7e: {  	_ =	shalt  }
0x7f: {  	_ =	shalt  }
0x80: {  	_ =	shalt  }
0x81: {  	_ =	shalt  }
0x82: {  	_ =	shalt  }
0x83: {  	_ =	shalt  }
0x84: {  	_ =	shalt  }
0x85: {  	_ =	shalt  }
0x86: {  	_ =	shalt  }
0x87: {  	_ =	shalt  }
.Lfunc_end0:
.L_simem_size_0:
called_computation.1_lowered:
.L_overlay_start_0:
0x88: {  	s2 =	sld [smem:$0x3FD9]  }
0x89: {  	s3 =	sld [smem:$0x3FFE];
	_ =	sdelay $0x1  }
0x8a: {  	s1 =	srdreg.scid  }
0x8b: {  	s0 =	sand.u32 $0x1, s1  }
0x8c: {  	s16 =	sshll.u32 s0, $0xA;
	s2 =	sadd.s32 s3, s2  }
0x8d: {  	s2 =	sadd.s32 s2, s16  }
0x8e: {  	[smem:$0x3FC6] =	sst s2  }
0x8f: {  	_ = 	snop  }
0x90: {  	(tm) =	ssettm $0x1  }
0x91: {  	s17 =	sld [smem:$0x3FFB];
	_ =	sdelay $0x3  }
0x92: {  	_ =	strace s17  }
0x93: {  	s2 =	sld [smem:$0x3FFC];
	_ =	sdelay $0x3  }
0x94: {  	_ =	strace s2  }
0x95: {  	s2 =	sld [smem:$0x3FFD];
	_ =	sdelay $0x3  }
0x96: {  	_ =	strace s2  }
0x97: {  	_ =	strace $0x8FFFFFFF  }
0x98: {  	s18 =	sld [smem:$0x3FDB];
	_ =	sdelay $0x1  }
0x99: {  	s19 =	simm.s32 $_scs_section_size  }
0x9a: {  	s4 =	simm.s32 $_size__tile_overlayer_lowered;
	s5 =	simm.s32 $_tile_overlayer_lowered  }
0x9b: {  	s22 =	simm.s32 $0x1BFF;
	s21 =	sshll.u32 s5, $0x1;
	s2 =	sadd.s32 s19, s18  }
0x9c: {  	s6 =	simm.s32 $0x0;
	s20 =	sshll.u32 s4, $0x1;
	s4 =	sadd.s32 s21, s2  }
0x9d: {  	[timem:s6], [sflag:s22] =	dma.local [hbm:s4], s20  }
0x9e: {  	_ =	swait.ge [sflag:s22], s20  }
0x9f: {  	s3 =	ssub.s32 $0x0, s20;
	[sflag:s22] =	ssyncset.done $0x0  }
0xa0: {  	[sflag:s22] =	ssyncadd.s32 s3;
	_ =	sdelay $0x1  }
0xa1: {  	s23 =	simm.s32 $0x1B8B  }
0xa2: {  	_ =	swait.ge [sflag:s23], $0x1  }
0xa3: {  	[sflag:s23] =	ssyncset.done $0x0  }
0xa4: {  	s25 =	simm.s32 $0x1B8E;
	s24 =	sld [smem:$0x3FFE];
	[sflag:s23] =	ssyncadd.s32 $0xFFFFFFFF  }
0xa5: {  	s26 =	simm.s32 $execute0_lowered;
	[smem:$0x3FD2] =	sst s25  }
0xa6: {  	s4 =	sshll.u32 s26, $0x1;
	_ =	strace $0x80000046;
	[dreg:$0x1] =	wrdreg $0xFFFFFFFF  }
0xa7: {  	s28 =	simm.s32 $_size_execute0_lowered;
	s2 =	sadd.s32 s2, s4;
	[dreg:$0x0] =	wrdreg $0x0  }
0xa8: {  	s4 =	sshll.u32 s28, $0x1;
	[dreg:$0x2] =	wrdreg s2  }
0xa9: {  	[dreg:$0x3] =	wrdreg s4  }
0xaa: {  	[dreg:$0x4] =	wrdreg $0xC0  }
0xab: {  	_ =	task [dreg:s6], $0x5FFFF  }
0xac: {  	[dreg:$0x1] =	wrdreg $0xFFFFFFFF  }
0xad: {  	[dreg:$0x0] =	wrdreg $0x60  }
0xae: {  	[dreg:$0x2] =	wrdreg s24  }
0xaf: {  	[dreg:$0x3] =	wrdreg $0x9  }
0xb0: {  	_ =	task.clear_ibuf [dreg:s6], $0x4FFFF;
	_ =	strace $0x90000046  }
0xb1: {  	s29 =	simm.s32 $0x9;
	_ =	strace $0x80000048  }
0xb2: {  	_ =	swait.ge [sflag:s29], $0x1  }
0xb3: {  	[sflag:s29] =	ssyncadd.s32 $0xFFFFFFFF  }
0xb4: {  	_ =	strace $0x90000048  }
0xb5: {  	_ =	sfence  }
0xb6: {  	s30 =	sld [smem:$0x0];
	_ =	sdelay $0x2  }
0xb7: {  	s31 =	sshll.u32 s1, $0xD;
	s1 =	sshrl.u32 s1, $0x2  }
0xb8: {  	s3 =	sand.u32 $0x4000, s31;
	s1 =	sadd.s32 s1, s30  }
0xb9: {  	s0 =	sor.u32 s3, s0;
	s1 =	sshll.u32 s1, $0x11  }
0xba: {  	s0 =	sor.u32 s1, s0  }
0xbb: {  	s0 =	sadd.s32 $0x8F2B, s0  }
0xbc: {  	[sflag:s0] =	ssyncadd.remote.s32 $0x1  }
0xbd: {  	_ =	sfence.sel $0xFFFF  }
0xbe: {  	[dreg:$0x0] =	wrdreg $0xFFFFFFFF;
	(pc) =	sbr.abs _section_cstart, $3  }
0xbf: {  	[dreg:$0x1] =	wrdreg $0xFFFFFFFF  }
0xc0: {  	_ =	task.clear_ibuf [dreg:s6], $0x2FFFF;
	_ =	strace $0x9FFFFFFF  }
0xc1: {  	(tm) =	ssettm $0x7FFFFFFF  }
tec
execute0_lowered:
.L_overlay_start_1:
0x0: {  	(tag) =	ssettag $0x1  }
0x1: {  	s0 =	rddreg [dreg:$0x0];
	s1 =	srdreg.scid;
	s2 =	simm.s32 $0x0  }
0x2: {  	s10 =	stileid.u32;
	s28 =	simm.s32 $0xE400;
	s30 =	simm.s32 $0x10800  }
0x3: {  	s11 =	simm.s32 $0x3;
	s12 =	simm.s32 $0x7;
	s13 =	simm.s32 $0x4  }
0x4: {  	s29 =	simm.s32 $0xC;
	s31 =	simm.s32 $0x0;
	s1 =	sand.u32 $0x1, s1  }
0x5: {  	[smem:$0x7FF] =	sst s2;
	s3 =	sshll.u32 s10, $0x8;
	s5 =	sadd.s32 $0x1000, s0  }
0x6: {  	s6 =	sadd.s32 $0x11000, s0;
	s19 =	smul.u32 $0xC8000, s10;
	s10 =	simm.s32 $0x6  }
0x7: {  	s4 =	sshll.u32 s1, $0x7;
	_ =	strace $0x80000047;
	s8 =	ssub.s32 $0x2, s1  }
0x8: {  	s1 =	smul.u32 $0x64000, s1;
	s4 =	sor.u32 s4, s3;
	s3 =	sadd.s32 $0x21000, s0  }
0x9: {  	s9 =	sshrl.u32 s8, $0x1;
	s7 =	smul.u32 $0x6400, s4;
	s4 =	sshll.u32 s4, $0x4  }
0xa: {  	s0 =	sadd.s32 $0x63B800, s0;
	s8 =	ssub.s32 s8, s9;
	s14 =	sadd.s32 s5, s4  }
0xb: {  	s9 =	simm.s32 $0x2;
	s15 =	sadd.s32 s6, s4;
	[dreg:$0x2] =	wrdreg s14  }
0xc: {  	s4 =	sor.u32 $0x400, s4;
	s25 =	smax.u32 s8, $0x1;
	[dreg:$0x3] =	wrdreg s15  }
0xd: {  	s7 =	sshrl.u32 s7, $0x3;
	s5 =	sadd.s32 s5, s4;
	[dreg:$0xe] =	wrdreg s25  }
0xe: {  	s4 =	sadd.s32 s6, s4;
	s7 =	sadd.s32 s0, s7;
	[dreg:$0x8] =	wrdreg s5  }
0xf: {  	s8 =	simm.s32 $0x5;
	[dreg:$0x9] =	wrdreg s4;
	s16 =	sadd.s32 $0x2EE00, s7  }
0x10: {  	s25 =	simm.s32 $0xA400;
	s17 =	sadd.s32 $0x2FA80, s7;
	[dreg:$0x4] =	wrdreg s16  }
0x11: {  	s6 =	simm.s32 $0x1AC00;
	s18 =	sadd.s32 $0x30700, s7;
	[dreg:$0x5] =	wrdreg s17  }
0x12: {  	s14 =	simm.s32 $0x8;
	s20 =	sadd.s32 $0x31380, s7;
	[dreg:$0x6] =	wrdreg s18  }
0x13: {  	s0 =	sadd.s32 s19, s0;
	s21 =	sadd.s32 $0x60E00, s7;
	[dreg:$0x7] =	wrdreg s20  }
0x14: {  	s19 =	simm.s32 $0xD;
	s22 =	sadd.s32 $0x61A80, s7;
	[dreg:$0xa] =	wrdreg s21  }
0x15: {  	s4 =	simm.s32 $0x16C00;
	s23 =	sadd.s32 $0x62700, s7;
	[dreg:$0xb] =	wrdreg s22  }
0x16: {  	s15 =	sadd.s32 s1, s0;
	s24 =	sadd.s32 $0x63380, s7;
	[dreg:$0xc] =	wrdreg s23  }
0x17: {  	s0 =	simm.s32 $0x14800;
	s7 =	simm.s32 $0x1;
	[dreg:$0xd] =	wrdreg s24  }
0x18: {  	s26 =	sadd.s32 $0x32000, s15;
	s21 =	simm.s32 $0x80;
	s22 =	simm.s32 $0x4000  }
0x19: {  	s23 =	simm.s32 $0x48;
	s24 =	simm.s32 $0x8000;
	s16 =	simm.s32 $0x9  }
0x1a: {  	s17 =	simm.s32 $0xA;
	[dreg:$0xf] =	wrdreg s26;
	s26 =	simm.s32 $0xB  }
.LBB2_1:
0x1b: {  	s1 =	rddreg [dreg:$0x2]  }
0x1c: {  	[tilespmem:s2], [sflag:$0xD] =	stream.linear.gather [hbm4b:s1+s2], $0x2000, $0x38;
	[tilespmem:$0x1D000] =	vst v63  }
0x1d: {  	_ =	swait.ge [sflag:s19], $0x2000  }
0x1e: {  	[sflag:s19] =	ssyncset.done $0x0  }
0x1f: {  	s5 =	simm.s32 $0x2000;
	s20 =	rddreg [dreg:$0x3];
	[sflag:s19] =	ssyncadd.s32 $0xFFFFE000  }
0x20: {  	[tilespmem:s5], [sflag:$0xD] =	stream.linear.gather [hbm4b:s20+s2], $0x2000, $0x38;
	[tilespmem:$0x1D000] =	vst v63  }
0x21: {  	_ =	swait.ge [sflag:s19], $0x2000  }
0x22: {  	[sflag:s19] =	ssyncset.done $0x0  }
0x23: {  	[sflag:s19] =	ssyncadd.s32 $0xFFFFE000  }
0x24: {  	[tilespmem:s22], [sflag:$0x1] =	stream.indirect.gather [hbm4b:s3+s21], $0x80, s2, s21, $0xb8;
	[tilespmem:$0x1D000] =	vst v63  }
0x25: {  	_ = 	snop  }
0x26: {  	[tilespmem:s24], [sflag:$0x5] =	stream.indirect.gather [hbm4b:s3+s23], $0x80, s5, s23, $0xb8;
	[tilespmem:$0x1D000] =	vst v63  }
0x27: {  	_ = 	snop  }
0x28: {  	[tilespmem:s25], [sflag:$0x2] =	stream.indirect.gather [hbm4b:s3+s21], $0x80, s21, s21, $0xb8;
	[tilespmem:$0x1D000] =	vst v63  }
0x29: {  	s5 =	simm.s32 $0x2080  }
0x2a: {  	[tilespmem:s28], [sflag:$0x6] =	stream.indirect.gather [hbm4b:s3+s23], $0x80, s5, s23, $0xb8;
	[tilespmem:$0x1D000] =	vst v63  }
0x2b: {  	s18 =	simm.s32 $0x100  }
0x2c: {  	[tilespmem:s30], [sflag:$0x3] =	stream.indirect.gather [hbm4b:s3+s21], $0x80, s18, s21, $0xb8;
	[tilespmem:$0x1D000] =	vst v63  }
0x2d: {  	s20 =	simm.s32 $0x2100  }
0x2e: {  	[tilespmem:s0], [sflag:$0x7] =	stream.indirect.gather [hbm4b:s3+s23], $0x80, s20, s23, $0xb8;
	[tilespmem:$0x1D000] =	vst v63  }
0x2f: {  	s5 =	simm.s32 $0x180  }
0x30: {  	[tilespmem:s4], [sflag:$0x4] =	stream.indirect.gather [hbm4b:s3+s21], $0x80, s5, s21, $0xb8;
	[tilespmem:$0x1D000] =	vst v63  }
0x31: {  	s18 =	simm.s32 $0x2180  }
0x32: {  	[tilespmem:s6], [sflag:$0x8] =	stream.indirect.gather [hbm4b:s3+s23], $0x80, s18, s23, $0xb8;
	[tilespmem:$0x1D000] =	vst v63  }
0x33: {  	_ =	swait.ge [sflag:s7], $0x4000  }
0x34: {  	[sflag:s7] =	ssyncset.done $0x0  }
0x35: {  	[sflag:s7] =	ssyncadd.s32 $0xFFFFC000  }
0x36: {  	_ =	swait.ge [sflag:s8], $0x2400  }
0x37: {  	[sflag:s8] =	ssyncset.done $0x0  }
0x38: {  	[sflag:s8] =	ssyncadd.s32 $0xFFFFDC00  }
0x39: {  	[hbm4b:s15+s2] =	stream.linear.scatter [tilespmem:s22], [sflag:$0x9], $0x6400, $0x38;
	[tilespmem:$0x1D000] =	vst v63  }
0x3a: {  	_ =	swait.ge [sflag:s9], $0x4000  }
0x3b: {  	[sflag:s9] =	ssyncset.done $0x0  }
0x3c: {  	[sflag:s9] =	ssyncadd.s32 $0xFFFFC000  }
0x3d: {  	_ =	swait.ge [sflag:s10], $0x2400  }
0x3e: {  	[sflag:s10] =	ssyncset.done $0x0  }
0x3f: {  	s20 =	sadd.s32 $0xC80, s15;
	[sflag:s10] =	ssyncadd.s32 $0xFFFFDC00  }
0x40: {  	[hbm4b:s20+s2] =	stream.linear.scatter [tilespmem:s25], [sflag:$0xA], $0x6400, $0x38;
	[tilespmem:$0x1D000] =	vst v63  }
0x41: {  	_ =	swait.ge [sflag:s11], $0x4000  }
0x42: {  	[sflag:s11] =	ssyncset.done $0x0  }
0x43: {  	[sflag:s11] =	ssyncadd.s32 $0xFFFFC000  }
0x44: {  	_ =	swait.ge [sflag:s12], $0x2400  }
0x45: {  	[sflag:s12] =	ssyncset.done $0x0  }
0x46: {  	s5 =	sadd.s32 $0x1900, s15;
	[sflag:s12] =	ssyncadd.s32 $0xFFFFDC00  }
0x47: {  	[hbm4b:s5+s2] =	stream.linear.scatter [tilespmem:s30], [sflag:$0xB], $0x6400, $0x38;
	[tilespmem:$0x1D000] =	vst v63  }
0x48: {  	_ =	swait.ge [sflag:s13], $0x4000  }
0x49: {  	[sflag:s13] =	ssyncset.done $0x0  }
0x4a: {  	[sflag:s13] =	ssyncadd.s32 $0xFFFFC000  }
0x4b: {  	_ =	swait.ge [sflag:s14], $0x2400  }
0x4c: {  	[sflag:s14] =	ssyncset.done $0x0  }
0x4d: {  	s18 =	sadd.s32 $0x2580, s15;
	[sflag:s14] =	ssyncadd.s32 $0xFFFFDC00  }
0x4e: {  	[hbm4b:s18+s2] =	stream.linear.scatter [tilespmem:s4], [sflag:$0xC], $0x6400, $0x38;
	[tilespmem:$0x1D000] =	vst v63  }
0x4f: {  	_ =	swait.ge [sflag:s16], $0x6400  }
0x50: {  	[sflag:s16] =	ssyncset.done $0x0  }
0x51: {  	s20 =	simm.s32 $0x200;
	[sflag:s16] =	ssyncadd.s32 $0xFFFF9C00  }
0x52: {  	[tilespmem:s22], [sflag:$0x1] =	stream.indirect.gather [hbm4b:s3+s21], $0x80, s20, s21, $0xb8;
	[tilespmem:$0x1D000] =	vst v63  }
0x53: {  	s5 =	simm.s32 $0x2200  }
0x54: {  	[tilespmem:s24], [sflag:$0x5] =	stream.indirect.gather [hbm4b:s3+s23], $0x80, s5, s23, $0xb8;
	[tilespmem:$0x1D000] =	vst v63  }
0x55: {  	_ =	swait.ge [sflag:s17], $0x6400  }
0x56: {  	[sflag:s17] =	ssyncset.done $0x0  }
0x57: {  	s18 =	simm.s32 $0x280;
	[sflag:s17] =	ssyncadd.s32 $0xFFFF9C00  }
0x58: {  	[tilespmem:s25], [sflag:$0x2] =	stream.indirect.gather [hbm4b:s3+s21], $0x80, s18, s21, $0xb8;
	[tilespmem:$0x1D000] =	vst v63  }
0x59: {  	s20 =	simm.s32 $0x2280  }
0x5a: {  	[tilespmem:s28], [sflag:$0x6] =	stream.indirect.gather [hbm4b:s3+s23], $0x80, s20, s23, $0xb8;
	[tilespmem:$0x1D000] =	vst v63  }
0x5b: {  	_ =	swait.ge [sflag:s26], $0x6400  }
0x5c: {  	[sflag:s26] =	ssyncset.done $0x0  }
0x5d: {  	s5 =	simm.s32 $0x300;
	[sflag:s26] =	ssyncadd.s32 $0xFFFF9C00  }
0x5e: {  	[tilespmem:s30], [sflag:$0x3] =	stream.indirect.gather [hbm4b:s3+s21], $0x80, s5, s21, $0xb8;
	[tilespmem:$0x1D000] =	vst v63  }
0x5f: {  	s18 =	simm.s32 $0x2300  }
0x60: {  	[tilespmem:s0], [sflag:$0x7] =	stream.indirect.gather [hbm4b:s3+s23], $0x80, s18, s23, $0xb8;
	[tilespmem:$0x1D000] =	vst v63  }
0x61: {  	_ =	swait.ge [sflag:s29], $0x6400  }
0x62: {  	[sflag:s29] =	ssyncset.done $0x0  }
0x63: {  	s20 =	simm.s32 $0x380;
	[sflag:s29] =	ssyncadd.s32 $0xFFFF9C00  }
0x64: {  	[tilespmem:s4], [sflag:$0x4] =	stream.indirect.gather [hbm4b:s3+s21], $0x80, s20, s21, $0xb8;
	[tilespmem:$0x1D000] =	vst v63  }
0x65: {  	s1 =	simm.s32 $0x800;
	s5 =	sadd.s32 $0x3200, s15;
	s20 =	simm.s32 $0x2380  }
.LBB2_2:
0x66: {  	[tilespmem:s6], [sflag:$0x8] =	stream.indirect.gather [hbm4b:s3+s23], $0x80, s20, s23, $0xb8;
	[tilespmem:$0x1D000] =	vst v63  }
0x67: {  	s20 =	smov.u32 s1  }
0x68: {  	p0 =	sne.s32 s1, $0x7000;
	s1 =	sadd.s32 $0x800, s1;
	_ =	swait.ge [sflag:s7], $0x4000  }
0x69: {  	[sflag:s7] =	ssyncset.done $0x0  }
0x6a: {  	[sflag:s7] =	ssyncadd.s32 $0xFFFFC000  }
0x6b: {  	_ =	swait.ge [sflag:s8], $0x2400  }
0x6c: {  	[sflag:s8] =	ssyncset.done $0x0  }
0x6d: {  	[sflag:s8] =	ssyncadd.s32 $0xFFFFDC00  }
0x6e: {  	[hbm4b:s5+s2] =	stream.linear.scatter [tilespmem:s22], [sflag:$0x9], $0x6400, $0x38;
	[tilespmem:$0x1D000] =	vst v63  }
0x6f: {  	_ =	swait.ge [sflag:s9], $0x4000  }
0x70: {  	[sflag:s9] =	ssyncset.done $0x0  }
0x71: {  	[sflag:s9] =	ssyncadd.s32 $0xFFFFC000  }
0x72: {  	_ =	swait.ge [sflag:s10], $0x2400  }
0x73: {  	[sflag:s10] =	ssyncset.done $0x0  }
0x74: {  	s18 =	sadd.s32 $0xC80, s5;
	[sflag:s10] =	ssyncadd.s32 $0xFFFFDC00  }
0x75: {  	[hbm4b:s18+s2] =	stream.linear.scatter [tilespmem:s25], [sflag:$0xA], $0x6400, $0x38;
	[tilespmem:$0x1D000] =	vst v63  }
0x76: {  	_ =	swait.ge [sflag:s11], $0x4000  }
0x77: {  	[sflag:s11] =	ssyncset.done $0x0  }
0x78: {  	[sflag:s11] =	ssyncadd.s32 $0xFFFFC000  }
0x79: {  	_ =	swait.ge [sflag:s12], $0x2400  }
0x7a: {  	[sflag:s12] =	ssyncset.done $0x0  }
0x7b: {  	s18 =	sadd.s32 $0x1900, s5;
	[sflag:s12] =	ssyncadd.s32 $0xFFFFDC00  }
0x7c: {  	[hbm4b:s18+s2] =	stream.linear.scatter [tilespmem:s30], [sflag:$0xB], $0x6400, $0x38;
	[tilespmem:$0x1D000] =	vst v63  }
0x7d: {  	_ =	swait.ge [sflag:s13], $0x4000  }
0x7e: {  	[sflag:s13] =	ssyncset.done $0x0  }
0x7f: {  	[sflag:s13] =	ssyncadd.s32 $0xFFFFC000  }
0x80: {  	_ =	swait.ge [sflag:s14], $0x2400  }
0x81: {  	[sflag:s14] =	ssyncset.done $0x0  }
0x82: {  	s18 =	sadd.s32 $0x2580, s5;
	[sflag:s14] =	ssyncadd.s32 $0xFFFFDC00  }
0x83: {  	[hbm4b:s18+s2] =	stream.linear.scatter [tilespmem:s4], [sflag:$0xC], $0x6400, $0x38;
	[tilespmem:$0x1D000] =	vst v63  }
0x84: {  	_ =	swait.ge [sflag:s16], $0x6400  }
0x85: {  	s18 =	sshra.s32 s20, $0x2;
	[sflag:s16] =	ssyncset.done $0x0  }
0x86: {  	s20 =	sadd.s32 $0x200, s18;
	[sflag:s16] =	ssyncadd.s32 $0xFFFF9C00  }
0x87: {  	[tilespmem:s22], [sflag:$0x1] =	stream.indirect.gather [hbm4b:s3+s21], $0x80, s20, s21, $0xb8;
	[tilespmem:$0x1D000] =	vst v63  }
0x88: {  	s20 =	sadd.s32 $0x2200, s18  }
0x89: {  	[tilespmem:s24], [sflag:$0x5] =	stream.indirect.gather [hbm4b:s3+s23], $0x80, s20, s23, $0xb8;
	[tilespmem:$0x1D000] =	vst v63  }
0x8a: {  	_ =	swait.ge [sflag:s17], $0x6400  }
0x8b: {  	[sflag:s17] =	ssyncset.done $0x0  }
0x8c: {  	s20 =	sadd.s32 $0x280, s18;
	[sflag:s17] =	ssyncadd.s32 $0xFFFF9C00  }
0x8d: {  	[tilespmem:s25], [sflag:$0x2] =	stream.indirect.gather [hbm4b:s3+s21], $0x80, s20, s21, $0xb8;
	[tilespmem:$0x1D000] =	vst v63  }
0x8e: {  	s20 =	sadd.s32 $0x2280, s18  }
0x8f: {  	[tilespmem:s28], [sflag:$0x6] =	stream.indirect.gather [hbm4b:s3+s23], $0x80, s20, s23, $0xb8;
	[tilespmem:$0x1D000] =	vst v63  }
0x90: {  	_ =	swait.ge [sflag:s26], $0x6400  }
0x91: {  	[sflag:s26] =	ssyncset.done $0x0  }
0x92: {  	s20 =	sadd.s32 $0x300, s18;
	[sflag:s26] =	ssyncadd.s32 $0xFFFF9C00  }
0x93: {  	[tilespmem:s30], [sflag:$0x3] =	stream.indirect.gather [hbm4b:s3+s21], $0x80, s20, s21, $0xb8;
	[tilespmem:$0x1D000] =	vst v63  }
0x94: {  	s20 =	sadd.s32 $0x2300, s18  }
0x95: {  	[tilespmem:s0], [sflag:$0x7] =	stream.indirect.gather [hbm4b:s3+s23], $0x80, s20, s23, $0xb8;
	[tilespmem:$0x1D000] =	vst v63  }
.Ltmp0:
0x96: {  	_ =	swait.ge [sflag:s29], $0x6400;
	(pc) =	sbr.rel @p0 .LBB2_2-.Ltmp0, $4  }
0x97: {  	[sflag:s29] =	ssyncset.done $0x0  }
0x98: {  	s20 =	sadd.s32 $0x380, s18;
	[sflag:s29] =	ssyncadd.s32 $0xFFFF9C00  }
0x99: {  	[tilespmem:s4], [sflag:$0x4] =	stream.indirect.gather [hbm4b:s3+s21], $0x80, s20, s21, $0xb8;
	[tilespmem:$0x1D000] =	vst v63  }
0x9a: {  	s5 =	sadd.s32 $0x3200, s5;
	s20 =	sadd.s32 $0x2380, s18  }
0x9b: {  	[tilespmem:s6], [sflag:$0x8] =	stream.indirect.gather [hbm4b:s3+s23], $0x80, s20, s23, $0xb8;
	[tilespmem:$0x1D000] =	vst v63  }
0x9c: {  	_ =	swait.ge [sflag:s7], $0x4000  }
0x9d: {  	[sflag:s7] =	ssyncset.done $0x0  }
0x9e: {  	[sflag:s7] =	ssyncadd.s32 $0xFFFFC000  }
0x9f: {  	_ =	swait.ge [sflag:s8], $0x2400  }
0xa0: {  	[sflag:s8] =	ssyncset.done $0x0  }
0xa1: {  	s1 =	simm.s32 $0x0;
	s5 =	rddreg [dreg:$0x4];
	[sflag:s8] =	ssyncadd.s32 $0xFFFFDC00  }
0xa2: {  	[hbm4b:s5+s1] =	stream.linear.scatter [tilespmem:s22], [sflag:$0x9], $0x6400, $0x38;
	[tilespmem:$0x1D000] =	vst v63  }
0xa3: {  	_ =	swait.ge [sflag:s9], $0x4000  }
0xa4: {  	[sflag:s9] =	ssyncset.done $0x0  }
0xa5: {  	[sflag:s9] =	ssyncadd.s32 $0xFFFFC000  }
0xa6: {  	_ =	swait.ge [sflag:s10], $0x2400  }
0xa7: {  	[sflag:s10] =	ssyncset.done $0x0  }
0xa8: {  	s20 =	rddreg [dreg:$0x5];
	[sflag:s10] =	ssyncadd.s32 $0xFFFFDC00  }
0xa9: {  	[hbm4b:s20+s1] =	stream.linear.scatter [tilespmem:s25], [sflag:$0xA], $0x6400, $0x38;
	[tilespmem:$0x1D000] =	vst v63  }
0xaa: {  	_ =	swait.ge [sflag:s11], $0x4000  }
0xab: {  	[sflag:s11] =	ssyncset.done $0x0  }
0xac: {  	[sflag:s11] =	ssyncadd.s32 $0xFFFFC000  }
0xad: {  	_ =	swait.ge [sflag:s12], $0x2400  }
0xae: {  	[sflag:s12] =	ssyncset.done $0x0  }
0xaf: {  	s18 =	rddreg [dreg:$0x6];
	[sflag:s12] =	ssyncadd.s32 $0xFFFFDC00  }
0xb0: {  	[hbm4b:s18+s1] =	stream.linear.scatter [tilespmem:s30], [sflag:$0xB], $0x6400, $0x38;
	[tilespmem:$0x1D000] =	vst v63  }
0xb1: {  	_ =	swait.ge [sflag:s13], $0x4000  }
0xb2: {  	[sflag:s13] =	ssyncset.done $0x0  }
0xb3: {  	[sflag:s13] =	ssyncadd.s32 $0xFFFFC000  }
0xb4: {  	_ =	swait.ge [sflag:s14], $0x2400  }
0xb5: {  	[sflag:s14] =	ssyncset.done $0x0  }
0xb6: {  	s20 =	rddreg [dreg:$0x7];
	[sflag:s14] =	ssyncadd.s32 $0xFFFFDC00  }
0xb7: {  	[hbm4b:s20+s1] =	stream.linear.scatter [tilespmem:s4], [sflag:$0xC], $0x6400, $0x38;
	[tilespmem:$0x1D000] =	vst v63  }
0xb8: {  	_ =	swait.ge [sflag:s16], $0x6400  }
0xb9: {  	[sflag:s16] =	ssyncset.done $0x0  }
0xba: {  	[sflag:s16] =	ssyncadd.s32 $0xFFFF9C00  }
0xbb: {  	_ =	swait.ge [sflag:s17], $0x6400  }
0xbc: {  	[sflag:s17] =	ssyncset.done $0x0  }
0xbd: {  	[sflag:s17] =	ssyncadd.s32 $0xFFFF9C00  }
0xbe: {  	_ =	swait.ge [sflag:s26], $0x6400  }
0xbf: {  	[sflag:s26] =	ssyncset.done $0x0  }
0xc0: {  	[sflag:s26] =	ssyncadd.s32 $0xFFFF9C00  }
0xc1: {  	_ =	swait.ge [sflag:s29], $0x6400  }
0xc2: {  	[sflag:s29] =	ssyncset.done $0x0  }
0xc3: {  	s18 =	rddreg [dreg:$0x8];
	[sflag:s29] =	ssyncadd.s32 $0xFFFF9C00  }
0xc4: {  	[tilespmem:s1], [sflag:$0xD] =	stream.linear.gather [hbm4b:s18+s1], $0x2000, $0x38;
	[tilespmem:$0x1D000] =	vst v63  }
0xc5: {  	_ =	swait.ge [sflag:s19], $0x2000  }
0xc6: {  	[sflag:s19] =	ssyncset.done $0x0  }
0xc7: {  	s18 =	simm.s32 $0x2000;
	s20 =	rddreg [dreg:$0x9];
	[sflag:s19] =	ssyncadd.s32 $0xFFFFE000  }
0xc8: {  	[tilespmem:s18], [sflag:$0xD] =	stream.linear.gather [hbm4b:s20+s1], $0x2000, $0x38;
	[tilespmem:$0x1D000] =	vst v63  }
0xc9: {  	_ =	swait.ge [sflag:s19], $0x2000  }
0xca: {  	[sflag:s19] =	ssyncset.done $0x0  }
0xcb: {  	[sflag:s19] =	ssyncadd.s32 $0xFFFFE000  }
0xcc: {  	[tilespmem:s22], [sflag:$0x1] =	stream.indirect.gather [hbm4b:s3+s21], $0x80, s1, s21, $0xb8;
	[tilespmem:$0x1D000] =	vst v63  }
0xcd: {  	_ = 	snop  }
0xce: {  	[tilespmem:s24], [sflag:$0x5] =	stream.indirect.gather [hbm4b:s3+s23], $0x80, s18, s23, $0xb8;
	[tilespmem:$0x1D000] =	vst v63  }
0xcf: {  	_ = 	snop  }
0xd0: {  	[tilespmem:s25], [sflag:$0x2] =	stream.indirect.gather [hbm4b:s3+s21], $0x80, s21, s21, $0xb8;
	[tilespmem:$0x1D000] =	vst v63  }
0xd1: {  	s20 =	simm.s32 $0x2080  }
0xd2: {  	[tilespmem:s28], [sflag:$0x6] =	stream.indirect.gather [hbm4b:s3+s23], $0x80, s20, s23, $0xb8;
	[tilespmem:$0x1D000] =	vst v63  }
0xd3: {  	s5 =	simm.s32 $0x100  }
0xd4: {  	[tilespmem:s30], [sflag:$0x3] =	stream.indirect.gather [hbm4b:s3+s21], $0x80, s5, s21, $0xb8;
	[tilespmem:$0x1D000] =	vst v63  }
0xd5: {  	s18 =	simm.s32 $0x2100  }
0xd6: {  	[tilespmem:s0], [sflag:$0x7] =	stream.indirect.gather [hbm4b:s3+s23], $0x80, s18, s23, $0xb8;
	[tilespmem:$0x1D000] =	vst v63  }
0xd7: {  	s20 =	simm.s32 $0x180  }
0xd8: {  	[tilespmem:s4], [sflag:$0x4] =	stream.indirect.gather [hbm4b:s3+s21], $0x80, s20, s21, $0xb8;
	[tilespmem:$0x1D000] =	vst v63  }
0xd9: {  	s5 =	simm.s32 $0x2180  }
0xda: {  	[tilespmem:s6], [sflag:$0x8] =	stream.indirect.gather [hbm4b:s3+s23], $0x80, s5, s23, $0xb8;
	[tilespmem:$0x1D000] =	vst v63  }
0xdb: {  	_ =	swait.ge [sflag:s7], $0x4000  }
0xdc: {  	[sflag:s7] =	ssyncset.done $0x0  }
0xdd: {  	[sflag:s7] =	ssyncadd.s32 $0xFFFFC000  }
0xde: {  	_ =	swait.ge [sflag:s8], $0x2400  }
0xdf: {  	[sflag:s8] =	ssyncset.done $0x0  }
0xe0: {  	s5 =	rddreg [dreg:$0xf];
	[sflag:s8] =	ssyncadd.s32 $0xFFFFDC00  }
0xe1: {  	[hbm4b:s5+s2] =	stream.linear.scatter [tilespmem:s22], [sflag:$0x9], $0x6400, $0x38;
	[tilespmem:$0x1D000] =	vst v63  }
0xe2: {  	_ =	swait.ge [sflag:s9], $0x4000  }
0xe3: {  	[sflag:s9] =	ssyncset.done $0x0  }
0xe4: {  	[sflag:s9] =	ssyncadd.s32 $0xFFFFC000  }
0xe5: {  	_ =	swait.ge [sflag:s10], $0x2400  }
0xe6: {  	[sflag:s10] =	ssyncset.done $0x0  }
0xe7: {  	s18 =	sadd.s32 $0xC80, s5;
	[sflag:s10] =	ssyncadd.s32 $0xFFFFDC00  }
0xe8: {  	[hbm4b:s18+s2] =	stream.linear.scatter [tilespmem:s25], [sflag:$0xA], $0x6400, $0x38;
	[tilespmem:$0x1D000] =	vst v63  }
0xe9: {  	_ =	swait.ge [sflag:s11], $0x4000  }
0xea: {  	[sflag:s11] =	ssyncset.done $0x0  }
0xeb: {  	[sflag:s11] =	ssyncadd.s32 $0xFFFFC000  }
0xec: {  	_ =	swait.ge [sflag:s12], $0x2400  }
0xed: {  	[sflag:s12] =	ssyncset.done $0x0  }
0xee: {  	s20 =	sadd.s32 $0x1900, s5;
	[sflag:s12] =	ssyncadd.s32 $0xFFFFDC00  }
0xef: {  	[hbm4b:s20+s2] =	stream.linear.scatter [tilespmem:s30], [sflag:$0xB], $0x6400, $0x38;
	[tilespmem:$0x1D000] =	vst v63  }
0xf0: {  	_ =	swait.ge [sflag:s13], $0x4000  }
0xf1: {  	[sflag:s13] =	ssyncset.done $0x0  }
0xf2: {  	[sflag:s13] =	ssyncadd.s32 $0xFFFFC000  }
0xf3: {  	_ =	swait.ge [sflag:s14], $0x2400  }
0xf4: {  	[sflag:s14] =	ssyncset.done $0x0  }
0xf5: {  	s18 =	sadd.s32 $0x2580, s5;
	[sflag:s14] =	ssyncadd.s32 $0xFFFFDC00  }
0xf6: {  	[hbm4b:s18+s2] =	stream.linear.scatter [tilespmem:s4], [sflag:$0xC], $0x6400, $0x38;
	[tilespmem:$0x1D000] =	vst v63  }
0xf7: {  	_ =	swait.ge [sflag:s16], $0x6400  }
0xf8: {  	[sflag:s16] =	ssyncset.done $0x0  }
0xf9: {  	s20 =	simm.s32 $0x200;
	[sflag:s16] =	ssyncadd.s32 $0xFFFF9C00  }
0xfa: {  	[tilespmem:s22], [sflag:$0x1] =	stream.indirect.gather [hbm4b:s3+s21], $0x80, s20, s21, $0xb8;
	[tilespmem:$0x1D000] =	vst v63  }
0xfb: {  	s18 =	simm.s32 $0x2200  }
0xfc: {  	[tilespmem:s24], [sflag:$0x5] =	stream.indirect.gather [hbm4b:s3+s23], $0x80, s18, s23, $0xb8;
	[tilespmem:$0x1D000] =	vst v63  }
0xfd: {  	_ =	swait.ge [sflag:s17], $0x6400  }
0xfe: {  	[sflag:s17] =	ssyncset.done $0x0  }
0xff: {  	s20 =	simm.s32 $0x280;
	[sflag:s17] =	ssyncadd.s32 $0xFFFF9C00  }
0x100: {  	[tilespmem:s25], [sflag:$0x2] =	stream.indirect.gather [hbm4b:s3+s21], $0x80, s20, s21, $0xb8;
	[tilespmem:$0x1D000] =	vst v63  }
0x101: {  	s18 =	simm.s32 $0x2280  }
0x102: {  	[tilespmem:s28], [sflag:$0x6] =	stream.indirect.gather [hbm4b:s3+s23], $0x80, s18, s23, $0xb8;
	[tilespmem:$0x1D000] =	vst v63  }
0x103: {  	_ =	swait.ge [sflag:s26], $0x6400  }
0x104: {  	[sflag:s26] =	ssyncset.done $0x0  }
0x105: {  	s20 =	simm.s32 $0x300;
	[sflag:s26] =	ssyncadd.s32 $0xFFFF9C00  }
0x106: {  	[tilespmem:s30], [sflag:$0x3] =	stream.indirect.gather [hbm4b:s3+s21], $0x80, s20, s21, $0xb8;
	[tilespmem:$0x1D000] =	vst v63  }
0x107: {  	s18 =	simm.s32 $0x2300  }
0x108: {  	[tilespmem:s0], [sflag:$0x7] =	stream.indirect.gather [hbm4b:s3+s23], $0x80, s18, s23, $0xb8;
	[tilespmem:$0x1D000] =	vst v63  }
0x109: {  	_ =	swait.ge [sflag:s29], $0x6400  }
0x10a: {  	[sflag:s29] =	ssyncset.done $0x0  }
0x10b: {  	s20 =	simm.s32 $0x380;
	[sflag:s29] =	ssyncadd.s32 $0xFFFF9C00  }
0x10c: {  	[tilespmem:s4], [sflag:$0x4] =	stream.indirect.gather [hbm4b:s3+s21], $0x80, s20, s21, $0xb8;
	[tilespmem:$0x1D000] =	vst v63  }
0x10d: {  	s1 =	simm.s32 $0x800;
	s5 =	sadd.s32 $0x3200, s5;
	s20 =	simm.s32 $0x2380  }
.LBB2_4:
0x10e: {  	[tilespmem:s6], [sflag:$0x8] =	stream.indirect.gather [hbm4b:s3+s23], $0x80, s20, s23, $0xb8;
	[tilespmem:$0x1D000] =	vst v63  }
0x10f: {  	s20 =	smov.u32 s1  }
0x110: {  	p0 =	sne.s32 s1, $0x7000;
	s1 =	sadd.s32 $0x800, s1;
	_ =	swait.ge [sflag:s7], $0x4000  }
0x111: {  	[sflag:s7] =	ssyncset.done $0x0  }
0x112: {  	[sflag:s7] =	ssyncadd.s32 $0xFFFFC000  }
0x113: {  	_ =	swait.ge [sflag:s8], $0x2400  }
0x114: {  	[sflag:s8] =	ssyncset.done $0x0  }
0x115: {  	[sflag:s8] =	ssyncadd.s32 $0xFFFFDC00  }
0x116: {  	[hbm4b:s5+s2] =	stream.linear.scatter [tilespmem:s22], [sflag:$0x9], $0x6400, $0x38;
	[tilespmem:$0x1D000] =	vst v63  }
0x117: {  	_ =	swait.ge [sflag:s9], $0x4000  }
0x118: {  	[sflag:s9] =	ssyncset.done $0x0  }
0x119: {  	[sflag:s9] =	ssyncadd.s32 $0xFFFFC000  }
0x11a: {  	_ =	swait.ge [sflag:s10], $0x2400  }
0x11b: {  	[sflag:s10] =	ssyncset.done $0x0  }
0x11c: {  	s18 =	sadd.s32 $0xC80, s5;
	[sflag:s10] =	ssyncadd.s32 $0xFFFFDC00  }
0x11d: {  	[hbm4b:s18+s2] =	stream.linear.scatter [tilespmem:s25], [sflag:$0xA], $0x6400, $0x38;
	[tilespmem:$0x1D000] =	vst v63  }
0x11e: {  	_ =	swait.ge [sflag:s11], $0x4000  }
0x11f: {  	[sflag:s11] =	ssyncset.done $0x0  }
0x120: {  	[sflag:s11] =	ssyncadd.s32 $0xFFFFC000  }
0x121: {  	_ =	swait.ge [sflag:s12], $0x2400  }
0x122: {  	[sflag:s12] =	ssyncset.done $0x0  }
0x123: {  	s18 =	sadd.s32 $0x1900, s5;
	[sflag:s12] =	ssyncadd.s32 $0xFFFFDC00  }
0x124: {  	[hbm4b:s18+s2] =	stream.linear.scatter [tilespmem:s30], [sflag:$0xB], $0x6400, $0x38;
	[tilespmem:$0x1D000] =	vst v63  }
0x125: {  	_ =	swait.ge [sflag:s13], $0x4000  }
0x126: {  	[sflag:s13] =	ssyncset.done $0x0  }
0x127: {  	[sflag:s13] =	ssyncadd.s32 $0xFFFFC000  }
0x128: {  	_ =	swait.ge [sflag:s14], $0x2400  }
0x129: {  	[sflag:s14] =	ssyncset.done $0x0  }
0x12a: {  	s18 =	sadd.s32 $0x2580, s5;
	[sflag:s14] =	ssyncadd.s32 $0xFFFFDC00  }
0x12b: {  	[hbm4b:s18+s2] =	stream.linear.scatter [tilespmem:s4], [sflag:$0xC], $0x6400, $0x38;
	[tilespmem:$0x1D000] =	vst v63  }
0x12c: {  	_ =	swait.ge [sflag:s16], $0x6400  }
0x12d: {  	s18 =	sshra.s32 s20, $0x2;
	[sflag:s16] =	ssyncset.done $0x0  }
0x12e: {  	s20 =	sadd.s32 $0x200, s18;
	[sflag:s16] =	ssyncadd.s32 $0xFFFF9C00  }
0x12f: {  	[tilespmem:s22], [sflag:$0x1] =	stream.indirect.gather [hbm4b:s3+s21], $0x80, s20, s21, $0xb8;
	[tilespmem:$0x1D000] =	vst v63  }
0x130: {  	s20 =	sadd.s32 $0x2200, s18  }
0x131: {  	[tilespmem:s24], [sflag:$0x5] =	stream.indirect.gather [hbm4b:s3+s23], $0x80, s20, s23, $0xb8;
	[tilespmem:$0x1D000] =	vst v63  }
0x132: {  	_ =	swait.ge [sflag:s17], $0x6400  }
0x133: {  	[sflag:s17] =	ssyncset.done $0x0  }
0x134: {  	s20 =	sadd.s32 $0x280, s18;
	[sflag:s17] =	ssyncadd.s32 $0xFFFF9C00  }
0x135: {  	[tilespmem:s25], [sflag:$0x2] =	stream.indirect.gather [hbm4b:s3+s21], $0x80, s20, s21, $0xb8;
	[tilespmem:$0x1D000] =	vst v63  }
0x136: {  	s20 =	sadd.s32 $0x2280, s18  }
0x137: {  	[tilespmem:s28], [sflag:$0x6] =	stream.indirect.gather [hbm4b:s3+s23], $0x80, s20, s23, $0xb8;
	[tilespmem:$0x1D000] =	vst v63  }
0x138: {  	_ =	swait.ge [sflag:s26], $0x6400  }
0x139: {  	[sflag:s26] =	ssyncset.done $0x0  }
0x13a: {  	s20 =	sadd.s32 $0x300, s18;
	[sflag:s26] =	ssyncadd.s32 $0xFFFF9C00  }
0x13b: {  	[tilespmem:s30], [sflag:$0x3] =	stream.indirect.gather [hbm4b:s3+s21], $0x80, s20, s21, $0xb8;
	[tilespmem:$0x1D000] =	vst v63  }
0x13c: {  	s20 =	sadd.s32 $0x2300, s18  }
0x13d: {  	[tilespmem:s0], [sflag:$0x7] =	stream.indirect.gather [hbm4b:s3+s23], $0x80, s20, s23, $0xb8;
	[tilespmem:$0x1D000] =	vst v63  }
.Ltmp1:
0x13e: {  	_ =	swait.ge [sflag:s29], $0x6400;
	(pc) =	sbr.rel @p0 .LBB2_4-.Ltmp1, $4  }
0x13f: {  	[sflag:s29] =	ssyncset.done $0x0  }
0x140: {  	s20 =	sadd.s32 $0x380, s18;
	[sflag:s29] =	ssyncadd.s32 $0xFFFF9C00  }
0x141: {  	[tilespmem:s4], [sflag:$0x4] =	stream.indirect.gather [hbm4b:s3+s21], $0x80, s20, s21, $0xb8;
	[tilespmem:$0x1D000] =	vst v63  }
0x142: {  	s5 =	sadd.s32 $0x3200, s5;
	s20 =	sadd.s32 $0x2380, s18  }
0x143: {  	[tilespmem:s6], [sflag:$0x8] =	stream.indirect.gather [hbm4b:s3+s23], $0x80, s20, s23, $0xb8;
	[tilespmem:$0x1D000] =	vst v63  }
0x144: {  	_ =	swait.ge [sflag:s7], $0x4000  }
0x145: {  	[sflag:s7] =	ssyncset.done $0x0  }
0x146: {  	[sflag:s7] =	ssyncadd.s32 $0xFFFFC000  }
0x147: {  	_ =	swait.ge [sflag:s8], $0x2400  }
0x148: {  	[sflag:s8] =	ssyncset.done $0x0  }
0x149: {  	s1 =	rddreg [dreg:$0xa];
	[sflag:s8] =	ssyncadd.s32 $0xFFFFDC00  }
0x14a: {  	[hbm4b:s1+s2] =	stream.linear.scatter [tilespmem:s22], [sflag:$0x9], $0x6400, $0x38;
	[tilespmem:$0x1D000] =	vst v63  }
0x14b: {  	_ =	swait.ge [sflag:s9], $0x4000  }
0x14c: {  	[sflag:s9] =	ssyncset.done $0x0  }
0x14d: {  	[sflag:s9] =	ssyncadd.s32 $0xFFFFC000  }
0x14e: {  	_ =	swait.ge [sflag:s10], $0x2400  }
0x14f: {  	[sflag:s10] =	ssyncset.done $0x0  }
0x150: {  	s20 =	rddreg [dreg:$0xb];
	[sflag:s10] =	ssyncadd.s32 $0xFFFFDC00  }
0x151: {  	[hbm4b:s20+s2] =	stream.linear.scatter [tilespmem:s25], [sflag:$0xA], $0x6400, $0x38;
	[tilespmem:$0x1D000] =	vst v63  }
0x152: {  	_ =	swait.ge [sflag:s11], $0x4000  }
0x153: {  	[sflag:s11] =	ssyncset.done $0x0  }
0x154: {  	[sflag:s11] =	ssyncadd.s32 $0xFFFFC000  }
0x155: {  	_ =	swait.ge [sflag:s12], $0x2400  }
0x156: {  	[sflag:s12] =	ssyncset.done $0x0  }
0x157: {  	s5 =	rddreg [dreg:$0xc];
	[sflag:s12] =	ssyncadd.s32 $0xFFFFDC00  }
0x158: {  	[hbm4b:s5+s2] =	stream.linear.scatter [tilespmem:s30], [sflag:$0xB], $0x6400, $0x38;
	[tilespmem:$0x1D000] =	vst v63  }
0x159: {  	_ =	swait.ge [sflag:s13], $0x4000  }
0x15a: {  	[sflag:s13] =	ssyncset.done $0x0  }
0x15b: {  	[sflag:s13] =	ssyncadd.s32 $0xFFFFC000  }
0x15c: {  	_ =	swait.ge [sflag:s14], $0x2400  }
0x15d: {  	[sflag:s14] =	ssyncset.done $0x0  }
0x15e: {  	s18 =	rddreg [dreg:$0xd];
	[sflag:s14] =	ssyncadd.s32 $0xFFFFDC00  }
0x15f: {  	[hbm4b:s18+s2] =	stream.linear.scatter [tilespmem:s4], [sflag:$0xC], $0x6400, $0x38;
	[tilespmem:$0x1D000] =	vst v63  }
0x160: {  	_ =	swait.ge [sflag:s16], $0x6400  }
0x161: {  	[sflag:s16] =	ssyncset.done $0x0  }
0x162: {  	[sflag:s16] =	ssyncadd.s32 $0xFFFF9C00  }
0x163: {  	_ =	swait.ge [sflag:s17], $0x6400  }
0x164: {  	[sflag:s17] =	ssyncset.done $0x0  }
0x165: {  	[sflag:s17] =	ssyncadd.s32 $0xFFFF9C00  }
0x166: {  	_ =	swait.ge [sflag:s26], $0x6400  }
0x167: {  	[sflag:s26] =	ssyncset.done $0x0  }
0x168: {  	[sflag:s26] =	ssyncadd.s32 $0xFFFF9C00  }
0x169: {  	_ =	swait.ge [sflag:s29], $0x6400  }
0x16a: {  	s31 =	sadd.s32 $0x1, s31;
	s20 =	rddreg [dreg:$0xe]  }
0x16b: {  	p0 =	sne.s32 s31, s20  }
.Ltmp2:
0x16c: {  	_ = 	snop;
	(pc) =	sbr.rel @p0 .LBB2_1-.Ltmp2, $3  }
0x16d: {  	_ =	sdelay $0x1  }
0x16e: {  	[sflag:s29] =	ssyncset.done $0x0  }
0x16f: {  	[sflag:s29] =	ssyncadd.s32 $0xFFFF9C00  }
0x170: {  	_ =	sfence.sel $0x180000  }
0x171: {  	[bflag:$0x0] =	sbarrier.arrive $0xFFFF  }
0x172: {  	_ =	strace $0x90000047  }
0x173: {  	s0 =	stileid.u32;
	[bflag:$0x2] =	sbarrier.arrive $0xFFFF  }
0x174: {  	p0 =	sne.s32 s0, $0x0;
	s0 =	rddreg [dreg:$0x1]  }
0x175: {  	s0 =	sadd.s32 @!p0 $0x100000, s0  }
0x176: {  	[sflag:s0] =	ssyncadd.tile.s32 @!p0 $0x1;
	_ =	shalt  }
.Lfunc_end2:
_tile_overlayer_lowered:
.L_overlay_start_2:
0x177: {  	(tag) =	ssettag $0x2  }
0x178: {  	s0 =	rddreg [dreg:$0x0];
	s2 =	stileid.u32  }
0x179: {  	s1 =	rddreg [dreg:$0x1];
	p0 =	sne.s32 s2, $0x0  }
0x17a: {  	s3 =	rddreg [dreg:$0x2];
	[bflag:$0x3] =	sbarrier.arrive $0xFFFF;
	s2 =	simm.s32 @!p0 $0x1C0D  }
0x17b: {  	[timem:s3], [sflag:s2] =	dma.local @!p0 [hbm:s0], s1  }
0x17c: {  	s0 =	simm.s32 @!p0 $0xD  }
0x17d: {  	_ =	swait.ge @!p0 [sflag:s0], s1  }
0x17e: {  	s1 =	ssub.s32 @!p0 $0x0, s1;
	[sflag:s0] =	ssyncset.done @!p0 $0x0  }
0x17f: {  	[sflag:s0] =	ssyncadd.s32 @!p0 s1  }
0x180: {  	[bflag:$0x3] =	sbarrier.arrive $0xFFFF  }
0x181: {  	_ =	shalt  }

// kernel: sparse-core-data-format-call.cloned.1.call-start
scs
called_computation_lowered:
.L_overlay_start_0:
0x0: {  	s2 =	sld [smem:$0x3FD9]  }
0x1: {  	s3 =	sld [smem:$0x3FFE];
	_ =	sdelay $0x1  }
0x2: {  	s1 =	srdreg.scid  }
0x3: {  	s0 =	sand.u32 $0x1, s1  }
0x4: {  	s18 =	sshll.u32 s0, $0xA;
	s2 =	sadd.s32 s3, s2  }
0x5: {  	s2 =	sadd.s32 s2, s18  }
0x6: {  	[smem:$0x3FC6] =	sst s2  }
0x7: {  	_ = 	snop  }
0x8: {  	s2 =	sld [smem:$0x3FD0];
	(tm) =	ssettm $0x1  }
0x9: {  	s19 =	sld [smem:$0x3FFB];
	_ =	sdelay $0x3  }
0xa: {  	_ =	strace s19  }
0xb: {  	s3 =	sld [smem:$0x3FFC];
	_ =	sdelay $0x3  }
0xc: {  	_ =	strace s3  }
0xd: {  	s3 =	sld [smem:$0x3FFD];
	_ =	sdelay $0x3  }
0xe: {  	_ =	strace s3  }
0xf: {  	_ =	strace $0x8FFFFFFF  }
0x10: {  	s20 =	sld [smem:$0x3FDB];
	_ =	sdelay $0x1  }
0x11: {  	s4 =	simm.s32 $_scs_section_size  }
0x12: {  	s5 =	simm.s32 $_size__tile_overlayer_lowered;
	s6 =	simm.s32 $_tile_overlayer_lowered  }
0x13: {  	s23 =	simm.s32 $0x1BFF;
	s22 =	sshll.u32 s6, $0x1;
	s3 =	sadd.s32 s4, s20  }
0x14: {  	s7 =	simm.s32 $0x0;
	s21 =	sshll.u32 s5, $0x1;
	s5 =	sadd.s32 s22, s3  }
0x15: {  	[timem:s7], [sflag:s23] =	dma.local [hbm:s5], s21  }
0x16: {  	_ =	swait.ge [sflag:s23], s21  }
0x17: {  	s4 =	ssub.s32 $0x0, s21;
	[sflag:s23] =	ssyncset.done $0x0  }
0x18: {  	[sflag:s23] =	ssyncadd.s32 s4;
	_ =	sdelay $0x1  }
0x19: {  	s24 =	simm.s32 $0x1B8B  }
0x1a: {  	_ =	swait.ge [sflag:s24], $0x1  }
0x1b: {  	[sflag:s24] =	ssyncset.done $0x0  }
0x1c: {  	s26 =	simm.s32 $0x1B8E;
	s25 =	sld [smem:$0x3FFE];
	[sflag:s24] =	ssyncadd.s32 $0xFFFFFFFF  }
0x1d: {  	s27 =	simm.s32 $execute0_lowered;
	[smem:$0x3FD2] =	sst s26  }
0x1e: {  	s5 =	sshll.u32 s27, $0x1;
	_ =	strace $0x80000049;
	[dreg:$0x1] =	wrdreg $0xFFFFFFFF  }
0x1f: {  	s28 =	simm.s32 $_size_execute0_lowered;
	s3 =	sadd.s32 s3, s5;
	[dreg:$0x0] =	wrdreg $0x0  }
0x20: {  	s5 =	sshll.u32 s28, $0x1;
	[dreg:$0x2] =	wrdreg s3  }
0x21: {  	[dreg:$0x3] =	wrdreg s5  }
0x22: {  	[dreg:$0x4] =	wrdreg $0xC0  }
0x23: {  	_ =	task [dreg:s7], $0x5FFFF  }
0x24: {  	[dreg:$0x1] =	wrdreg $0xFFFFFFFF  }
0x25: {  	[dreg:$0x0] =	wrdreg $0x60  }
0x26: {  	[dreg:$0x2] =	wrdreg s25  }
0x27: {  	[dreg:$0x3] =	wrdreg s2  }
0x28: {  	[dreg:$0x4] =	wrdreg $0x9  }
0x29: {  	_ =	task.clear_ibuf [dreg:s7], $0x5FFFF;
	_ =	strace $0x90000049  }
0x2a: {  	s29 =	simm.s32 $0x9;
	_ =	strace $0x8000004B  }
0x2b: {  	_ =	swait.ge [sflag:s29], $0x1  }
0x2c: {  	[sflag:s29] =	ssyncadd.s32 $0xFFFFFFFF  }
0x2d: {  	_ =	strace $0x9000004B  }
0x2e: {  	_ =	sfence  }
0x2f: {  	s30 =	sld [smem:$0x0];
	_ =	sdelay $0x2  }
0x30: {  	s31 =	sshll.u32 s1, $0xD;
	s1 =	sshrl.u32 s1, $0x2  }
0x31: {  	s3 =	sand.u32 $0x4000, s31;
	s1 =	sadd.s32 s1, s30  }
0x32: {  	s0 =	sor.u32 s3, s0;
	s1 =	sshll.u32 s1, $0x11  }
0x33: {  	s0 =	sor.u32 s1, s0  }
0x34: {  	s0 =	sadd.s32 $0x8F2B, s0  }
0x35: {  	[sflag:s0] =	ssyncadd.remote.s32 $0x1  }
0x36: {  	_ =	sfence.sel $0xFFFF  }
0x37: {  	[dreg:$0x0] =	wrdreg $0xFFFFFFFF;
	(pc) =	sbr.abs _section_cstart, $3  }
0x38: {  	[dreg:$0x1] =	wrdreg $0xFFFFFFFF  }
0x39: {  	_ =	task.clear_ibuf [dreg:s7], $0x2FFFF;
	_ =	strace $0x9FFFFFFF  }
0x3a: {  	(tm) =	ssettm $0x7FFFFFFF  }
0x3b: {  	_ =	shalt  }
tec
execute0_lowered:
.L_overlay_start_1:
0x0: {  	(tag) =	ssettag $0x1  }
0x1: {  	s0 =	srdreg.scid  }
0x2: {  	s1 =	sshll.u32 s0, $0x4  }
0x3: {  	s6 =	rddreg [dreg:$0x0];
	s0 =	stileid.u32;
	s1 =	sand.u32 $0x10, s1  }
0x4: {  	s3 =	rddreg [dreg:$0x1];
	s1 =	sor.u32 s0, s1  }
0x5: {  	s5 =	simm.s32 $0x1;
	s31 =	simm.s32 $0x2;
	s2 =	sshll.u32 s1, $0x7  }
0x6: {  	s15 =	simm.s32 $0x0;
	s8 =	simm.s32 $0xC8000;
	s4 =	ssub.s32 $0x1000, s2  }
0x7: {  	s14 =	simm.s32 $0x0;
	s9 =	simm.s32 $0x0;
	s30 =	sand.u32 $0xF80, s4  }
0x8: {  	s10 =	simm.s32 $0x0;
	s11 =	simm.s32 $0x0;
	p0 =	sne.s32 s30, $0x0  }
.Ltmp0:
0x9: {  	s7 =	sshrl.u32 s4, $0xC;
	s5 =	simm.s32 @!p0 $0x0;
	(pc) =	sbr.rel .LBB1_1-.Ltmp0, $4  }
0xa: {  	s13 =	simm.s32 $0x0;
	s1 =	rddreg [dreg:$0x2];
	s5 =	sadd.s32 s5, s7  }
0xb: {  	_ =	strace $0x8000004A;
	s4 =	simm.s32 $0x1;
	s5 =	smul.u32 $0xC8, s5  }
0xc: {  	s6 =	sadd.s32 $0x63B800, s6;
	s12 =	smov.u32 s2;
	[sflag:s4] =	ssyncpa.u1 $0x0  }
0xd: {  	[sflag:s31] =	ssyncpa.u1 $0x0;
	p0 =	por $0x0, $0x0;
	s7 =	sor.u32 $0x1, s5  }
.LBB1_4:
0xe: {  	s20 =	sshra.s32 s20, $0x2;
	s27 =	sshll.u32 s9, $0xC  }
0xf: {  	s21 =	sand.u32 $0x78, s10;
	s22 =	sshll.u32 s10, $0x3;
	s24 =	sshll.u32 s9, $0x7  }
0x10: {  	p1 =	sgt.s32 s9, $0xC7;
	s30 =	sshra.s32 s9, $0x1F;
	s25 =	sshra.s32 s10, $0x1F  }
0x11: {  	s19 =	sadd.s32 s20, s19;
	s20 =	sand.u32 $0xFFFF8000, s27;
	s23 =	sand.u32 $0xFFFFFC00, s22  }
0x12: {  	v5 =	vld [tilespmem:s17+$0xFFFFFFD0];
	[tilespmem:s18+$0x2040 ss:$0x81] =	vst.msk $0xffff, v4;
	s22 =	sand.u32 $0xC00, s22;
	s28 =	sand.u32 $0x380, s24;
	s31 =	sand.u32 s30, s9  }
0x13: {  	v58 =	vld [tilespmem:s17+$0xFFFFFFE0];
	[tilespmem:s18+$0x2850 ss:$0x81] =	vst.msk $0xffff, v3;
	s24 =	smov.u32 s10;
	s25 =	sand.u32 s25, s10;
	s20 =	sadd.s32 s23, s20  }
0x14: {  	v59 =	vld [tilespmem:s17+$0xFFFFFFF0];
	[tilespmem:s18+$0x3060 ss:$0x81] =	vst.msk $0xffff, v2;
	s21 =	sor.u32 s21, s22;
	s22 =	smov.u32 s9;
	s20 =	sshrl.u32 s20, $0xC  }
0x15: {  	v60 =	vld [tilespmem:s17+$0x0];
	[tilespmem:s18+$0x0 ss:$0x81] =	vst.msk $0xffff, v1;
	s22 =	simm.s32 @!p1 $0xC7;
	p1 =	sgt.s32 s10, $0xF80;
	s29 =	smulhi.u32 $0x147AE15, s20  }
0x16: {  	v61 =	vld [tilespmem:s17+$0x10];
	[tilespmem:s19+$0x3870 ss:$0x81] =	vst.msk $0xffff, v0;
	s21 =	sor.u32 s28, s21;
	s18 =	ssub.s32 s22, s31;
	s24 =	simm.s32 @!p1 $0xF80  }
0x17: {  	v62 =	vld [tilespmem:s17+$0x20];
	[tilespmem:s19+$0x810 ss:$0x81] =	vst.msk $0xffff, v5;
	s22 =	ssub.s32 s24, s25;
	s26 =	ssub.s32 $0xC8, s18;
	s23 =	smul.u32 $0xC8, s29  }
0x18: {  	v63 =	vld [tilespmem:s17+$0xFFFFFFC0];
	[tilespmem:s19+$0x1020 ss:$0x81] =	vst.msk $0xffff, v58;
	s27 =	sadd.s32 $0xFFFFFF39, s18;
	s18 =	smul.u32 $0x64, s26;
	s28 =	sadd.s32 $0xFFFFF080, s22  }
0x19: {  	[tilespmem:s19+$0x1830 ss:$0x81] =	vst.msk $0xffff, v59;
	p1 =	sgt.s32 s27, $0x0;
	s17 =	ssub.s32 $0x1000, s22;
	p2 =	sgt.s32 s28, $0x7F  }
0x1a: {  	s30 =	sand.u32 $0x7, s10;
	[tilespmem:s19+$0x2040 ss:$0x81] =	vst.msk $0xffff, v60;
	s18 =	simm.s32 @p1 $0x0;
	s17 =	simm.s32 @p2 $0x0  }
0x1b: {  	[tilespmem:s19+$0x2850 ss:$0x81] =	vst.msk $0xffff, v61;
	s29 =	sshrl.u32 s21, $0x3;
	s20 =	ssub.s32 s20, s23;
	s17 =	smul.u32 s17, s18  }
0x1c: {  	[tilespmem:s19+$0x3060 ss:$0x81] =	vst.msk $0xffff, v62;
	s21 =	sshll.u32 s30, $0x12;
	s20 =	sshll.u32 s20, $0x9;
	s18 =	sadd.s32 s3, s29  }
0x1d: {  	[tilespmem:s19+$0x0 ss:$0x81] =	vst.msk $0xffff, v63;
	s31 =	sor.u32 $0x80, s21;
	s18 =	sadd.s32 s20, s18;
	s17 =	sand.u32 $0x3FFFFFFC, s17  }
0x1e: {  	[hbm4b:s18+s31] =	stream.strided.scatter [tilespmem:s16], [sflag:$0x2], s17, s8, s31, $0x20;
	[tilespmem:$0x10100] =	vst v63  }
.LBB1_5:
0x1f: {  	p1 =	slt.u32 s13, $0x2  }
0x20: {  	s17 =	smov.u32 s15;
	p2 =	sgt.s32 @!p1 s15, $0xC7;
	s16 =	sshra.s32 @!p1 s15, $0x1F  }
0x21: {  	p3 =	sgt.s32 @!p1 s14, $0xF80;
	s18 =	sshra.s32 @!p1 s14, $0x1F;
	p2 =	por !p2, p1  }
0x22: {  	s15 =	sand.u32 @!p1 s16, s15;
	p3 =	por !p3, p1;
	s16 =	smov.u32 s14  }
0x23: {  	s14 =	sand.u32 @!p1 s18, s14;
	s17 =	simm.s32 @p2 $0xC7;
	s16 =	simm.s32 @p3 $0xF80  }
0x24: {  	s18 =	smov.u32 s12;
	s15 =	ssub.s32 @!p1 s17, s15;
	s14 =	ssub.s32 @!p1 s16, s14  }
0x25: {  	s16 =	sadd.s32 @!p1 $0xFFFFFF39, s15;
	s15 =	ssub.s32 @!p1 $0xC8, s15;
	s17 =	sadd.s32 @!p1 $0xFFFFF080, s14  }
0x26: {  	p2 =	sgt.s32 @!p1 s16, $0x0;
	s15 =	smul.u32 @!p1 $0x64, s15;
	p3 =	sgt.s32 @!p1 s17, $0x7F  }
0x27: {  	s14 =	ssub.s32 @!p1 $0x1000, s14;
	p2 =	por !p2, p1;
	p3 =	por !p3, p1  }
0x28: {  	s16 =	sadd.s32 $0x1, s11;
	s15 =	simm.s32 @!p2 $0x0;
	s14 =	simm.s32 @!p3 $0x0  }
0x29: {  	p2 =	sgt.s32 s16, $0xC7;
	s14 =	smul.u32 @!p1 s14, s15;
	s15 =	sadd.s32 $0x1000, s12  }
0x2a: {  	s18 =	smov.u32 @p2 s15  }
0x2b: {  	s16 =	simm.s32 @p2 $0x0;
	p2 =	sgt.s32 s18, $0xFFF  }
0x2c: {  	s18 =	smov.u32 @p2 s2;
	p2 =	sne.s32 s13, s7  }
.Ltmp1:
0x2d: {  	p0 =	por !p0, !p0;
	s17 =	simm.s32 @!p1 $0x2;
	(pc) =	sbr.rel @!p2 .LBB1_6-.Ltmp1, $4  }
0x2e: {  	s15 =	smov.u32 s9;
	s9 =	smov.u32 s11;
	s14 =	sand.u32 @!p1 $0x3FFFFFFC, s14  }
0x2f: {  	s11 =	smov.u32 s16;
	_ =	swait.ge @!p1 [sflag:s17], s14;
	s19 =	ssub.s32 @!p1 $0x0, s14  }
0x30: {  	s14 =	smov.u32 s10;
	s13 =	sadd.s32 $0x1, s13;
	[sflag:s17] =	ssyncset.done @!p1 $0x0  }
0x31: {  	s10 =	smov.u32 s12;
	s12 =	smov.u32 s18;
	[sflag:s17] =	ssyncadd.s32 @!p1 s19  }
.LBB1_1:
0x32: {  	p1 =	sge.u32 s13, s5  }
0x33: {  	s16 =	sand.u32 @!p1 $0x1FFFFFF, s11  }
0x34: {  	s17 =	smulhi.u32 @!p1 $0x147AE15, s16;
	_ =	sdelay $0x1  }
0x35: {  	s17 =	smul.u32 @!p1 $0xC8, s17  }
0x36: {  	s18 =	sxor.u32 @!p1 $0xFFFFFFFF, s13;
	s19 =	smul.u32 @!p1 $0xC80, s12  }
0x37: {  	s31 =	sadd.s32 $0xFFFFFFFF, s13;
	s18 =	sshll.u32 @!p1 s18, $0xE;
	s16 =	ssub.s32 @!p1 s16, s17  }
0x38: {  	s17 =	sand.u32 @!p1 $0x4000, s18;
	s18 =	sadd.s32 @!p1 s6, s19;
	s16 =	sshll.u32 @!p1 s16, $0x4  }
0x39: {  	s19 =	simm.s32 @!p1 $0x6400;
	s16 =	sadd.s32 @!p1 s16, s18;
	s18 =	simm.s32 @!p1 $0x80  }
0x3a: {  	[tilespmem:s17], [sflag:$0x1] =	stream.strided.gather @!p1 [hbm4b:s16+s18], $0x4000, s19, s18, $0x38;
	[tilespmem:$0x10100] =	vst v63  }
0x3b: {  	p1 =	sge.u32 s31, s5  }
.Ltmp2:
0x3c: {  	_ = 	snop;
	(pc) =	sbr.rel @p1 .LBB1_5-.Ltmp2, $1  }
0x3d: {  	_ =	sdelay $0x3  }
0x3e: {  	s16 =	simm.s32 $0x1  }
0x3f: {  	_ =	swait.ge [sflag:s4], $0x4000;
	s16 =	simm.s32 @!p0 $0x0  }
0x40: {  	[sflag:s4] =	ssyncset.done $0x0;
	s17 =	sshll.u32 s16, $0xE  }
0x41: {  	[sflag:s4] =	ssyncadd.s32 $0xFFFFC000;
	s17 =	sor.u32 $0x40, s17  }
0x42: {  	s16 =	smul.u32 $0x10200, s16;
	v0 =	vld [tilespmem:s17+$0x30]  }
0x43: {  	v1 =	vld [tilespmem:s17+$0xFFFFFFD0]  }
0x44: {  	s16 =	sshrl.u32 s16, $0x2;
	v5 =	vld [tilespmem:s17+$0xFFFFFFE0]  }
0x45: {  	v6 =	vld [tilespmem:s17+$0xFFFFFFF0];
	s19 =	sor.u32 $0x8000, s16  }
0x46: {  	s31 =	sand.u32 $0x1, s13;
	v4 =	vld [tilespmem:s17+$0x0];
	s18 =	sadd.s32 $0x0, s19  }
0x47: {  	v3 =	vld [tilespmem:s17+$0x10];
	s16 =	smul.u32 $0x10200, s31;
	[tilespmem:s18+$0x3870 ss:$0x81] =	vst.msk $0xffff, v0  }
0x48: {  	v2 =	vld [tilespmem:s17+$0x20];
	[tilespmem:s18+$0x810 ss:$0x81] =	vst.msk $0xffff, v1  }
0x49: {  	s16 =	sshrl.u32 s16, $0x2;
	v1 =	vld [tilespmem:s17+$0xFFFFFFC0];
	[tilespmem:s18+$0x1020 ss:$0x81] =	vst.msk $0xffff, v5;
	s17 =	sadd.s32 $0x80, s17  }
0x4a: {  	s20 =	simm.s32 $0x4;
	s21 =	simm.s32 $0x8;
	s16 =	sor.u32 $0x8000, s16;
	[tilespmem:s18+$0x1830 ss:$0x81] =	vst.msk $0xffff, v6;
	v0 =	vld [tilespmem:s17+$0x30]  }
.LBB1_3:
0x4b: {  	p1 =	sne.s32 s21, $0x1FC;
	v5 =	vld [tilespmem:s17+$0xFFFFFFD0];
	[tilespmem:s18+$0x2040 ss:$0x81] =	vst.msk $0xffff, v4  }
0x4c: {  	v6 =	vld [tilespmem:s17+$0xFFFFFFE0];
	[tilespmem:s18+$0x2850 ss:$0x81] =	vst.msk $0xffff, v3  }
0x4d: {  	s22 =	sshra.s32 s20, $0x2;
	s20 =	smov.u32 s21;
	v7 =	vld [tilespmem:s17+$0xFFFFFFF0];
	[tilespmem:s18+$0x3060 ss:$0x81] =	vst.msk $0xffff, v2  }
.Ltmp3:
0x4e: {  	v4 =	vld [tilespmem:s17+$0x0];
	[tilespmem:s18+$0x0 ss:$0x81] =	vst.msk $0xffff, v1;
	s18 =	sadd.s32 s22, s19;
	(pc) =	sbr.rel @p1 .LBB1_3-.Ltmp3, $4  }
0x4f: {  	v3 =	vld [tilespmem:s17+$0x10];
	[tilespmem:s18+$0x3870 ss:$0x81] =	vst.msk $0xffff, v0  }
0x50: {  	[tilespmem:s18+$0x810 ss:$0x81] =	vst.msk $0xffff, v5;
	v2 =	vld [tilespmem:s17+$0x20]  }
0x51: {  	v1 =	vld [tilespmem:s17+$0xFFFFFFC0];
	[tilespmem:s18+$0x1020 ss:$0x81] =	vst.msk $0xffff, v6;
	s17 =	sadd.s32 $0x80, s17  }
0x52: {  	s21 =	sadd.s32 $0x4, s21;
	v0 =	vld [tilespmem:s17+$0x30];
	[tilespmem:s18+$0x1830 ss:$0x81] =	vst.msk $0xffff, v7  }
.Ltmp4:
0x53: {  	_ = 	snop;
	(pc) =	sbr.rel .LBB1_4-.Ltmp4, $1  }
0x54: {  	_ =	sdelay $0x3  }
.LBB1_6:
0x55: {  	_ =	sfence.sel $0x180000  }
0x56: {  	s2 =	simm.s32 $0x1;
	[bflag:$0x0] =	sbarrier.arrive $0xFFFF  }
0x57: {  	s31 =	simm.s32 $0x2;
	[sflag:s2] =	ssyncpa.u1 $0x1  }
0x58: {  	[sflag:s31] =	ssyncpa.u1 $0x1  }
0x59: {  	p0 =	sne.s32 s0, $0x0;
	_ =	strace $0x9000004A  }
0x5a: {  	s0 =	sadd.s32 @!p0 $0x100000, s1;
	[bflag:$0x2] =	sbarrier.arrive $0xFFFF  }
0x5b: {  	[sflag:s0] =	ssyncadd.tile.s32 @!p0 $0x1;
	_ =	shalt  }
.Lfunc_end1:
_tile_overlayer_lowered:
.L_overlay_start_2:
0x5c: {  	(tag) =	ssettag $0x2  }
0x5d: {  	s0 =	rddreg [dreg:$0x0];
	s2 =	stileid.u32  }
0x5e: {  	s1 =	rddreg [dreg:$0x1];
	p0 =	sne.s32 s2, $0x0  }
0x5f: {  	s3 =	rddreg [dreg:$0x2];
	[bflag:$0x3] =	sbarrier.arrive $0xFFFF;
	s2 =	simm.s32 @!p0 $0x1C01  }
0x60: {  	[timem:s3], [sflag:s2] =	dma.local @!p0 [hbm:s0], s1  }
0x61: {  	s0 =	simm.s32 @!p0 $0x1  }
0x62: {  	_ =	swait.ge @!p0 [sflag:s0], s1  }
0x63: {  	s1 =	ssub.s32 @!p0 $0x0, s1;
	[sflag:s0] =	ssyncset.done @!p0 $0x0  }
0x64: {  	[sflag:s0] =	ssyncadd.s32 @!p0 s1  }
0x65: {  	[bflag:$0x3] =	sbarrier.arrive $0xFFFF  }
0x66: {  	_ =	shalt  }

</sc_bundles>
